<compile_context>
chip_gen: v7x
topology: tpu7x:2x2x1
jax: 0.10.2.dev20260603
libtpu: 0.0.44.dev20260713+nightly
codegen_flags: <defaults>
</compile_context>

<pallas_src>
import functools

import jax
import jax.numpy as jnp
from jax import lax
from jax.experimental import pallas as pl
from jax.experimental.pallas import tpu as pltpu
from jax.experimental.pallas import tpu_sc as plsc

_NC = 2
_NS = 16
_NT = _NC * _NS


def _mesh():
    return plsc.VectorSubcoreMesh(
        core_axis_name="c", subcore_axis_name="s",
        num_cores=_NC, num_subcores=_NS)


def _sc_count(row3, ones_b, zb, *, NP, CH, NCHUNK):
    rows_per = NP // _NS
    LAG = 16

    @functools.partial(
        pl.kernel,
        out_type=jax.ShapeDtypeStruct((_NC, NP, 128), jnp.float32),
        mesh=_mesh(),
        scratch_types=[
            pltpu.VMEM((NCHUNK, CH), jnp.int32),
            pltpu.VMEM((CH, 128), jnp.float32),
            pltpu.VMEM_SHARED((NP, 128), jnp.float32),
            pltpu.SemaphoreType.DMA,
        ],
    )
    def k(row_h, ones_h, z_h, out_h, ridx, obuf, acc, ssem):
        cid = lax.axis_index("c")
        sid = lax.axis_index("s")
        tid = cid * _NS + sid
        pltpu.sync_copy(row_h.at[tid], ridx)
        pltpu.sync_copy(ones_h, obuf)
        r0 = sid * rows_per
        pltpu.sync_copy(z_h.at[pl.ds(r0, rows_per)], acc.at[pl.ds(r0, rows_per)])
        plsc.subcore_barrier()

        def body(j, carry):
            pltpu.async_copy(obuf, acc.at[ridx.at[j]], ssem, add=True)

            @pl.when(j >= LAG)
            def _():
                pltpu.make_async_copy(obuf, acc.at[ridx.at[0]], ssem).wait()

            return carry

        lax.fori_loop(0, NCHUNK, body, 0)

        def drain(j, carry):
            pltpu.make_async_copy(obuf, acc.at[ridx.at[0]], ssem).wait()
            return carry

        lax.fori_loop(0, min(LAG, NCHUNK), drain, 0)
        plsc.subcore_barrier()
        pltpu.sync_copy(acc.at[pl.ds(r0, rows_per)],
                        out_h.at[cid, pl.ds(r0, rows_per)])

    return k(row3, ones_b, zb)


def _sc_spmm(y, row_f, col_f, zfull, *, NP, D, CH, NCHUNK):
    rows_per = NP // _NS
    NB = 4
    NG = NCHUNK // NB
    REM = NCHUNK - NG * NB

    @functools.partial(
        pl.kernel,
        out_type=jax.ShapeDtypeStruct((_NC, NP, D), jnp.float32),
        mesh=_mesh(),
        scratch_types=[
            pltpu.VMEM((NB, CH), jnp.int32),
            pltpu.VMEM((NB, CH), jnp.int32),
            *[pltpu.VMEM((CH, D), jnp.float32) for _ in range(NB)],
            pltpu.VMEM_SHARED((NP, D), jnp.float32),
            *[pltpu.SemaphoreType.DMA for _ in range(3 * NB)],
        ],
    )
    def k(y_h, row_h, col_h, z_h, out_h, rbuf, cbuf, b0, b1, b2, b3, acc,
          g0, g1, g2, g3, s0, s1, s2, s3, i0, i1, i2, i3):
        bufs = [b0, b1, b2, b3]
        gsems = [g0, g1, g2, g3]
        ssems = [s0, s1, s2, s3]
        isems = [i0, i1, i2, i3]
        cid = lax.axis_index("c")
        sid = lax.axis_index("s")
        tid = cid * _NS + sid
        r0 = sid * rows_per

        def idx_start(j, b):
            pltpu.async_copy(row_h.at[tid, j], rbuf.at[b], isems[b])
            pltpu.async_copy(col_h.at[tid, j], cbuf.at[b], isems[b])

        def idx_wait(b):
            pltpu.make_async_copy(row_h.at[0, 0], rbuf.at[b], isems[b]).wait()
            pltpu.make_async_copy(row_h.at[0, 0], cbuf.at[b], isems[b]).wait()

        for b in range(NB):
            idx_start(b, b)
        pltpu.sync_copy(z_h.at[pl.ds(r0, rows_per)], acc.at[pl.ds(r0, rows_per)])
        plsc.subcore_barrier()

        def group(g, carry):
            for b in range(NB):
                idx_wait(b)
                pltpu.async_copy(y_h.at[cbuf.at[b]], bufs[b], gsems[b])
            for b in range(NB):
                pltpu.make_async_copy(y_h.at[cbuf.at[b]], bufs[b], gsems[b]).wait()
                pltpu.async_copy(bufs[b], acc.at[rbuf.at[b]], ssems[b], add=True)
            for b in range(NB):
                jn = g * NB + b + NB

                @pl.when(jn < NCHUNK)
                def _(b=b, jn=jn):
                    pltpu.make_async_copy(bufs[b], acc.at[rbuf.at[b]], ssems[b]).wait()
                    idx_start(jn, b)

            return carry

        lax.fori_loop(0, NG, group, 0)
        for t in range(REM):
            idx_wait(t)
            pltpu.async_copy(y_h.at[cbuf.at[t]], bufs[t], gsems[t])
        for t in range(REM):
            pltpu.make_async_copy(y_h.at[cbuf.at[t]], bufs[t], gsems[t]).wait()
            pltpu.async_copy(bufs[t], acc.at[rbuf.at[t]], ssems[t], add=True)
        for j in range(max(0, NCHUNK - NB), NCHUNK):
            b = j % NB
            pltpu.make_async_copy(bufs[b], acc.at[rbuf.at[b]], ssems[b]).wait()
        plsc.subcore_barrier()
        pltpu.sync_copy(acc.at[pl.ds(r0, rows_per)],
                        out_h.at[cid, pl.ds(r0, rows_per)])

    return k(y, row_f, col_f, zfull)


def _tc_pre(degp, x, *, BR=2000):
    N, D = x.shape

    def body(da_ref, db_ref, x_ref, y_ref, s_ref, s2_ref):
        deg = da_ref[0, :, 0:1] + db_ref[0, :, 0:1] + 1.0
        s = lax.rsqrt(deg)
        y_ref[...] = x_ref[...] * s
        s_ref[...] = s
        s2_ref[...] = s * s

    return pl.pallas_call(
        body,
        grid=(N // BR,),
        in_specs=[
            pl.BlockSpec((1, BR, 128), lambda i: (0, i, 0)),
            pl.BlockSpec((1, BR, 128), lambda i: (1, i, 0)),
            pl.BlockSpec((BR, D), lambda i: (i, 0)),
        ],
        out_specs=[
            pl.BlockSpec((BR, D), lambda i: (i, 0)),
            pl.BlockSpec((BR, 1), lambda i: (i, 0)),
            pl.BlockSpec((BR, 1), lambda i: (i, 0)),
        ],
        out_shape=[
            jax.ShapeDtypeStruct((N, D), jnp.float32),
            jax.ShapeDtypeStruct((N, 1), jnp.float32),
            jax.ShapeDtypeStruct((N, 1), jnp.float32),
        ],
    )(degp, degp, x)


def _tc_post(f_col, zz, y, *, BR=2000):
    N, D = y.shape

    def body(f_ref, a_ref, b_ref, y_ref, o_ref):
        o_ref[...] = (a_ref[0] + b_ref[0] + y_ref[...]) * f_ref[...]

    return pl.pallas_call(
        body,
        grid=(N // BR,),
        in_specs=[
            pl.BlockSpec((BR, 1), lambda i: (i, 0)),
            pl.BlockSpec((1, BR, D), lambda i: (0, i, 0)),
            pl.BlockSpec((1, BR, D), lambda i: (1, i, 0)),
            pl.BlockSpec((BR, D), lambda i: (i, 0)),
        ],
        out_specs=pl.BlockSpec((BR, D), lambda i: (i, 0)),
        out_shape=jax.ShapeDtypeStruct((N, D), jnp.float32),
    )(f_col, zz, zz, y)


def kernel(x, edge_index):
    N, D = x.shape
    E = edge_index.shape[1]
    CH = 80
    EC = E // _NT
    NCHUNK = EC // CH
    NP = ((N + 16 * 16 - 1) // (16 * 16)) * (16 * 16)

    row3 = edge_index[0].reshape(_NT, NCHUNK, CH)
    col3 = edge_index[1].reshape(_NT, NCHUNK, CH)
    ones_b = jnp.ones((CH, 128), jnp.float32)
    zfull = jnp.zeros((NP, D), jnp.float32)

    degp = _sc_count(row3, ones_b, zfull, NP=NP, CH=CH, NCHUNK=NCHUNK)

    y, sv, s2v = _tc_pre(degp, x)
    z = _sc_spmm(y, row3, col3, zfull, NP=NP, D=D, CH=CH, NCHUNK=NCHUNK)
    y2 = _tc_post(s2v, z, y)
    w = _sc_spmm(y2, row3, col3, zfull, NP=NP, D=D, CH=CH, NCHUNK=NCHUNK)
    return _tc_post(sv, w, y2)

# --- scband reference (transcript-rebuilt; emitter-appended) ---
"""Pipeline reference for scband-adj-mp-69329362092561 (READ-ONLY COPY).

The authoritative reference and input builder live on the scoring server;
editing this copy changes nothing except your own understanding.
"""

import jax, jax.numpy as jnp
import numpy as np

N = 10000
E = 320000
D = 128
LAYER_NUM = 2


def setup_inputs(seed: int = 0) -> dict:
    key = jax.random.key(seed)
    k1, k2 = jax.random.split(key)
    x = jax.random.normal(k1, (N, D), dtype=jnp.float32)
    edge_index = jax.random.randint(k2, (2, E), 0, N, dtype=jnp.int32)
    # avoid explicit self-loops in the random edge list (set_diag handles the diagonal)
    row = edge_index[0]
    col = edge_index[1]
    col = jnp.where(row == col, (col + 1) % N, col)
    edge_index = jnp.stack([row, col], axis=0)
    return {"x": x, "edge_index": edge_index}


def reference(x, edge_index):
    # get_adj_from_data: adj = SparseTensor(row, col, sizes=(N, N)) with implicit value 1.0
    # normalize_adj: adj = adj.set_diag(); deg = adj.sum(dim=1); adj = D^{-1/2} A D^{-1/2}
    row = edge_index[0]
    col = edge_index[1]
    loop = jnp.arange(N, dtype=edge_index.dtype)
    r = jnp.concatenate([row, loop])
    c = jnp.concatenate([col, loop])
    vals = jnp.ones(r.shape[0], dtype=jnp.float32)
    deg = jax.ops.segment_sum(vals, r, num_segments=N)
    deg_inv_sqrt = deg ** (-0.5)
    norm_vals = deg_inv_sqrt[r] * vals * deg_inv_sqrt[c]
    # x_forward: layer_num rounds of x = adj @ x (SpMM: out[r] += val * x[c])
    out = x
    for _ in range(LAYER_NUM):
        out = jax.ops.segment_sum(norm_vals[:, None] * out[c], r, num_segments=N)
    return out

if __name__ == "__main__":
    import jax
    _d = setup_inputs()
    print(jax.jit(kernel)(*tuple(_d.values())))

</pallas_src>

<mosaic_0001>
#map = affine_map<(d0, d1) -> (0, 0)>
#map1 = affine_map<(d0, d1) -> (0, 0, 0)>
module attributes {stable_mosaic.version = 14 : i64} {
  func.func @k(%arg0: i32, %arg1: i32, %arg2: memref<10000x128xf32, #tpu.memory_space<hbm>>, %arg3: memref<32x125x80xi32, #tpu.memory_space<hbm>>, %arg4: memref<32x125x80xi32, #tpu.memory_space<hbm>>, %arg5: memref<10240x128xf32, #tpu.memory_space<hbm>>, %arg6: memref<2x10240x128xf32, #tpu.memory_space<hbm>>, %arg7: memref<4x80xi32, #tpu.memory_space<vmem>>, %arg8: memref<4x80xi32, #tpu.memory_space<vmem>>, %arg9: memref<80x128xf32, #tpu.memory_space<vmem>>, %arg10: memref<80x128xf32, #tpu.memory_space<vmem>>, %arg11: memref<80x128xf32, #tpu.memory_space<vmem>>, %arg12: memref<80x128xf32, #tpu.memory_space<vmem>>, %arg13: memref<10240x128xf32, #tpu.memory_space<vmem_shared>>, %arg14: memref<!tpu.dma_semaphore, #tpu.memory_space<semaphore_mem>>, %arg15: memref<!tpu.dma_semaphore, #tpu.memory_space<semaphore_mem>>, %arg16: memref<!tpu.dma_semaphore, #tpu.memory_space<semaphore_mem>>, %arg17: memref<!tpu.dma_semaphore, #tpu.memory_space<semaphore_mem>>, %arg18: memref<!tpu.dma_semaphore, #tpu.memory_space<semaphore_mem>>, %arg19: memref<!tpu.dma_semaphore, #tpu.memory_space<semaphore_mem>>, %arg20: memref<!tpu.dma_semaphore, #tpu.memory_space<semaphore_mem>>, %arg21: memref<!tpu.dma_semaphore, #tpu.memory_space<semaphore_mem>>, %arg22: memref<!tpu.dma_semaphore, #tpu.memory_space<semaphore_mem>>, %arg23: memref<!tpu.dma_semaphore, #tpu.memory_space<semaphore_mem>>, %arg24: memref<!tpu.dma_semaphore, #tpu.memory_space<semaphore_mem>>, %arg25: memref<!tpu.dma_semaphore, #tpu.memory_space<semaphore_mem>>) attributes {dimension_semantics = [#tpu.dimension_semantics<core_parallel>, #tpu.dimension_semantics<subcore_parallel>], iteration_bounds = array<i64: 2, 16>, scalar_prefetch = 0 : i64, scratch_operands = 19 : i64, tpu.core_type = #tpu.core_type<sc_vector_subcore>, window_params = [{transform_indices = #map}, {transform_indices = #map1}, {transform_indices = #map1}, {transform_indices = #map}, {transform_indices = #map1}]} {
    %mul3A = arith.constant 16 : i32
    %mul3A_0 = arith.muli %arg0, %mul3A : i32
    %add3A = arith.addi %mul3A_0, %arg1 : i32
    %mul3A_1 = arith.constant 640 : i32
    %mul3A_2 = arith.muli %arg1, %mul3A_1 : i32
    %dma_start3A = arith.constant 0 : i32
    %dma_start3A_3 = arith.constant 0 : i32
    %dma_start3A_4 = arith.constant 0 : i32
    %dma_start3A_5 = tpu.memref_slice %arg7[%dma_start3A_3, %dma_start3A_4] : memref<4x80xi32, #tpu.memory_space<vmem>> -> memref<1x80xi32, #tpu.memory_space<vmem>>
    %dma_start3A_6 = tpu.memref_squeeze %dma_start3A_5 : memref<1x80xi32, #tpu.memory_space<vmem>> -> memref<80xi32, #tpu.memory_space<vmem>>
    %dma_start3A_7 = arith.constant 0 : i32
    %dma_start3A_8 = tpu.memref_slice %arg3[%add3A, %dma_start3A, %dma_start3A_7] : memref<32x125x80xi32, #tpu.memory_space<hbm>> -> memref<1x1x80xi32, #tpu.memory_space<hbm>>
    %dma_start3A_9 = tpu.memref_squeeze %dma_start3A_8 : memref<1x1x80xi32, #tpu.memory_space<hbm>> -> memref<80xi32, #tpu.memory_space<hbm>>
    %dma_start3A_10 = arith.constant 0 : i32
    %dma_start3A_11 = tpu.memref_slice %arg7[%dma_start3A_3, %dma_start3A_10] : memref<4x80xi32, #tpu.memory_space<vmem>> -> memref<1x80xi32, #tpu.memory_space<vmem>>
    %dma_start3A_12 = tpu.memref_squeeze %dma_start3A_11 : memref<1x80xi32, #tpu.memory_space<vmem>> -> memref<80xi32, #tpu.memory_space<vmem>>
    %dma_start3A_13 = arith.constant 0 : i32
    %dma_start3A_14 = tpu.memref_slice %arg3[%add3A, %dma_start3A, %dma_start3A_13] : memref<32x125x80xi32, #tpu.memory_space<hbm>> -> memref<1x1x80xi32, #tpu.memory_space<hbm>>
    %dma_start3A_15 = tpu.memref_squeeze %dma_start3A_14 : memref<1x1x80xi32, #tpu.memory_space<hbm>> -> memref<80xi32, #tpu.memory_space<hbm>>
    tpu.enqueue_dma source(%dma_start3A_15 : memref<80xi32, #tpu.memory_space<hbm>>) target(%dma_start3A_12 : memref<80xi32, #tpu.memory_space<vmem>>) target_semaphore(%arg22 : memref<!tpu.dma_semaphore, #tpu.memory_space<semaphore_mem>>)
    %dma_start3A_16 = arith.constant 0 : i32
    %dma_start3A_17 = arith.constant 0 : i32
    %dma_start3A_18 = arith.constant 0 : i32
    %dma_start3A_19 = tpu.memref_slice %arg8[%dma_start3A_17, %dma_start3A_18] : memref<4x80xi32, #tpu.memory_space<vmem>> -> memref<1x80xi32, #tpu.memory_space<vmem>>
    %dma_start3A_20 = tpu.memref_squeeze %dma_start3A_19 : memref<1x80xi32, #tpu.memory_space<vmem>> -> memref<80xi32, #tpu.memory_space<vmem>>
    %dma_start3A_21 = arith.constant 0 : i32
    %dma_start3A_22 = tpu.memref_slice %arg4[%add3A, %dma_start3A_16, %dma_start3A_21] : memref<32x125x80xi32, #tpu.memory_space<hbm>> -> memref<1x1x80xi32, #tpu.memory_space<hbm>>
    %dma_start3A_23 = tpu.memref_squeeze %dma_start3A_22 : memref<1x1x80xi32, #tpu.memory_space<hbm>> -> memref<80xi32, #tpu.memory_space<hbm>>
    %dma_start3A_24 = arith.constant 0 : i32
    %dma_start3A_25 = tpu.memref_slice %arg8[%dma_start3A_17, %dma_start3A_24] : memref<4x80xi32, #tpu.memory_space<vmem>> -> memref<1x80xi32, #tpu.memory_space<vmem>>
    %dma_start3A_26 = tpu.memref_squeeze %dma_start3A_25 : memref<1x80xi32, #tpu.memory_space<vmem>> -> memref<80xi32, #tpu.memory_space<vmem>>
    %dma_start3A_27 = arith.constant 0 : i32
    %dma_start3A_28 = tpu.memref_slice %arg4[%add3A, %dma_start3A_16, %dma_start3A_27] : memref<32x125x80xi32, #tpu.memory_space<hbm>> -> memref<1x1x80xi32, #tpu.memory_space<hbm>>
    %dma_start3A_29 = tpu.memref_squeeze %dma_start3A_28 : memref<1x1x80xi32, #tpu.memory_space<hbm>> -> memref<80xi32, #tpu.memory_space<hbm>>
    tpu.enqueue_dma source(%dma_start3A_29 : memref<80xi32, #tpu.memory_space<hbm>>) target(%dma_start3A_26 : memref<80xi32, #tpu.memory_space<vmem>>) target_semaphore(%arg22 : memref<!tpu.dma_semaphore, #tpu.memory_space<semaphore_mem>>)
    %dma_start3A_30 = arith.constant 1 : i32
    %dma_start3A_31 = arith.constant 1 : i32
    %dma_start3A_32 = arith.constant 0 : i32
    %dma_start3A_33 = tpu.memref_slice %arg7[%dma_start3A_31, %dma_start3A_32] : memref<4x80xi32, #tpu.memory_space<vmem>> -> memref<1x80xi32, #tpu.memory_space<vmem>>
    %dma_start3A_34 = tpu.memref_squeeze %dma_start3A_33 : memref<1x80xi32, #tpu.memory_space<vmem>> -> memref<80xi32, #tpu.memory_space<vmem>>
    %dma_start3A_35 = arith.constant 0 : i32
    %dma_start3A_36 = tpu.memref_slice %arg3[%add3A, %dma_start3A_30, %dma_start3A_35] : memref<32x125x80xi32, #tpu.memory_space<hbm>> -> memref<1x1x80xi32, #tpu.memory_space<hbm>>
    %dma_start3A_37 = tpu.memref_squeeze %dma_start3A_36 : memref<1x1x80xi32, #tpu.memory_space<hbm>> -> memref<80xi32, #tpu.memory_space<hbm>>
    %dma_start3A_38 = arith.constant 0 : i32
    %dma_start3A_39 = tpu.memref_slice %arg7[%dma_start3A_31, %dma_start3A_38] : memref<4x80xi32, #tpu.memory_space<vmem>> -> memref<1x80xi32, #tpu.memory_space<vmem>>
    %dma_start3A_40 = tpu.memref_squeeze %dma_start3A_39 : memref<1x80xi32, #tpu.memory_space<vmem>> -> memref<80xi32, #tpu.memory_space<vmem>>
    %dma_start3A_41 = arith.constant 0 : i32
    %dma_start3A_42 = tpu.memref_slice %arg3[%add3A, %dma_start3A_30, %dma_start3A_41] : memref<32x125x80xi32, #tpu.memory_space<hbm>> -> memref<1x1x80xi32, #tpu.memory_space<hbm>>
    %dma_start3A_43 = tpu.memref_squeeze %dma_start3A_42 : memref<1x1x80xi32, #tpu.memory_space<hbm>> -> memref<80xi32, #tpu.memory_space<hbm>>
    tpu.enqueue_dma source(%dma_start3A_43 : memref<80xi32, #tpu.memory_space<hbm>>) target(%dma_start3A_40 : memref<80xi32, #tpu.memory_space<vmem>>) target_semaphore(%arg23 : memref<!tpu.dma_semaphore, #tpu.memory_space<semaphore_mem>>)
    %dma_start3A_44 = arith.constant 1 : i32
    %dma_start3A_45 = arith.constant 1 : i32
    %dma_start3A_46 = arith.constant 0 : i32
    %dma_start3A_47 = tpu.memref_slice %arg8[%dma_start3A_45, %dma_start3A_46] : memref<4x80xi32, #tpu.memory_space<vmem>> -> memref<1x80xi32, #tpu.memory_space<vmem>>
    %dma_start3A_48 = tpu.memref_squeeze %dma_start3A_47 : memref<1x80xi32, #tpu.memory_space<vmem>> -> memref<80xi32, #tpu.memory_space<vmem>>
    %dma_start3A_49 = arith.constant 0 : i32
    %dma_start3A_50 = tpu.memref_slice %arg4[%add3A, %dma_start3A_44, %dma_start3A_49] : memref<32x125x80xi32, #tpu.memory_space<hbm>> -> memref<1x1x80xi32, #tpu.memory_space<hbm>>
    %dma_start3A_51 = tpu.memref_squeeze %dma_start3A_50 : memref<1x1x80xi32, #tpu.memory_space<hbm>> -> memref<80xi32, #tpu.memory_space<hbm>>
    %dma_start3A_52 = arith.constant 0 : i32
    %dma_start3A_53 = tpu.memref_slice %arg8[%dma_start3A_45, %dma_start3A_52] : memref<4x80xi32, #tpu.memory_space<vmem>> -> memref<1x80xi32, #tpu.memory_space<vmem>>
    %dma_start3A_54 = tpu.memref_squeeze %dma_start3A_53 : memref<1x80xi32, #tpu.memory_space<vmem>> -> memref<80xi32, #tpu.memory_space<vmem>>
    %dma_start3A_55 = arith.constant 0 : i32
    %dma_start3A_56 = tpu.memref_slice %arg4[%add3A, %dma_start3A_44, %dma_start3A_55] : memref<32x125x80xi32, #tpu.memory_space<hbm>> -> memref<1x1x80xi32, #tpu.memory_space<hbm>>
    %dma_start3A_57 = tpu.memref_squeeze %dma_start3A_56 : memref<1x1x80xi32, #tpu.memory_space<hbm>> -> memref<80xi32, #tpu.memory_space<hbm>>
    tpu.enqueue_dma source(%dma_start3A_57 : memref<80xi32, #tpu.memory_space<hbm>>) target(%dma_start3A_54 : memref<80xi32, #tpu.memory_space<vmem>>) target_semaphore(%arg23 : memref<!tpu.dma_semaphore, #tpu.memory_space<semaphore_mem>>)
    %dma_start3A_58 = arith.constant 2 : i32
    %dma_start3A_59 = arith.constant 2 : i32
    %dma_start3A_60 = arith.constant 0 : i32
    %dma_start3A_61 = tpu.memref_slice %arg7[%dma_start3A_59, %dma_start3A_60] : memref<4x80xi32, #tpu.memory_space<vmem>> -> memref<1x80xi32, #tpu.memory_space<vmem>>
    %dma_start3A_62 = tpu.memref_squeeze %dma_start3A_61 : memref<1x80xi32, #tpu.memory_space<vmem>> -> memref<80xi32, #tpu.memory_space<vmem>>
    %dma_start3A_63 = arith.constant 0 : i32
    %dma_start3A_64 = tpu.memref_slice %arg3[%add3A, %dma_start3A_58, %dma_start3A_63] : memref<32x125x80xi32, #tpu.memory_space<hbm>> -> memref<1x1x80xi32, #tpu.memory_space<hbm>>
    %dma_start3A_65 = tpu.memref_squeeze %dma_start3A_64 : memref<1x1x80xi32, #tpu.memory_space<hbm>> -> memref<80xi32, #tpu.memory_space<hbm>>
    %dma_start3A_66 = arith.constant 0 : i32
    %dma_start3A_67 = tpu.memref_slice %arg7[%dma_start3A_59, %dma_start3A_66] : memref<4x80xi32, #tpu.memory_space<vmem>> -> memref<1x80xi32, #tpu.memory_space<vmem>>
    %dma_start3A_68 = tpu.memref_squeeze %dma_start3A_67 : memref<1x80xi32, #tpu.memory_space<vmem>> -> memref<80xi32, #tpu.memory_space<vmem>>
    %dma_start3A_69 = arith.constant 0 : i32
    %dma_start3A_70 = tpu.memref_slice %arg3[%add3A, %dma_start3A_58, %dma_start3A_69] : memref<32x125x80xi32, #tpu.memory_space<hbm>> -> memref<1x1x80xi32, #tpu.memory_space<hbm>>
    %dma_start3A_71 = tpu.memref_squeeze %dma_start3A_70 : memref<1x1x80xi32, #tpu.memory_space<hbm>> -> memref<80xi32, #tpu.memory_space<hbm>>
    tpu.enqueue_dma source(%dma_start3A_71 : memref<80xi32, #tpu.memory_space<hbm>>) target(%dma_start3A_68 : memref<80xi32, #tpu.memory_space<vmem>>) target_semaphore(%arg24 : memref<!tpu.dma_semaphore, #tpu.memory_space<semaphore_mem>>)
    %dma_start3A_72 = arith.constant 2 : i32
    %dma_start3A_73 = arith.constant 2 : i32
    %dma_start3A_74 = arith.constant 0 : i32
    %dma_start3A_75 = tpu.memref_slice %arg8[%dma_start3A_73, %dma_start3A_74] : memref<4x80xi32, #tpu.memory_space<vmem>> -> memref<1x80xi32, #tpu.memory_space<vmem>>
    %dma_start3A_76 = tpu.memref_squeeze %dma_start3A_75 : memref<1x80xi32, #tpu.memory_space<vmem>> -> memref<80xi32, #tpu.memory_space<vmem>>
    %dma_start3A_77 = arith.constant 0 : i32
    %dma_start3A_78 = tpu.memref_slice %arg4[%add3A, %dma_start3A_72, %dma_start3A_77] : memref<32x125x80xi32, #tpu.memory_space<hbm>> -> memref<1x1x80xi32, #tpu.memory_space<hbm>>
    %dma_start3A_79 = tpu.memref_squeeze %dma_start3A_78 : memref<1x1x80xi32, #tpu.memory_space<hbm>> -> memref<80xi32, #tpu.memory_space<hbm>>
    %dma_start3A_80 = arith.constant 0 : i32
    %dma_start3A_81 = tpu.memref_slice %arg8[%dma_start3A_73, %dma_start3A_80] : memref<4x80xi32, #tpu.memory_space<vmem>> -> memref<1x80xi32, #tpu.memory_space<vmem>>
    %dma_start3A_82 = tpu.memref_squeeze %dma_start3A_81 : memref<1x80xi32, #tpu.memory_space<vmem>> -> memref<80xi32, #tpu.memory_space<vmem>>
    %dma_start3A_83 = arith.constant 0 : i32
    %dma_start3A_84 = tpu.memref_slice %arg4[%add3A, %dma_start3A_72, %dma_start3A_83] : memref<32x125x80xi32, #tpu.memory_space<hbm>> -> memref<1x1x80xi32, #tpu.memory_space<hbm>>
    %dma_start3A_85 = tpu.memref_squeeze %dma_start3A_84 : memref<1x1x80xi32, #tpu.memory_space<hbm>> -> memref<80xi32, #tpu.memory_space<hbm>>
    tpu.enqueue_dma source(%dma_start3A_85 : memref<80xi32, #tpu.memory_space<hbm>>) target(%dma_start3A_82 : memref<80xi32, #tpu.memory_space<vmem>>) target_semaphore(%arg24 : memref<!tpu.dma_semaphore, #tpu.memory_space<semaphore_mem>>)
    %dma_start3A_86 = arith.constant 3 : i32
    %dma_start3A_87 = arith.constant 3 : i32
    %dma_start3A_88 = arith.constant 0 : i32
    %dma_start3A_89 = tpu.memref_slice %arg7[%dma_start3A_87, %dma_start3A_88] : memref<4x80xi32, #tpu.memory_space<vmem>> -> memref<1x80xi32, #tpu.memory_space<vmem>>
    %dma_start3A_90 = tpu.memref_squeeze %dma_start3A_89 : memref<1x80xi32, #tpu.memory_space<vmem>> -> memref<80xi32, #tpu.memory_space<vmem>>
    %dma_start3A_91 = arith.constant 0 : i32
    %dma_start3A_92 = tpu.memref_slice %arg3[%add3A, %dma_start3A_86, %dma_start3A_91] : memref<32x125x80xi32, #tpu.memory_space<hbm>> -> memref<1x1x80xi32, #tpu.memory_space<hbm>>
    %dma_start3A_93 = tpu.memref_squeeze %dma_start3A_92 : memref<1x1x80xi32, #tpu.memory_space<hbm>> -> memref<80xi32, #tpu.memory_space<hbm>>
    %dma_start3A_94 = arith.constant 0 : i32
    %dma_start3A_95 = tpu.memref_slice %arg7[%dma_start3A_87, %dma_start3A_94] : memref<4x80xi32, #tpu.memory_space<vmem>> -> memref<1x80xi32, #tpu.memory_space<vmem>>
    %dma_start3A_96 = tpu.memref_squeeze %dma_start3A_95 : memref<1x80xi32, #tpu.memory_space<vmem>> -> memref<80xi32, #tpu.memory_space<vmem>>
    %dma_start3A_97 = arith.constant 0 : i32
    %dma_start3A_98 = tpu.memref_slice %arg3[%add3A, %dma_start3A_86, %dma_start3A_97] : memref<32x125x80xi32, #tpu.memory_space<hbm>> -> memref<1x1x80xi32, #tpu.memory_space<hbm>>
    %dma_start3A_99 = tpu.memref_squeeze %dma_start3A_98 : memref<1x1x80xi32, #tpu.memory_space<hbm>> -> memref<80xi32, #tpu.memory_space<hbm>>
    tpu.enqueue_dma source(%dma_start3A_99 : memref<80xi32, #tpu.memory_space<hbm>>) target(%dma_start3A_96 : memref<80xi32, #tpu.memory_space<vmem>>) target_semaphore(%arg25 : memref<!tpu.dma_semaphore, #tpu.memory_space<semaphore_mem>>)
    %dma_start3A_100 = arith.constant 3 : i32
    %dma_start3A_101 = arith.constant 3 : i32
    %dma_start3A_102 = arith.constant 0 : i32
    %dma_start3A_103 = tpu.memref_slice %arg8[%dma_start3A_101, %dma_start3A_102] : memref<4x80xi32, #tpu.memory_space<vmem>> -> memref<1x80xi32, #tpu.memory_space<vmem>>
    %dma_start3A_104 = tpu.memref_squeeze %dma_start3A_103 : memref<1x80xi32, #tpu.memory_space<vmem>> -> memref<80xi32, #tpu.memory_space<vmem>>
    %dma_start3A_105 = arith.constant 0 : i32
    %dma_start3A_106 = tpu.memref_slice %arg4[%add3A, %dma_start3A_100, %dma_start3A_105] : memref<32x125x80xi32, #tpu.memory_space<hbm>> -> memref<1x1x80xi32, #tpu.memory_space<hbm>>
    %dma_start3A_107 = tpu.memref_squeeze %dma_start3A_106 : memref<1x1x80xi32, #tpu.memory_space<hbm>> -> memref<80xi32, #tpu.memory_space<hbm>>
    %dma_start3A_108 = arith.constant 0 : i32
    %dma_start3A_109 = tpu.memref_slice %arg8[%dma_start3A_101, %dma_start3A_108] : memref<4x80xi32, #tpu.memory_space<vmem>> -> memref<1x80xi32, #tpu.memory_space<vmem>>
    %dma_start3A_110 = tpu.memref_squeeze %dma_start3A_109 : memref<1x80xi32, #tpu.memory_space<vmem>> -> memref<80xi32, #tpu.memory_space<vmem>>
    %dma_start3A_111 = arith.constant 0 : i32
    %dma_start3A_112 = tpu.memref_slice %arg4[%add3A, %dma_start3A_100, %dma_start3A_111] : memref<32x125x80xi32, #tpu.memory_space<hbm>> -> memref<1x1x80xi32, #tpu.memory_space<hbm>>
    %dma_start3A_113 = tpu.memref_squeeze %dma_start3A_112 : memref<1x1x80xi32, #tpu.memory_space<hbm>> -> memref<80xi32, #tpu.memory_space<hbm>>
    tpu.enqueue_dma source(%dma_start3A_113 : memref<80xi32, #tpu.memory_space<hbm>>) target(%dma_start3A_110 : memref<80xi32, #tpu.memory_space<vmem>>) target_semaphore(%arg25 : memref<!tpu.dma_semaphore, #tpu.memory_space<semaphore_mem>>)
    "tpu.region"() ({
      %run_scoped3A = tpu.sem_alloc : memref<!tpu.dma_semaphore, #tpu.memory_space<semaphore_mem>>
      %dma_start3A_198 = arith.constant 0 : i32
      %dma_start3A_199 = tpu.memref_slice %arg13[%mul3A_2, %dma_start3A_198] : memref<10240x128xf32, #tpu.memory_space<vmem_shared>> -> memref<640x128xf32, #tpu.memory_space<vmem_shared>>
      %dma_start3A_200 = arith.constant 0 : i32
      %dma_start3A_201 = tpu.memref_slice %arg5[%mul3A_2, %dma_start3A_200] : memref<10240x128xf32, #tpu.memory_space<hbm>> -> memref<640x128xf32, #tpu.memory_space<hbm>>
      tpu.enqueue_dma source(%dma_start3A_201 : memref<640x128xf32, #tpu.memory_space<hbm>>) target(%dma_start3A_199 : memref<640x128xf32, #tpu.memory_space<vmem_shared>>) target_semaphore(%run_scoped3A : memref<!tpu.dma_semaphore, #tpu.memory_space<semaphore_mem>>)
      %dma_wait3A_202 = arith.constant 0 : i32
      %dma_wait3A_203 = tpu.memref_slice %arg13[%mul3A_2, %dma_wait3A_202] : memref<10240x128xf32, #tpu.memory_space<vmem_shared>> -> memref<640x128xf32, #tpu.memory_space<vmem_shared>>
      %dma_wait3A_204 = arith.constant 0 : i32
      %dma_wait3A_205 = tpu.memref_slice %arg5[%mul3A_2, %dma_wait3A_204] : memref<10240x128xf32, #tpu.memory_space<hbm>> -> memref<640x128xf32, #tpu.memory_space<hbm>>
      tpu.wait_dma2 semaphore(%run_scoped3A : memref<!tpu.dma_semaphore, #tpu.memory_space<semaphore_mem>>) src(%dma_wait3A_205 : memref<640x128xf32, #tpu.memory_space<hbm>>) dst(%dma_wait3A_203 : memref<640x128xf32, #tpu.memory_space<vmem_shared>>)
      tpu.yield
    }) : () -> ()
    %barrier3A = arith.constant 0 : index
    tpu.barrier barrier_id(%barrier3A)
    %scan3A = arith.constant 0 : i32
    %scan3A_114 = arith.constant 0 : i32
    %scan3A_115 = arith.constant 31 : i32
    %scan3A_116 = arith.addi %scan3A_114, %scan3A_115 : i32
    %scan3A_117 = arith.constant 1 : i32
    scf.for %scan3A_198 = %scan3A_114 to %scan3A_116 step %scan3A_117  : i32 {
      %dma_wait3A_199 = arith.constant 0 : i32
      %dma_wait3A_200 = arith.constant 0 : i32
      %dma_wait3A_201 = arith.constant 0 : i32
      %dma_wait3A_202 = arith.constant 0 : i32
      %dma_wait3A_203 = tpu.memref_slice %arg7[%dma_wait3A_201, %dma_wait3A_202] : memref<4x80xi32, #tpu.memory_space<vmem>> -> memref<1x80xi32, #tpu.memory_space<vmem>>
      %dma_wait3A_204 = tpu.memref_squeeze %dma_wait3A_203 : memref<1x80xi32, #tpu.memory_space<vmem>> -> memref<80xi32, #tpu.memory_space<vmem>>
      %dma_wait3A_205 = arith.constant 0 : i32
      %dma_wait3A_206 = tpu.memref_slice %arg3[%dma_wait3A_199, %dma_wait3A_200, %dma_wait3A_205] : memref<32x125x80xi32, #tpu.memory_space<hbm>> -> memref<1x1x80xi32, #tpu.memory_space<hbm>>
      %dma_wait3A_207 = tpu.memref_squeeze %dma_wait3A_206 : memref<1x1x80xi32, #tpu.memory_space<hbm>> -> memref<80xi32, #tpu.memory_space<hbm>>
      %dma_wait3A_208 = arith.constant 0 : i32
      %dma_wait3A_209 = tpu.memref_slice %arg7[%dma_wait3A_201, %dma_wait3A_208] : memref<4x80xi32, #tpu.memory_space<vmem>> -> memref<1x80xi32, #tpu.memory_space<vmem>>
      %dma_wait3A_210 = tpu.memref_squeeze %dma_wait3A_209 : memref<1x80xi32, #tpu.memory_space<vmem>> -> memref<80xi32, #tpu.memory_space<vmem>>
      %dma_wait3A_211 = arith.constant 0 : i32
      %dma_wait3A_212 = tpu.memref_slice %arg3[%dma_wait3A_199, %dma_wait3A_200, %dma_wait3A_211] : memref<32x125x80xi32, #tpu.memory_space<hbm>> -> memref<1x1x80xi32, #tpu.memory_space<hbm>>
      %dma_wait3A_213 = tpu.memref_squeeze %dma_wait3A_212 : memref<1x1x80xi32, #tpu.memory_space<hbm>> -> memref<80xi32, #tpu.memory_space<hbm>>
      tpu.wait_dma2 semaphore(%arg22 : memref<!tpu.dma_semaphore, #tpu.memory_space<semaphore_mem>>) src(%dma_wait3A_213 : memref<80xi32, #tpu.memory_space<hbm>>) dst(%dma_wait3A_210 : memref<80xi32, #tpu.memory_space<vmem>>)
      %dma_wait3A_214 = arith.constant 0 : i32
      %dma_wait3A_215 = arith.constant 0 : i32
      %dma_wait3A_216 = arith.constant 0 : i32
      %dma_wait3A_217 = arith.constant 0 : i32
      %dma_wait3A_218 = tpu.memref_slice %arg8[%dma_wait3A_216, %dma_wait3A_217] : memref<4x80xi32, #tpu.memory_space<vmem>> -> memref<1x80xi32, #tpu.memory_space<vmem>>
      %dma_wait3A_219 = tpu.memref_squeeze %dma_wait3A_218 : memref<1x80xi32, #tpu.memory_space<vmem>> -> memref<80xi32, #tpu.memory_space<vmem>>
      %dma_wait3A_220 = arith.constant 0 : i32
      %dma_wait3A_221 = tpu.memref_slice %arg3[%dma_wait3A_214, %dma_wait3A_215, %dma_wait3A_220] : memref<32x125x80xi32, #tpu.memory_space<hbm>> -> memref<1x1x80xi32, #tpu.memory_space<hbm>>
      %dma_wait3A_222 = tpu.memref_squeeze %dma_wait3A_221 : memref<1x1x80xi32, #tpu.memory_space<hbm>> -> memref<80xi32, #tpu.memory_space<hbm>>
      %dma_wait3A_223 = arith.constant 0 : i32
      %dma_wait3A_224 = tpu.memref_slice %arg8[%dma_wait3A_216, %dma_wait3A_223] : memref<4x80xi32, #tpu.memory_space<vmem>> -> memref<1x80xi32, #tpu.memory_space<vmem>>
      %dma_wait3A_225 = tpu.memref_squeeze %dma_wait3A_224 : memref<1x80xi32, #tpu.memory_space<vmem>> -> memref<80xi32, #tpu.memory_space<vmem>>
      %dma_wait3A_226 = arith.constant 0 : i32
      %dma_wait3A_227 = tpu.memref_slice %arg3[%dma_wait3A_214, %dma_wait3A_215, %dma_wait3A_226] : memref<32x125x80xi32, #tpu.memory_space<hbm>> -> memref<1x1x80xi32, #tpu.memory_space<hbm>>
      %dma_wait3A_228 = tpu.memref_squeeze %dma_wait3A_227 : memref<1x1x80xi32, #tpu.memory_space<hbm>> -> memref<80xi32, #tpu.memory_space<hbm>>
      tpu.wait_dma2 semaphore(%arg22 : memref<!tpu.dma_semaphore, #tpu.memory_space<semaphore_mem>>) src(%dma_wait3A_228 : memref<80xi32, #tpu.memory_space<hbm>>) dst(%dma_wait3A_225 : memref<80xi32, #tpu.memory_space<vmem>>)
      %dma_start3A_229 = arith.constant 0 : i32
      %dma_start3A_230 = arith.constant 0 : i32
      %dma_start3A_231 = tpu.memref_slice %arg8[%dma_start3A_229, %dma_start3A_230] : memref<4x80xi32, #tpu.memory_space<vmem>> -> memref<1x80xi32, #tpu.memory_space<vmem>>
      %dma_start3A_232 = tpu.memref_squeeze %dma_start3A_231 : memref<1x80xi32, #tpu.memory_space<vmem>> -> memref<80xi32, #tpu.memory_space<vmem>>
      %dma_start3A_233 = arith.constant 0 : i32
      %dma_start3A_234 = arith.constant 0 : i32
      %dma_start3A_235 = tpu.memref_slice %arg2[%dma_start3A_233, %dma_start3A_234] : memref<10000x128xf32, #tpu.memory_space<hbm>> -> memref<10000x128xf32, #tpu.memory_space<hbm>>
      tpu.enqueue_indirect_dma source(%dma_start3A_235 : memref<10000x128xf32, #tpu.memory_space<hbm>>) target(%arg9 : memref<80x128xf32, #tpu.memory_space<vmem>>) offsets(%dma_start3A_232 : memref<80xi32, #tpu.memory_space<vmem>>) semaphore(%arg14 : memref<!tpu.dma_semaphore, #tpu.memory_space<semaphore_mem>>)
      %dma_wait3A_236 = arith.constant 0 : i32
      %dma_wait3A_237 = arith.constant 0 : i32
      %dma_wait3A_238 = arith.constant 1 : i32
      %dma_wait3A_239 = arith.constant 0 : i32
      %dma_wait3A_240 = tpu.memref_slice %arg7[%dma_wait3A_238, %dma_wait3A_239] : memref<4x80xi32, #tpu.memory_space<vmem>> -> memref<1x80xi32, #tpu.memory_space<vmem>>
      %dma_wait3A_241 = tpu.memref_squeeze %dma_wait3A_240 : memref<1x80xi32, #tpu.memory_space<vmem>> -> memref<80xi32, #tpu.memory_space<vmem>>
      %dma_wait3A_242 = arith.constant 0 : i32
      %dma_wait3A_243 = tpu.memref_slice %arg3[%dma_wait3A_236, %dma_wait3A_237, %dma_wait3A_242] : memref<32x125x80xi32, #tpu.memory_space<hbm>> -> memref<1x1x80xi32, #tpu.memory_space<hbm>>
      %dma_wait3A_244 = tpu.memref_squeeze %dma_wait3A_243 : memref<1x1x80xi32, #tpu.memory_space<hbm>> -> memref<80xi32, #tpu.memory_space<hbm>>
      %dma_wait3A_245 = arith.constant 0 : i32
      %dma_wait3A_246 = tpu.memref_slice %arg7[%dma_wait3A_238, %dma_wait3A_245] : memref<4x80xi32, #tpu.memory_space<vmem>> -> memref<1x80xi32, #tpu.memory_space<vmem>>
      %dma_wait3A_247 = tpu.memref_squeeze %dma_wait3A_246 : memref<1x80xi32, #tpu.memory_space<vmem>> -> memref<80xi32, #tpu.memory_space<vmem>>
      %dma_wait3A_248 = arith.constant 0 : i32
      %dma_wait3A_249 = tpu.memref_slice %arg3[%dma_wait3A_236, %dma_wait3A_237, %dma_wait3A_248] : memref<32x125x80xi32, #tpu.memory_space<hbm>> -> memref<1x1x80xi32, #tpu.memory_space<hbm>>
      %dma_wait3A_250 = tpu.memref_squeeze %dma_wait3A_249 : memref<1x1x80xi32, #tpu.memory_space<hbm>> -> memref<80xi32, #tpu.memory_space<hbm>>
      tpu.wait_dma2 semaphore(%arg23 : memref<!tpu.dma_semaphore, #tpu.memory_space<semaphore_mem>>) src(%dma_wait3A_250 : memref<80xi32, #tpu.memory_space<hbm>>) dst(%dma_wait3A_247 : memref<80xi32, #tpu.memory_space<vmem>>)
      %dma_wait3A_251 = arith.constant 0 : i32
      %dma_wait3A_252 = arith.constant 0 : i32
      %dma_wait3A_253 = arith.constant 1 : i32
      %dma_wait3A_254 = arith.constant 0 : i32
      %dma_wait3A_255 = tpu.memref_slice %arg8[%dma_wait3A_253, %dma_wait3A_254] : memref<4x80xi32, #tpu.memory_space<vmem>> -> memref<1x80xi32, #tpu.memory_space<vmem>>
      %dma_wait3A_256 = tpu.memref_squeeze %dma_wait3A_255 : memref<1x80xi32, #tpu.memory_space<vmem>> -> memref<80xi32, #tpu.memory_space<vmem>>
      %dma_wait3A_257 = arith.constant 0 : i32
      %dma_wait3A_258 = tpu.memref_slice %arg3[%dma_wait3A_251, %dma_wait3A_252, %dma_wait3A_257] : memref<32x125x80xi32, #tpu.memory_space<hbm>> -> memref<1x1x80xi32, #tpu.memory_space<hbm>>
      %dma_wait3A_259 = tpu.memref_squeeze %dma_wait3A_258 : memref<1x1x80xi32, #tpu.memory_space<hbm>> -> memref<80xi32, #tpu.memory_space<hbm>>
      %dma_wait3A_260 = arith.constant 0 : i32
      %dma_wait3A_261 = tpu.memref_slice %arg8[%dma_wait3A_253, %dma_wait3A_260] : memref<4x80xi32, #tpu.memory_space<vmem>> -> memref<1x80xi32, #tpu.memory_space<vmem>>
      %dma_wait3A_262 = tpu.memref_squeeze %dma_wait3A_261 : memref<1x80xi32, #tpu.memory_space<vmem>> -> memref<80xi32, #tpu.memory_space<vmem>>
      %dma_wait3A_263 = arith.constant 0 : i32
      %dma_wait3A_264 = tpu.memref_slice %arg3[%dma_wait3A_251, %dma_wait3A_252, %dma_wait3A_263] : memref<32x125x80xi32, #tpu.memory_space<hbm>> -> memref<1x1x80xi32, #tpu.memory_space<hbm>>
      %dma_wait3A_265 = tpu.memref_squeeze %dma_wait3A_264 : memref<1x1x80xi32, #tpu.memory_space<hbm>> -> memref<80xi32, #tpu.memory_space<hbm>>
      tpu.wait_dma2 semaphore(%arg23 : memref<!tpu.dma_semaphore, #tpu.memory_space<semaphore_mem>>) src(%dma_wait3A_265 : memref<80xi32, #tpu.memory_space<hbm>>) dst(%dma_wait3A_262 : memref<80xi32, #tpu.memory_space<vmem>>)
      %dma_start3A_266 = arith.constant 1 : i32
      %dma_start3A_267 = arith.constant 0 : i32
      %dma_start3A_268 = tpu.memref_slice %arg8[%dma_start3A_266, %dma_start3A_267] : memref<4x80xi32, #tpu.memory_space<vmem>> -> memref<1x80xi32, #tpu.memory_space<vmem>>
      %dma_start3A_269 = tpu.memref_squeeze %dma_start3A_268 : memref<1x80xi32, #tpu.memory_space<vmem>> -> memref<80xi32, #tpu.memory_space<vmem>>
      %dma_start3A_270 = arith.constant 0 : i32
      %dma_start3A_271 = arith.constant 0 : i32
      %dma_start3A_272 = tpu.memref_slice %arg2[%dma_start3A_270, %dma_start3A_271] : memref<10000x128xf32, #tpu.memory_space<hbm>> -> memref<10000x128xf32, #tpu.memory_space<hbm>>
      tpu.enqueue_indirect_dma source(%dma_start3A_272 : memref<10000x128xf32, #tpu.memory_space<hbm>>) target(%arg10 : memref<80x128xf32, #tpu.memory_space<vmem>>) offsets(%dma_start3A_269 : memref<80xi32, #tpu.memory_space<vmem>>) semaphore(%arg15 : memref<!tpu.dma_semaphore, #tpu.memory_space<semaphore_mem>>)
      %dma_wait3A_273 = arith.constant 0 : i32
      %dma_wait3A_274 = arith.constant 0 : i32
      %dma_wait3A_275 = arith.constant 2 : i32
      %dma_wait3A_276 = arith.constant 0 : i32
      %dma_wait3A_277 = tpu.memref_slice %arg7[%dma_wait3A_275, %dma_wait3A_276] : memref<4x80xi32, #tpu.memory_space<vmem>> -> memref<1x80xi32, #tpu.memory_space<vmem>>
      %dma_wait3A_278 = tpu.memref_squeeze %dma_wait3A_277 : memref<1x80xi32, #tpu.memory_space<vmem>> -> memref<80xi32, #tpu.memory_space<vmem>>
      %dma_wait3A_279 = arith.constant 0 : i32
      %dma_wait3A_280 = tpu.memref_slice %arg3[%dma_wait3A_273, %dma_wait3A_274, %dma_wait3A_279] : memref<32x125x80xi32, #tpu.memory_space<hbm>> -> memref<1x1x80xi32, #tpu.memory_space<hbm>>
      %dma_wait3A_281 = tpu.memref_squeeze %dma_wait3A_280 : memref<1x1x80xi32, #tpu.memory_space<hbm>> -> memref<80xi32, #tpu.memory_space<hbm>>
      %dma_wait3A_282 = arith.constant 0 : i32
      %dma_wait3A_283 = tpu.memref_slice %arg7[%dma_wait3A_275, %dma_wait3A_282] : memref<4x80xi32, #tpu.memory_space<vmem>> -> memref<1x80xi32, #tpu.memory_space<vmem>>
      %dma_wait3A_284 = tpu.memref_squeeze %dma_wait3A_283 : memref<1x80xi32, #tpu.memory_space<vmem>> -> memref<80xi32, #tpu.memory_space<vmem>>
      %dma_wait3A_285 = arith.constant 0 : i32
      %dma_wait3A_286 = tpu.memref_slice %arg3[%dma_wait3A_273, %dma_wait3A_274, %dma_wait3A_285] : memref<32x125x80xi32, #tpu.memory_space<hbm>> -> memref<1x1x80xi32, #tpu.memory_space<hbm>>
      %dma_wait3A_287 = tpu.memref_squeeze %dma_wait3A_286 : memref<1x1x80xi32, #tpu.memory_space<hbm>> -> memref<80xi32, #tpu.memory_space<hbm>>
      tpu.wait_dma2 semaphore(%arg24 : memref<!tpu.dma_semaphore, #tpu.memory_space<semaphore_mem>>) src(%dma_wait3A_287 : memref<80xi32, #tpu.memory_space<hbm>>) dst(%dma_wait3A_284 : memref<80xi32, #tpu.memory_space<vmem>>)
      %dma_wait3A_288 = arith.constant 0 : i32
      %dma_wait3A_289 = arith.constant 0 : i32
      %dma_wait3A_290 = arith.constant 2 : i32
      %dma_wait3A_291 = arith.constant 0 : i32
      %dma_wait3A_292 = tpu.memref_slice %arg8[%dma_wait3A_290, %dma_wait3A_291] : memref<4x80xi32, #tpu.memory_space<vmem>> -> memref<1x80xi32, #tpu.memory_space<vmem>>
      %dma_wait3A_293 = tpu.memref_squeeze %dma_wait3A_292 : memref<1x80xi32, #tpu.memory_space<vmem>> -> memref<80xi32, #tpu.memory_space<vmem>>
      %dma_wait3A_294 = arith.constant 0 : i32
      %dma_wait3A_295 = tpu.memref_slice %arg3[%dma_wait3A_288, %dma_wait3A_289, %dma_wait3A_294] : memref<32x125x80xi32, #tpu.memory_space<hbm>> -> memref<1x1x80xi32, #tpu.memory_space<hbm>>
      %dma_wait3A_296 = tpu.memref_squeeze %dma_wait3A_295 : memref<1x1x80xi32, #tpu.memory_space<hbm>> -> memref<80xi32, #tpu.memory_space<hbm>>
      %dma_wait3A_297 = arith.constant 0 : i32
      %dma_wait3A_298 = tpu.memref_slice %arg8[%dma_wait3A_290, %dma_wait3A_297] : memref<4x80xi32, #tpu.memory_space<vmem>> -> memref<1x80xi32, #tpu.memory_space<vmem>>
      %dma_wait3A_299 = tpu.memref_squeeze %dma_wait3A_298 : memref<1x80xi32, #tpu.memory_space<vmem>> -> memref<80xi32, #tpu.memory_space<vmem>>
      %dma_wait3A_300 = arith.constant 0 : i32
      %dma_wait3A_301 = tpu.memref_slice %arg3[%dma_wait3A_288, %dma_wait3A_289, %dma_wait3A_300] : memref<32x125x80xi32, #tpu.memory_space<hbm>> -> memref<1x1x80xi32, #tpu.memory_space<hbm>>
      %dma_wait3A_302 = tpu.memref_squeeze %dma_wait3A_301 : memref<1x1x80xi32, #tpu.memory_space<hbm>> -> memref<80xi32, #tpu.memory_space<hbm>>
      tpu.wait_dma2 semaphore(%arg24 : memref<!tpu.dma_semaphore, #tpu.memory_space<semaphore_mem>>) src(%dma_wait3A_302 : memref<80xi32, #tpu.memory_space<hbm>>) dst(%dma_wait3A_299 : memref<80xi32, #tpu.memory_space<vmem>>)
      %dma_start3A_303 = arith.constant 2 : i32
      %dma_start3A_304 = arith.constant 0 : i32
      %dma_start3A_305 = tpu.memref_slice %arg8[%dma_start3A_303, %dma_start3A_304] : memref<4x80xi32, #tpu.memory_space<vmem>> -> memref<1x80xi32, #tpu.memory_space<vmem>>
      %dma_start3A_306 = tpu.memref_squeeze %dma_start3A_305 : memref<1x80xi32, #tpu.memory_space<vmem>> -> memref<80xi32, #tpu.memory_space<vmem>>
      %dma_start3A_307 = arith.constant 0 : i32
      %dma_start3A_308 = arith.constant 0 : i32
      %dma_start3A_309 = tpu.memref_slice %arg2[%dma_start3A_307, %dma_start3A_308] : memref<10000x128xf32, #tpu.memory_space<hbm>> -> memref<10000x128xf32, #tpu.memory_space<hbm>>
      tpu.enqueue_indirect_dma source(%dma_start3A_309 : memref<10000x128xf32, #tpu.memory_space<hbm>>) target(%arg11 : memref<80x128xf32, #tpu.memory_space<vmem>>) offsets(%dma_start3A_306 : memref<80xi32, #tpu.memory_space<vmem>>) semaphore(%arg16 : memref<!tpu.dma_semaphore, #tpu.memory_space<semaphore_mem>>)
      %dma_wait3A_310 = arith.constant 0 : i32
      %dma_wait3A_311 = arith.constant 0 : i32
      %dma_wait3A_312 = arith.constant 3 : i32
      %dma_wait3A_313 = arith.constant 0 : i32
      %dma_wait3A_314 = tpu.memref_slice %arg7[%dma_wait3A_312, %dma_wait3A_313] : memref<4x80xi32, #tpu.memory_space<vmem>> -> memref<1x80xi32, #tpu.memory_space<vmem>>
      %dma_wait3A_315 = tpu.memref_squeeze %dma_wait3A_314 : memref<1x80xi32, #tpu.memory_space<vmem>> -> memref<80xi32, #tpu.memory_space<vmem>>
      %dma_wait3A_316 = arith.constant 0 : i32
      %dma_wait3A_317 = tpu.memref_slice %arg3[%dma_wait3A_310, %dma_wait3A_311, %dma_wait3A_316] : memref<32x125x80xi32, #tpu.memory_space<hbm>> -> memref<1x1x80xi32, #tpu.memory_space<hbm>>
      %dma_wait3A_318 = tpu.memref_squeeze %dma_wait3A_317 : memref<1x1x80xi32, #tpu.memory_space<hbm>> -> memref<80xi32, #tpu.memory_space<hbm>>
      %dma_wait3A_319 = arith.constant 0 : i32
      %dma_wait3A_320 = tpu.memref_slice %arg7[%dma_wait3A_312, %dma_wait3A_319] : memref<4x80xi32, #tpu.memory_space<vmem>> -> memref<1x80xi32, #tpu.memory_space<vmem>>
      %dma_wait3A_321 = tpu.memref_squeeze %dma_wait3A_320 : memref<1x80xi32, #tpu.memory_space<vmem>> -> memref<80xi32, #tpu.memory_space<vmem>>
      %dma_wait3A_322 = arith.constant 0 : i32
      %dma_wait3A_323 = tpu.memref_slice %arg3[%dma_wait3A_310, %dma_wait3A_311, %dma_wait3A_322] : memref<32x125x80xi32, #tpu.memory_space<hbm>> -> memref<1x1x80xi32, #tpu.memory_space<hbm>>
      %dma_wait3A_324 = tpu.memref_squeeze %dma_wait3A_323 : memref<1x1x80xi32, #tpu.memory_space<hbm>> -> memref<80xi32, #tpu.memory_space<hbm>>
      tpu.wait_dma2 semaphore(%arg25 : memref<!tpu.dma_semaphore, #tpu.memory_space<semaphore_mem>>) src(%dma_wait3A_324 : memref<80xi32, #tpu.memory_space<hbm>>) dst(%dma_wait3A_321 : memref<80xi32, #tpu.memory_space<vmem>>)
      %dma_wait3A_325 = arith.constant 0 : i32
      %dma_wait3A_326 = arith.constant 0 : i32
      %dma_wait3A_327 = arith.constant 3 : i32
      %dma_wait3A_328 = arith.constant 0 : i32
      %dma_wait3A_329 = tpu.memref_slice %arg8[%dma_wait3A_327, %dma_wait3A_328] : memref<4x80xi32, #tpu.memory_space<vmem>> -> memref<1x80xi32, #tpu.memory_space<vmem>>
      %dma_wait3A_330 = tpu.memref_squeeze %dma_wait3A_329 : memref<1x80xi32, #tpu.memory_space<vmem>> -> memref<80xi32, #tpu.memory_space<vmem>>
      %dma_wait3A_331 = arith.constant 0 : i32
      %dma_wait3A_332 = tpu.memref_slice %arg3[%dma_wait3A_325, %dma_wait3A_326, %dma_wait3A_331] : memref<32x125x80xi32, #tpu.memory_space<hbm>> -> memref<1x1x80xi32, #tpu.memory_space<hbm>>
      %dma_wait3A_333 = tpu.memref_squeeze %dma_wait3A_332 : memref<1x1x80xi32, #tpu.memory_space<hbm>> -> memref<80xi32, #tpu.memory_space<hbm>>
      %dma_wait3A_334 = arith.constant 0 : i32
      %dma_wait3A_335 = tpu.memref_slice %arg8[%dma_wait3A_327, %dma_wait3A_334] : memref<4x80xi32, #tpu.memory_space<vmem>> -> memref<1x80xi32, #tpu.memory_space<vmem>>
      %dma_wait3A_336 = tpu.memref_squeeze %dma_wait3A_335 : memref<1x80xi32, #tpu.memory_space<vmem>> -> memref<80xi32, #tpu.memory_space<vmem>>
      %dma_wait3A_337 = arith.constant 0 : i32
      %dma_wait3A_338 = tpu.memref_slice %arg3[%dma_wait3A_325, %dma_wait3A_326, %dma_wait3A_337] : memref<32x125x80xi32, #tpu.memory_space<hbm>> -> memref<1x1x80xi32, #tpu.memory_space<hbm>>
      %dma_wait3A_339 = tpu.memref_squeeze %dma_wait3A_338 : memref<1x1x80xi32, #tpu.memory_space<hbm>> -> memref<80xi32, #tpu.memory_space<hbm>>
      tpu.wait_dma2 semaphore(%arg25 : memref<!tpu.dma_semaphore, #tpu.memory_space<semaphore_mem>>) src(%dma_wait3A_339 : memref<80xi32, #tpu.memory_space<hbm>>) dst(%dma_wait3A_336 : memref<80xi32, #tpu.memory_space<vmem>>)
      %dma_start3A_340 = arith.constant 3 : i32
      %dma_start3A_341 = arith.constant 0 : i32
      %dma_start3A_342 = tpu.memref_slice %arg8[%dma_start3A_340, %dma_start3A_341] : memref<4x80xi32, #tpu.memory_space<vmem>> -> memref<1x80xi32, #tpu.memory_space<vmem>>
      %dma_start3A_343 = tpu.memref_squeeze %dma_start3A_342 : memref<1x80xi32, #tpu.memory_space<vmem>> -> memref<80xi32, #tpu.memory_space<vmem>>
      %dma_start3A_344 = arith.constant 0 : i32
      %dma_start3A_345 = arith.constant 0 : i32
      %dma_start3A_346 = tpu.memref_slice %arg2[%dma_start3A_344, %dma_start3A_345] : memref<10000x128xf32, #tpu.memory_space<hbm>> -> memref<10000x128xf32, #tpu.memory_space<hbm>>
      tpu.enqueue_indirect_dma source(%dma_start3A_346 : memref<10000x128xf32, #tpu.memory_space<hbm>>) target(%arg12 : memref<80x128xf32, #tpu.memory_space<vmem>>) offsets(%dma_start3A_343 : memref<80xi32, #tpu.memory_space<vmem>>) semaphore(%arg17 : memref<!tpu.dma_semaphore, #tpu.memory_space<semaphore_mem>>)
      %dma_wait3A_347 = arith.constant 0 : i32
      %dma_wait3A_348 = arith.constant 0 : i32
      %dma_wait3A_349 = tpu.memref_slice %arg8[%dma_wait3A_347, %dma_wait3A_348] : memref<4x80xi32, #tpu.memory_space<vmem>> -> memref<1x80xi32, #tpu.memory_space<vmem>>
      %dma_wait3A_350 = tpu.memref_squeeze %dma_wait3A_349 : memref<1x80xi32, #tpu.memory_space<vmem>> -> memref<80xi32, #tpu.memory_space<vmem>>
      %dma_wait3A_351 = arith.constant 0 : i32
      %dma_wait3A_352 = arith.constant 0 : i32
      %dma_wait3A_353 = tpu.memref_slice %arg2[%dma_wait3A_351, %dma_wait3A_352] : memref<10000x128xf32, #tpu.memory_space<hbm>> -> memref<10000x128xf32, #tpu.memory_space<hbm>>
      tpu.wait_indirect_dma semaphore(%arg14 : memref<!tpu.dma_semaphore, #tpu.memory_space<semaphore_mem>>) src(%dma_wait3A_353 : memref<10000x128xf32, #tpu.memory_space<hbm>>) dst(%arg9 : memref<80x128xf32, #tpu.memory_space<vmem>>)
      %dma_start3A_354 = arith.constant 0 : i32
      %dma_start3A_355 = arith.constant 0 : i32
      %dma_start3A_356 = tpu.memref_slice %arg7[%dma_start3A_354, %dma_start3A_355] : memref<4x80xi32, #tpu.memory_space<vmem>> -> memref<1x80xi32, #tpu.memory_space<vmem>>
      %dma_start3A_357 = tpu.memref_squeeze %dma_start3A_356 : memref<1x80xi32, #tpu.memory_space<vmem>> -> memref<80xi32, #tpu.memory_space<vmem>>
      %dma_start3A_358 = arith.constant 0 : i32
      %dma_start3A_359 = arith.constant 0 : i32
      %dma_start3A_360 = tpu.memref_slice %arg13[%dma_start3A_358, %dma_start3A_359] : memref<10240x128xf32, #tpu.memory_space<vmem_shared>> -> memref<10240x128xf32, #tpu.memory_space<vmem_shared>>
      tpu.enqueue_indirect_dma source(%arg9 : memref<80x128xf32, #tpu.memory_space<vmem>>) target(%dma_start3A_360 : memref<10240x128xf32, #tpu.memory_space<vmem_shared>>) offsets(%dma_start3A_357 : memref<80xi32, #tpu.memory_space<vmem>>) semaphore(%arg18 : memref<!tpu.dma_semaphore, #tpu.memory_space<semaphore_mem>>) {add = true}
      %dma_wait3A_361 = arith.constant 1 : i32
      %dma_wait3A_362 = arith.constant 0 : i32
      %dma_wait3A_363 = tpu.memref_slice %arg8[%dma_wait3A_361, %dma_wait3A_362] : memref<4x80xi32, #tpu.memory_space<vmem>> -> memref<1x80xi32, #tpu.memory_space<vmem>>
      %dma_wait3A_364 = tpu.memref_squeeze %dma_wait3A_363 : memref<1x80xi32, #tpu.memory_space<vmem>> -> memref<80xi32, #tpu.memory_space<vmem>>
      %dma_wait3A_365 = arith.constant 0 : i32
      %dma_wait3A_366 = arith.constant 0 : i32
      %dma_wait3A_367 = tpu.memref_slice %arg2[%dma_wait3A_365, %dma_wait3A_366] : memref<10000x128xf32, #tpu.memory_space<hbm>> -> memref<10000x128xf32, #tpu.memory_space<hbm>>
      tpu.wait_indirect_dma semaphore(%arg15 : memref<!tpu.dma_semaphore, #tpu.memory_space<semaphore_mem>>) src(%dma_wait3A_367 : memref<10000x128xf32, #tpu.memory_space<hbm>>) dst(%arg10 : memref<80x128xf32, #tpu.memory_space<vmem>>)
      %dma_start3A_368 = arith.constant 1 : i32
      %dma_start3A_369 = arith.constant 0 : i32
      %dma_start3A_370 = tpu.memref_slice %arg7[%dma_start3A_368, %dma_start3A_369] : memref<4x80xi32, #tpu.memory_space<vmem>> -> memref<1x80xi32, #tpu.memory_space<vmem>>
      %dma_start3A_371 = tpu.memref_squeeze %dma_start3A_370 : memref<1x80xi32, #tpu.memory_space<vmem>> -> memref<80xi32, #tpu.memory_space<vmem>>
      %dma_start3A_372 = arith.constant 0 : i32
      %dma_start3A_373 = arith.constant 0 : i32
      %dma_start3A_374 = tpu.memref_slice %arg13[%dma_start3A_372, %dma_start3A_373] : memref<10240x128xf32, #tpu.memory_space<vmem_shared>> -> memref<10240x128xf32, #tpu.memory_space<vmem_shared>>
      tpu.enqueue_indirect_dma source(%arg10 : memref<80x128xf32, #tpu.memory_space<vmem>>) target(%dma_start3A_374 : memref<10240x128xf32, #tpu.memory_space<vmem_shared>>) offsets(%dma_start3A_371 : memref<80xi32, #tpu.memory_space<vmem>>) semaphore(%arg19 : memref<!tpu.dma_semaphore, #tpu.memory_space<semaphore_mem>>) {add = true}
      %dma_wait3A_375 = arith.constant 2 : i32
      %dma_wait3A_376 = arith.constant 0 : i32
      %dma_wait3A_377 = tpu.memref_slice %arg8[%dma_wait3A_375, %dma_wait3A_376] : memref<4x80xi32, #tpu.memory_space<vmem>> -> memref<1x80xi32, #tpu.memory_space<vmem>>
      %dma_wait3A_378 = tpu.memref_squeeze %dma_wait3A_377 : memref<1x80xi32, #tpu.memory_space<vmem>> -> memref<80xi32, #tpu.memory_space<vmem>>
      %dma_wait3A_379 = arith.constant 0 : i32
      %dma_wait3A_380 = arith.constant 0 : i32
      %dma_wait3A_381 = tpu.memref_slice %arg2[%dma_wait3A_379, %dma_wait3A_380] : memref<10000x128xf32, #tpu.memory_space<hbm>> -> memref<10000x128xf32, #tpu.memory_space<hbm>>
      tpu.wait_indirect_dma semaphore(%arg16 : memref<!tpu.dma_semaphore, #tpu.memory_space<semaphore_mem>>) src(%dma_wait3A_381 : memref<10000x128xf32, #tpu.memory_space<hbm>>) dst(%arg11 : memref<80x128xf32, #tpu.memory_space<vmem>>)
      %dma_start3A_382 = arith.constant 2 : i32
      %dma_start3A_383 = arith.constant 0 : i32
      %dma_start3A_384 = tpu.memref_slice %arg7[%dma_start3A_382, %dma_start3A_383] : memref<4x80xi32, #tpu.memory_space<vmem>> -> memref<1x80xi32, #tpu.memory_space<vmem>>
      %dma_start3A_385 = tpu.memref_squeeze %dma_start3A_384 : memref<1x80xi32, #tpu.memory_space<vmem>> -> memref<80xi32, #tpu.memory_space<vmem>>
      %dma_start3A_386 = arith.constant 0 : i32
      %dma_start3A_387 = arith.constant 0 : i32
      %dma_start3A_388 = tpu.memref_slice %arg13[%dma_start3A_386, %dma_start3A_387] : memref<10240x128xf32, #tpu.memory_space<vmem_shared>> -> memref<10240x128xf32, #tpu.memory_space<vmem_shared>>
      tpu.enqueue_indirect_dma source(%arg11 : memref<80x128xf32, #tpu.memory_space<vmem>>) target(%dma_start3A_388 : memref<10240x128xf32, #tpu.memory_space<vmem_shared>>) offsets(%dma_start3A_385 : memref<80xi32, #tpu.memory_space<vmem>>) semaphore(%arg20 : memref<!tpu.dma_semaphore, #tpu.memory_space<semaphore_mem>>) {add = true}
      %dma_wait3A_389 = arith.constant 3 : i32
      %dma_wait3A_390 = arith.constant 0 : i32
      %dma_wait3A_391 = tpu.memref_slice %arg8[%dma_wait3A_389, %dma_wait3A_390] : memref<4x80xi32, #tpu.memory_space<vmem>> -> memref<1x80xi32, #tpu.memory_space<vmem>>
      %dma_wait3A_392 = tpu.memref_squeeze %dma_wait3A_391 : memref<1x80xi32, #tpu.memory_space<vmem>> -> memref<80xi32, #tpu.memory_space<vmem>>
      %dma_wait3A_393 = arith.constant 0 : i32
      %dma_wait3A_394 = arith.constant 0 : i32
      %dma_wait3A_395 = tpu.memref_slice %arg2[%dma_wait3A_393, %dma_wait3A_394] : memref<10000x128xf32, #tpu.memory_space<hbm>> -> memref<10000x128xf32, #tpu.memory_space<hbm>>
      tpu.wait_indirect_dma semaphore(%arg17 : memref<!tpu.dma_semaphore, #tpu.memory_space<semaphore_mem>>) src(%dma_wait3A_395 : memref<10000x128xf32, #tpu.memory_space<hbm>>) dst(%arg12 : memref<80x128xf32, #tpu.memory_space<vmem>>)
      %dma_start3A_396 = arith.constant 3 : i32
      %dma_start3A_397 = arith.constant 0 : i32
      %dma_start3A_398 = tpu.memref_slice %arg7[%dma_start3A_396, %dma_start3A_397] : memref<4x80xi32, #tpu.memory_space<vmem>> -> memref<1x80xi32, #tpu.memory_space<vmem>>
      %dma_start3A_399 = tpu.memref_squeeze %dma_start3A_398 : memref<1x80xi32, #tpu.memory_space<vmem>> -> memref<80xi32, #tpu.memory_space<vmem>>
      %dma_start3A_400 = arith.constant 0 : i32
      %dma_start3A_401 = arith.constant 0 : i32
      %dma_start3A_402 = tpu.memref_slice %arg13[%dma_start3A_400, %dma_start3A_401] : memref<10240x128xf32, #tpu.memory_space<vmem_shared>> -> memref<10240x128xf32, #tpu.memory_space<vmem_shared>>
      tpu.enqueue_indirect_dma source(%arg12 : memref<80x128xf32, #tpu.memory_space<vmem>>) target(%dma_start3A_402 : memref<10240x128xf32, #tpu.memory_space<vmem_shared>>) offsets(%dma_start3A_399 : memref<80xi32, #tpu.memory_space<vmem>>) semaphore(%arg21 : memref<!tpu.dma_semaphore, #tpu.memory_space<semaphore_mem>>) {add = true}
      %mul3A_403 = arith.constant 4 : i32
      %mul3A_404 = arith.muli %scan3A_198, %mul3A_403 : i32
      %add3A_405 = arith.constant 0 : i32
      %add3A_406 = arith.addi %mul3A_404, %add3A_405 : i32
      %add3A_407 = arith.constant 4 : i32
      %add3A_408 = arith.addi %add3A_406, %add3A_407 : i32
      %lt3A = arith.constant 125 : i32
      %lt3A_409 = arith.cmpi slt, %add3A_408, %lt3A : i32
      %convert_element_type3A = arith.extui %lt3A_409 : i1 to i32
      %cond3A = arith.constant 0 : i32
      %cond3A_410 = arith.cmpi ne, %convert_element_type3A, %cond3A : i32
      scf.if %cond3A_410 {
        %dma_wait3A_444 = arith.constant 0 : i32
        %dma_wait3A_445 = arith.constant 0 : i32
        %dma_wait3A_446 = tpu.memref_slice %arg7[%dma_wait3A_444, %dma_wait3A_445] : memref<4x80xi32, #tpu.memory_space<vmem>> -> memref<1x80xi32, #tpu.memory_space<vmem>>
        %dma_wait3A_447 = tpu.memref_squeeze %dma_wait3A_446 : memref<1x80xi32, #tpu.memory_space<vmem>> -> memref<80xi32, #tpu.memory_space<vmem>>
        %dma_wait3A_448 = arith.constant 0 : i32
        %dma_wait3A_449 = arith.constant 0 : i32
        %dma_wait3A_450 = tpu.memref_slice %arg13[%dma_wait3A_448, %dma_wait3A_449] : memref<10240x128xf32, #tpu.memory_space<vmem_shared>> -> memref<10240x128xf32, #tpu.memory_space<vmem_shared>>
        tpu.wait_indirect_dma semaphore(%arg18 : memref<!tpu.dma_semaphore, #tpu.memory_space<semaphore_mem>>) src(%arg9 : memref<80x128xf32, #tpu.memory_space<vmem>>) dst(%dma_wait3A_450 : memref<10240x128xf32, #tpu.memory_space<vmem_shared>>)
        %dma_start3A_451 = arith.constant 0 : i32
        %dma_start3A_452 = arith.constant 0 : i32
        %dma_start3A_453 = tpu.memref_slice %arg7[%dma_start3A_451, %dma_start3A_452] : memref<4x80xi32, #tpu.memory_space<vmem>> -> memref<1x80xi32, #tpu.memory_space<vmem>>
        %dma_start3A_454 = tpu.memref_squeeze %dma_start3A_453 : memref<1x80xi32, #tpu.memory_space<vmem>> -> memref<80xi32, #tpu.memory_space<vmem>>
        %dma_start3A_455 = arith.constant 0 : i32
        %dma_start3A_456 = tpu.memref_slice %arg3[%add3A, %add3A_408, %dma_start3A_455] : memref<32x125x80xi32, #tpu.memory_space<hbm>> -> memref<1x1x80xi32, #tpu.memory_space<hbm>>
        %dma_start3A_457 = tpu.memref_squeeze %dma_start3A_456 : memref<1x1x80xi32, #tpu.memory_space<hbm>> -> memref<80xi32, #tpu.memory_space<hbm>>
        %dma_start3A_458 = arith.constant 0 : i32
        %dma_start3A_459 = tpu.memref_slice %arg7[%dma_start3A_451, %dma_start3A_458] : memref<4x80xi32, #tpu.memory_space<vmem>> -> memref<1x80xi32, #tpu.memory_space<vmem>>
        %dma_start3A_460 = tpu.memref_squeeze %dma_start3A_459 : memref<1x80xi32, #tpu.memory_space<vmem>> -> memref<80xi32, #tpu.memory_space<vmem>>
        %dma_start3A_461 = arith.constant 0 : i32
        %dma_start3A_462 = tpu.memref_slice %arg3[%add3A, %add3A_408, %dma_start3A_461] : memref<32x125x80xi32, #tpu.memory_space<hbm>> -> memref<1x1x80xi32, #tpu.memory_space<hbm>>
        %dma_start3A_463 = tpu.memref_squeeze %dma_start3A_462 : memref<1x1x80xi32, #tpu.memory_space<hbm>> -> memref<80xi32, #tpu.memory_space<hbm>>
        tpu.enqueue_dma source(%dma_start3A_463 : memref<80xi32, #tpu.memory_space<hbm>>) target(%dma_start3A_460 : memref<80xi32, #tpu.memory_space<vmem>>) target_semaphore(%arg22 : memref<!tpu.dma_semaphore, #tpu.memory_space<semaphore_mem>>)
        %dma_start3A_464 = arith.constant 0 : i32
        %dma_start3A_465 = arith.constant 0 : i32
        %dma_start3A_466 = tpu.memref_slice %arg8[%dma_start3A_464, %dma_start3A_465] : memref<4x80xi32, #tpu.memory_space<vmem>> -> memref<1x80xi32, #tpu.memory_space<vmem>>
        %dma_start3A_467 = tpu.memref_squeeze %dma_start3A_466 : memref<1x80xi32, #tpu.memory_space<vmem>> -> memref<80xi32, #tpu.memory_space<vmem>>
        %dma_start3A_468 = arith.constant 0 : i32
        %dma_start3A_469 = tpu.memref_slice %arg4[%add3A, %add3A_408, %dma_start3A_468] : memref<32x125x80xi32, #tpu.memory_space<hbm>> -> memref<1x1x80xi32, #tpu.memory_space<hbm>>
        %dma_start3A_470 = tpu.memref_squeeze %dma_start3A_469 : memref<1x1x80xi32, #tpu.memory_space<hbm>> -> memref<80xi32, #tpu.memory_space<hbm>>
        %dma_start3A_471 = arith.constant 0 : i32
        %dma_start3A_472 = tpu.memref_slice %arg8[%dma_start3A_464, %dma_start3A_471] : memref<4x80xi32, #tpu.memory_space<vmem>> -> memref<1x80xi32, #tpu.memory_space<vmem>>
        %dma_start3A_473 = tpu.memref_squeeze %dma_start3A_472 : memref<1x80xi32, #tpu.memory_space<vmem>> -> memref<80xi32, #tpu.memory_space<vmem>>
        %dma_start3A_474 = arith.constant 0 : i32
        %dma_start3A_475 = tpu.memref_slice %arg4[%add3A, %add3A_408, %dma_start3A_474] : memref<32x125x80xi32, #tpu.memory_space<hbm>> -> memref<1x1x80xi32, #tpu.memory_space<hbm>>
        %dma_start3A_476 = tpu.memref_squeeze %dma_start3A_475 : memref<1x1x80xi32, #tpu.memory_space<hbm>> -> memref<80xi32, #tpu.memory_space<hbm>>
        tpu.enqueue_dma source(%dma_start3A_476 : memref<80xi32, #tpu.memory_space<hbm>>) target(%dma_start3A_473 : memref<80xi32, #tpu.memory_space<vmem>>) target_semaphore(%arg22 : memref<!tpu.dma_semaphore, #tpu.memory_space<semaphore_mem>>)
      } else {
      }
      %mul3A_411 = arith.constant 4 : i32
      %mul3A_412 = arith.muli %scan3A_198, %mul3A_411 : i32
      %add3A_413 = arith.constant 1 : i32
      %add3A_414 = arith.addi %mul3A_412, %add3A_413 : i32
      %add3A_415 = arith.constant 4 : i32
      %add3A_416 = arith.addi %add3A_414, %add3A_415 : i32
      %lt3A_417 = arith.constant 125 : i32
      %lt3A_418 = arith.cmpi slt, %add3A_416, %lt3A_417 : i32
      %convert_element_type3A_419 = arith.extui %lt3A_418 : i1 to i32
      %cond3A_420 = arith.constant 0 : i32
      %cond3A_421 = arith.cmpi ne, %convert_element_type3A_419, %cond3A_420 : i32
      scf.if %cond3A_421 {
        %dma_wait3A_444 = arith.constant 1 : i32
        %dma_wait3A_445 = arith.constant 0 : i32
        %dma_wait3A_446 = tpu.memref_slice %arg7[%dma_wait3A_444, %dma_wait3A_445] : memref<4x80xi32, #tpu.memory_space<vmem>> -> memref<1x80xi32, #tpu.memory_space<vmem>>
        %dma_wait3A_447 = tpu.memref_squeeze %dma_wait3A_446 : memref<1x80xi32, #tpu.memory_space<vmem>> -> memref<80xi32, #tpu.memory_space<vmem>>
        %dma_wait3A_448 = arith.constant 0 : i32
        %dma_wait3A_449 = arith.constant 0 : i32
        %dma_wait3A_450 = tpu.memref_slice %arg13[%dma_wait3A_448, %dma_wait3A_449] : memref<10240x128xf32, #tpu.memory_space<vmem_shared>> -> memref<10240x128xf32, #tpu.memory_space<vmem_shared>>
        tpu.wait_indirect_dma semaphore(%arg19 : memref<!tpu.dma_semaphore, #tpu.memory_space<semaphore_mem>>) src(%arg10 : memref<80x128xf32, #tpu.memory_space<vmem>>) dst(%dma_wait3A_450 : memref<10240x128xf32, #tpu.memory_space<vmem_shared>>)
        %dma_start3A_451 = arith.constant 1 : i32
        %dma_start3A_452 = arith.constant 0 : i32
        %dma_start3A_453 = tpu.memref_slice %arg7[%dma_start3A_451, %dma_start3A_452] : memref<4x80xi32, #tpu.memory_space<vmem>> -> memref<1x80xi32, #tpu.memory_space<vmem>>
        %dma_start3A_454 = tpu.memref_squeeze %dma_start3A_453 : memref<1x80xi32, #tpu.memory_space<vmem>> -> memref<80xi32, #tpu.memory_space<vmem>>
        %dma_start3A_455 = arith.constant 0 : i32
        %dma_start3A_456 = tpu.memref_slice %arg3[%add3A, %add3A_416, %dma_start3A_455] : memref<32x125x80xi32, #tpu.memory_space<hbm>> -> memref<1x1x80xi32, #tpu.memory_space<hbm>>
        %dma_start3A_457 = tpu.memref_squeeze %dma_start3A_456 : memref<1x1x80xi32, #tpu.memory_space<hbm>> -> memref<80xi32, #tpu.memory_space<hbm>>
        %dma_start3A_458 = arith.constant 0 : i32
        %dma_start3A_459 = tpu.memref_slice %arg7[%dma_start3A_451, %dma_start3A_458] : memref<4x80xi32, #tpu.memory_space<vmem>> -> memref<1x80xi32, #tpu.memory_space<vmem>>
        %dma_start3A_460 = tpu.memref_squeeze %dma_start3A_459 : memref<1x80xi32, #tpu.memory_space<vmem>> -> memref<80xi32, #tpu.memory_space<vmem>>
        %dma_start3A_461 = arith.constant 0 : i32
        %dma_start3A_462 = tpu.memref_slice %arg3[%add3A, %add3A_416, %dma_start3A_461] : memref<32x125x80xi32, #tpu.memory_space<hbm>> -> memref<1x1x80xi32, #tpu.memory_space<hbm>>
        %dma_start3A_463 = tpu.memref_squeeze %dma_start3A_462 : memref<1x1x80xi32, #tpu.memory_space<hbm>> -> memref<80xi32, #tpu.memory_space<hbm>>
        tpu.enqueue_dma source(%dma_start3A_463 : memref<80xi32, #tpu.memory_space<hbm>>) target(%dma_start3A_460 : memref<80xi32, #tpu.memory_space<vmem>>) target_semaphore(%arg23 : memref<!tpu.dma_semaphore, #tpu.memory_space<semaphore_mem>>)
        %dma_start3A_464 = arith.constant 1 : i32
        %dma_start3A_465 = arith.constant 0 : i32
        %dma_start3A_466 = tpu.memref_slice %arg8[%dma_start3A_464, %dma_start3A_465] : memref<4x80xi32, #tpu.memory_space<vmem>> -> memref<1x80xi32, #tpu.memory_space<vmem>>
        %dma_start3A_467 = tpu.memref_squeeze %dma_start3A_466 : memref<1x80xi32, #tpu.memory_space<vmem>> -> memref<80xi32, #tpu.memory_space<vmem>>
        %dma_start3A_468 = arith.constant 0 : i32
        %dma_start3A_469 = tpu.memref_slice %arg4[%add3A, %add3A_416, %dma_start3A_468] : memref<32x125x80xi32, #tpu.memory_space<hbm>> -> memref<1x1x80xi32, #tpu.memory_space<hbm>>
        %dma_start3A_470 = tpu.memref_squeeze %dma_start3A_469 : memref<1x1x80xi32, #tpu.memory_space<hbm>> -> memref<80xi32, #tpu.memory_space<hbm>>
        %dma_start3A_471 = arith.constant 0 : i32
        %dma_start3A_472 = tpu.memref_slice %arg8[%dma_start3A_464, %dma_start3A_471] : memref<4x80xi32, #tpu.memory_space<vmem>> -> memref<1x80xi32, #tpu.memory_space<vmem>>
        %dma_start3A_473 = tpu.memref_squeeze %dma_start3A_472 : memref<1x80xi32, #tpu.memory_space<vmem>> -> memref<80xi32, #tpu.memory_space<vmem>>
        %dma_start3A_474 = arith.constant 0 : i32
        %dma_start3A_475 = tpu.memref_slice %arg4[%add3A, %add3A_416, %dma_start3A_474] : memref<32x125x80xi32, #tpu.memory_space<hbm>> -> memref<1x1x80xi32, #tpu.memory_space<hbm>>
        %dma_start3A_476 = tpu.memref_squeeze %dma_start3A_475 : memref<1x1x80xi32, #tpu.memory_space<hbm>> -> memref<80xi32, #tpu.memory_space<hbm>>
        tpu.enqueue_dma source(%dma_start3A_476 : memref<80xi32, #tpu.memory_space<hbm>>) target(%dma_start3A_473 : memref<80xi32, #tpu.memory_space<vmem>>) target_semaphore(%arg23 : memref<!tpu.dma_semaphore, #tpu.memory_space<semaphore_mem>>)
      } else {
      }
      %mul3A_422 = arith.constant 4 : i32
      %mul3A_423 = arith.muli %scan3A_198, %mul3A_422 : i32
      %add3A_424 = arith.constant 2 : i32
      %add3A_425 = arith.addi %mul3A_423, %add3A_424 : i32
      %add3A_426 = arith.constant 4 : i32
      %add3A_427 = arith.addi %add3A_425, %add3A_426 : i32
      %lt3A_428 = arith.constant 125 : i32
      %lt3A_429 = arith.cmpi slt, %add3A_427, %lt3A_428 : i32
      %convert_element_type3A_430 = arith.extui %lt3A_429 : i1 to i32
      %cond3A_431 = arith.constant 0 : i32
      %cond3A_432 = arith.cmpi ne, %convert_element_type3A_430, %cond3A_431 : i32
      scf.if %cond3A_432 {
        %dma_wait3A_444 = arith.constant 2 : i32
        %dma_wait3A_445 = arith.constant 0 : i32
        %dma_wait3A_446 = tpu.memref_slice %arg7[%dma_wait3A_444, %dma_wait3A_445] : memref<4x80xi32, #tpu.memory_space<vmem>> -> memref<1x80xi32, #tpu.memory_space<vmem>>
        %dma_wait3A_447 = tpu.memref_squeeze %dma_wait3A_446 : memref<1x80xi32, #tpu.memory_space<vmem>> -> memref<80xi32, #tpu.memory_space<vmem>>
        %dma_wait3A_448 = arith.constant 0 : i32
        %dma_wait3A_449 = arith.constant 0 : i32
        %dma_wait3A_450 = tpu.memref_slice %arg13[%dma_wait3A_448, %dma_wait3A_449] : memref<10240x128xf32, #tpu.memory_space<vmem_shared>> -> memref<10240x128xf32, #tpu.memory_space<vmem_shared>>
        tpu.wait_indirect_dma semaphore(%arg20 : memref<!tpu.dma_semaphore, #tpu.memory_space<semaphore_mem>>) src(%arg11 : memref<80x128xf32, #tpu.memory_space<vmem>>) dst(%dma_wait3A_450 : memref<10240x128xf32, #tpu.memory_space<vmem_shared>>)
        %dma_start3A_451 = arith.constant 2 : i32
        %dma_start3A_452 = arith.constant 0 : i32
        %dma_start3A_453 = tpu.memref_slice %arg7[%dma_start3A_451, %dma_start3A_452] : memref<4x80xi32, #tpu.memory_space<vmem>> -> memref<1x80xi32, #tpu.memory_space<vmem>>
        %dma_start3A_454 = tpu.memref_squeeze %dma_start3A_453 : memref<1x80xi32, #tpu.memory_space<vmem>> -> memref<80xi32, #tpu.memory_space<vmem>>
        %dma_start3A_455 = arith.constant 0 : i32
        %dma_start3A_456 = tpu.memref_slice %arg3[%add3A, %add3A_427, %dma_start3A_455] : memref<32x125x80xi32, #tpu.memory_space<hbm>> -> memref<1x1x80xi32, #tpu.memory_space<hbm>>
        %dma_start3A_457 = tpu.memref_squeeze %dma_start3A_456 : memref<1x1x80xi32, #tpu.memory_space<hbm>> -> memref<80xi32, #tpu.memory_space<hbm>>
        %dma_start3A_458 = arith.constant 0 : i32
        %dma_start3A_459 = tpu.memref_slice %arg7[%dma_start3A_451, %dma_start3A_458] : memref<4x80xi32, #tpu.memory_space<vmem>> -> memref<1x80xi32, #tpu.memory_space<vmem>>
        %dma_start3A_460 = tpu.memref_squeeze %dma_start3A_459 : memref<1x80xi32, #tpu.memory_space<vmem>> -> memref<80xi32, #tpu.memory_space<vmem>>
        %dma_start3A_461 = arith.constant 0 : i32
        %dma_start3A_462 = tpu.memref_slice %arg3[%add3A, %add3A_427, %dma_start3A_461] : memref<32x125x80xi32, #tpu.memory_space<hbm>> -> memref<1x1x80xi32, #tpu.memory_space<hbm>>
        %dma_start3A_463 = tpu.memref_squeeze %dma_start3A_462 : memref<1x1x80xi32, #tpu.memory_space<hbm>> -> memref<80xi32, #tpu.memory_space<hbm>>
        tpu.enqueue_dma source(%dma_start3A_463 : memref<80xi32, #tpu.memory_space<hbm>>) target(%dma_start3A_460 : memref<80xi32, #tpu.memory_space<vmem>>) target_semaphore(%arg24 : memref<!tpu.dma_semaphore, #tpu.memory_space<semaphore_mem>>)
        %dma_start3A_464 = arith.constant 2 : i32
        %dma_start3A_465 = arith.constant 0 : i32
        %dma_start3A_466 = tpu.memref_slice %arg8[%dma_start3A_464, %dma_start3A_465] : memref<4x80xi32, #tpu.memory_space<vmem>> -> memref<1x80xi32, #tpu.memory_space<vmem>>
        %dma_start3A_467 = tpu.memref_squeeze %dma_start3A_466 : memref<1x80xi32, #tpu.memory_space<vmem>> -> memref<80xi32, #tpu.memory_space<vmem>>
        %dma_start3A_468 = arith.constant 0 : i32
        %dma_start3A_469 = tpu.memref_slice %arg4[%add3A, %add3A_427, %dma_start3A_468] : memref<32x125x80xi32, #tpu.memory_space<hbm>> -> memref<1x1x80xi32, #tpu.memory_space<hbm>>
        %dma_start3A_470 = tpu.memref_squeeze %dma_start3A_469 : memref<1x1x80xi32, #tpu.memory_space<hbm>> -> memref<80xi32, #tpu.memory_space<hbm>>
        %dma_start3A_471 = arith.constant 0 : i32
        %dma_start3A_472 = tpu.memref_slice %arg8[%dma_start3A_464, %dma_start3A_471] : memref<4x80xi32, #tpu.memory_space<vmem>> -> memref<1x80xi32, #tpu.memory_space<vmem>>
        %dma_start3A_473 = tpu.memref_squeeze %dma_start3A_472 : memref<1x80xi32, #tpu.memory_space<vmem>> -> memref<80xi32, #tpu.memory_space<vmem>>
        %dma_start3A_474 = arith.constant 0 : i32
        %dma_start3A_475 = tpu.memref_slice %arg4[%add3A, %add3A_427, %dma_start3A_474] : memref<32x125x80xi32, #tpu.memory_space<hbm>> -> memref<1x1x80xi32, #tpu.memory_space<hbm>>
        %dma_start3A_476 = tpu.memref_squeeze %dma_start3A_475 : memref<1x1x80xi32, #tpu.memory_space<hbm>> -> memref<80xi32, #tpu.memory_space<hbm>>
        tpu.enqueue_dma source(%dma_start3A_476 : memref<80xi32, #tpu.memory_space<hbm>>) target(%dma_start3A_473 : memref<80xi32, #tpu.memory_space<vmem>>) target_semaphore(%arg24 : memref<!tpu.dma_semaphore, #tpu.memory_space<semaphore_mem>>)
      } else {
      }
      %mul3A_433 = arith.constant 4 : i32
      %mul3A_434 = arith.muli %scan3A_198, %mul3A_433 : i32
      %add3A_435 = arith.constant 3 : i32
      %add3A_436 = arith.addi %mul3A_434, %add3A_435 : i32
      %add3A_437 = arith.constant 4 : i32
      %add3A_438 = arith.addi %add3A_436, %add3A_437 : i32
      %lt3A_439 = arith.constant 125 : i32
      %lt3A_440 = arith.cmpi slt, %add3A_438, %lt3A_439 : i32
      %convert_element_type3A_441 = arith.extui %lt3A_440 : i1 to i32
      %cond3A_442 = arith.constant 0 : i32
      %cond3A_443 = arith.cmpi ne, %convert_element_type3A_441, %cond3A_442 : i32
      scf.if %cond3A_443 {
        %dma_wait3A_444 = arith.constant 3 : i32
        %dma_wait3A_445 = arith.constant 0 : i32
        %dma_wait3A_446 = tpu.memref_slice %arg7[%dma_wait3A_444, %dma_wait3A_445] : memref<4x80xi32, #tpu.memory_space<vmem>> -> memref<1x80xi32, #tpu.memory_space<vmem>>
        %dma_wait3A_447 = tpu.memref_squeeze %dma_wait3A_446 : memref<1x80xi32, #tpu.memory_space<vmem>> -> memref<80xi32, #tpu.memory_space<vmem>>
        %dma_wait3A_448 = arith.constant 0 : i32
        %dma_wait3A_449 = arith.constant 0 : i32
        %dma_wait3A_450 = tpu.memref_slice %arg13[%dma_wait3A_448, %dma_wait3A_449] : memref<10240x128xf32, #tpu.memory_space<vmem_shared>> -> memref<10240x128xf32, #tpu.memory_space<vmem_shared>>
        tpu.wait_indirect_dma semaphore(%arg21 : memref<!tpu.dma_semaphore, #tpu.memory_space<semaphore_mem>>) src(%arg12 : memref<80x128xf32, #tpu.memory_space<vmem>>) dst(%dma_wait3A_450 : memref<10240x128xf32, #tpu.memory_space<vmem_shared>>)
        %dma_start3A_451 = arith.constant 3 : i32
        %dma_start3A_452 = arith.constant 0 : i32
        %dma_start3A_453 = tpu.memref_slice %arg7[%dma_start3A_451, %dma_start3A_452] : memref<4x80xi32, #tpu.memory_space<vmem>> -> memref<1x80xi32, #tpu.memory_space<vmem>>
        %dma_start3A_454 = tpu.memref_squeeze %dma_start3A_453 : memref<1x80xi32, #tpu.memory_space<vmem>> -> memref<80xi32, #tpu.memory_space<vmem>>
        %dma_start3A_455 = arith.constant 0 : i32
        %dma_start3A_456 = tpu.memref_slice %arg3[%add3A, %add3A_438, %dma_start3A_455] : memref<32x125x80xi32, #tpu.memory_space<hbm>> -> memref<1x1x80xi32, #tpu.memory_space<hbm>>
        %dma_start3A_457 = tpu.memref_squeeze %dma_start3A_456 : memref<1x1x80xi32, #tpu.memory_space<hbm>> -> memref<80xi32, #tpu.memory_space<hbm>>
        %dma_start3A_458 = arith.constant 0 : i32
        %dma_start3A_459 = tpu.memref_slice %arg7[%dma_start3A_451, %dma_start3A_458] : memref<4x80xi32, #tpu.memory_space<vmem>> -> memref<1x80xi32, #tpu.memory_space<vmem>>
        %dma_start3A_460 = tpu.memref_squeeze %dma_start3A_459 : memref<1x80xi32, #tpu.memory_space<vmem>> -> memref<80xi32, #tpu.memory_space<vmem>>
        %dma_start3A_461 = arith.constant 0 : i32
        %dma_start3A_462 = tpu.memref_slice %arg3[%add3A, %add3A_438, %dma_start3A_461] : memref<32x125x80xi32, #tpu.memory_space<hbm>> -> memref<1x1x80xi32, #tpu.memory_space<hbm>>
        %dma_start3A_463 = tpu.memref_squeeze %dma_start3A_462 : memref<1x1x80xi32, #tpu.memory_space<hbm>> -> memref<80xi32, #tpu.memory_space<hbm>>
        tpu.enqueue_dma source(%dma_start3A_463 : memref<80xi32, #tpu.memory_space<hbm>>) target(%dma_start3A_460 : memref<80xi32, #tpu.memory_space<vmem>>) target_semaphore(%arg25 : memref<!tpu.dma_semaphore, #tpu.memory_space<semaphore_mem>>)
        %dma_start3A_464 = arith.constant 3 : i32
        %dma_start3A_465 = arith.constant 0 : i32
        %dma_start3A_466 = tpu.memref_slice %arg8[%dma_start3A_464, %dma_start3A_465] : memref<4x80xi32, #tpu.memory_space<vmem>> -> memref<1x80xi32, #tpu.memory_space<vmem>>
        %dma_start3A_467 = tpu.memref_squeeze %dma_start3A_466 : memref<1x80xi32, #tpu.memory_space<vmem>> -> memref<80xi32, #tpu.memory_space<vmem>>
        %dma_start3A_468 = arith.constant 0 : i32
        %dma_start3A_469 = tpu.memref_slice %arg4[%add3A, %add3A_438, %dma_start3A_468] : memref<32x125x80xi32, #tpu.memory_space<hbm>> -> memref<1x1x80xi32, #tpu.memory_space<hbm>>
        %dma_start3A_470 = tpu.memref_squeeze %dma_start3A_469 : memref<1x1x80xi32, #tpu.memory_space<hbm>> -> memref<80xi32, #tpu.memory_space<hbm>>
        %dma_start3A_471 = arith.constant 0 : i32
        %dma_start3A_472 = tpu.memref_slice %arg8[%dma_start3A_464, %dma_start3A_471] : memref<4x80xi32, #tpu.memory_space<vmem>> -> memref<1x80xi32, #tpu.memory_space<vmem>>
        %dma_start3A_473 = tpu.memref_squeeze %dma_start3A_472 : memref<1x80xi32, #tpu.memory_space<vmem>> -> memref<80xi32, #tpu.memory_space<vmem>>
        %dma_start3A_474 = arith.constant 0 : i32
        %dma_start3A_475 = tpu.memref_slice %arg4[%add3A, %add3A_438, %dma_start3A_474] : memref<32x125x80xi32, #tpu.memory_space<hbm>> -> memref<1x1x80xi32, #tpu.memory_space<hbm>>
        %dma_start3A_476 = tpu.memref_squeeze %dma_start3A_475 : memref<1x1x80xi32, #tpu.memory_space<hbm>> -> memref<80xi32, #tpu.memory_space<hbm>>
        tpu.enqueue_dma source(%dma_start3A_476 : memref<80xi32, #tpu.memory_space<hbm>>) target(%dma_start3A_473 : memref<80xi32, #tpu.memory_space<vmem>>) target_semaphore(%arg25 : memref<!tpu.dma_semaphore, #tpu.memory_space<semaphore_mem>>)
      } else {
      }
    }
    %scan3A_118 = arith.constant 31 : i32
    %dma_wait3A = arith.constant 0 : i32
    %dma_wait3A_119 = arith.constant 0 : i32
    %dma_wait3A_120 = arith.constant 0 : i32
    %dma_wait3A_121 = arith.constant 0 : i32
    %dma_wait3A_122 = tpu.memref_slice %arg7[%dma_wait3A_120, %dma_wait3A_121] : memref<4x80xi32, #tpu.memory_space<vmem>> -> memref<1x80xi32, #tpu.memory_space<vmem>>
    %dma_wait3A_123 = tpu.memref_squeeze %dma_wait3A_122 : memref<1x80xi32, #tpu.memory_space<vmem>> -> memref<80xi32, #tpu.memory_space<vmem>>
    %dma_wait3A_124 = arith.constant 0 : i32
    %dma_wait3A_125 = tpu.memref_slice %arg3[%dma_wait3A, %dma_wait3A_119, %dma_wait3A_124] : memref<32x125x80xi32, #tpu.memory_space<hbm>> -> memref<1x1x80xi32, #tpu.memory_space<hbm>>
    %dma_wait3A_126 = tpu.memref_squeeze %dma_wait3A_125 : memref<1x1x80xi32, #tpu.memory_space<hbm>> -> memref<80xi32, #tpu.memory_space<hbm>>
    %dma_wait3A_127 = arith.constant 0 : i32
    %dma_wait3A_128 = tpu.memref_slice %arg7[%dma_wait3A_120, %dma_wait3A_127] : memref<4x80xi32, #tpu.memory_space<vmem>> -> memref<1x80xi32, #tpu.memory_space<vmem>>
    %dma_wait3A_129 = tpu.memref_squeeze %dma_wait3A_128 : memref<1x80xi32, #tpu.memory_space<vmem>> -> memref<80xi32, #tpu.memory_space<vmem>>
    %dma_wait3A_130 = arith.constant 0 : i32
    %dma_wait3A_131 = tpu.memref_slice %arg3[%dma_wait3A, %dma_wait3A_119, %dma_wait3A_130] : memref<32x125x80xi32, #tpu.memory_space<hbm>> -> memref<1x1x80xi32, #tpu.memory_space<hbm>>
    %dma_wait3A_132 = tpu.memref_squeeze %dma_wait3A_131 : memref<1x1x80xi32, #tpu.memory_space<hbm>> -> memref<80xi32, #tpu.memory_space<hbm>>
    tpu.wait_dma2 semaphore(%arg22 : memref<!tpu.dma_semaphore, #tpu.memory_space<semaphore_mem>>) src(%dma_wait3A_132 : memref<80xi32, #tpu.memory_space<hbm>>) dst(%dma_wait3A_129 : memref<80xi32, #tpu.memory_space<vmem>>)
    %dma_wait3A_133 = arith.constant 0 : i32
    %dma_wait3A_134 = arith.constant 0 : i32
    %dma_wait3A_135 = arith.constant 0 : i32
    %dma_wait3A_136 = arith.constant 0 : i32
    %dma_wait3A_137 = tpu.memref_slice %arg8[%dma_wait3A_135, %dma_wait3A_136] : memref<4x80xi32, #tpu.memory_space<vmem>> -> memref<1x80xi32, #tpu.memory_space<vmem>>
    %dma_wait3A_138 = tpu.memref_squeeze %dma_wait3A_137 : memref<1x80xi32, #tpu.memory_space<vmem>> -> memref<80xi32, #tpu.memory_space<vmem>>
    %dma_wait3A_139 = arith.constant 0 : i32
    %dma_wait3A_140 = tpu.memref_slice %arg3[%dma_wait3A_133, %dma_wait3A_134, %dma_wait3A_139] : memref<32x125x80xi32, #tpu.memory_space<hbm>> -> memref<1x1x80xi32, #tpu.memory_space<hbm>>
    %dma_wait3A_141 = tpu.memref_squeeze %dma_wait3A_140 : memref<1x1x80xi32, #tpu.memory_space<hbm>> -> memref<80xi32, #tpu.memory_space<hbm>>
    %dma_wait3A_142 = arith.constant 0 : i32
    %dma_wait3A_143 = tpu.memref_slice %arg8[%dma_wait3A_135, %dma_wait3A_142] : memref<4x80xi32, #tpu.memory_space<vmem>> -> memref<1x80xi32, #tpu.memory_space<vmem>>
    %dma_wait3A_144 = tpu.memref_squeeze %dma_wait3A_143 : memref<1x80xi32, #tpu.memory_space<vmem>> -> memref<80xi32, #tpu.memory_space<vmem>>
    %dma_wait3A_145 = arith.constant 0 : i32
    %dma_wait3A_146 = tpu.memref_slice %arg3[%dma_wait3A_133, %dma_wait3A_134, %dma_wait3A_145] : memref<32x125x80xi32, #tpu.memory_space<hbm>> -> memref<1x1x80xi32, #tpu.memory_space<hbm>>
    %dma_wait3A_147 = tpu.memref_squeeze %dma_wait3A_146 : memref<1x1x80xi32, #tpu.memory_space<hbm>> -> memref<80xi32, #tpu.memory_space<hbm>>
    tpu.wait_dma2 semaphore(%arg22 : memref<!tpu.dma_semaphore, #tpu.memory_space<semaphore_mem>>) src(%dma_wait3A_147 : memref<80xi32, #tpu.memory_space<hbm>>) dst(%dma_wait3A_144 : memref<80xi32, #tpu.memory_space<vmem>>)
    %dma_start3A_148 = arith.constant 0 : i32
    %dma_start3A_149 = arith.constant 0 : i32
    %dma_start3A_150 = tpu.memref_slice %arg8[%dma_start3A_148, %dma_start3A_149] : memref<4x80xi32, #tpu.memory_space<vmem>> -> memref<1x80xi32, #tpu.memory_space<vmem>>
    %dma_start3A_151 = tpu.memref_squeeze %dma_start3A_150 : memref<1x80xi32, #tpu.memory_space<vmem>> -> memref<80xi32, #tpu.memory_space<vmem>>
    %dma_start3A_152 = arith.constant 0 : i32
    %dma_start3A_153 = arith.constant 0 : i32
    %dma_start3A_154 = tpu.memref_slice %arg2[%dma_start3A_152, %dma_start3A_153] : memref<10000x128xf32, #tpu.memory_space<hbm>> -> memref<10000x128xf32, #tpu.memory_space<hbm>>
    tpu.enqueue_indirect_dma source(%dma_start3A_154 : memref<10000x128xf32, #tpu.memory_space<hbm>>) target(%arg9 : memref<80x128xf32, #tpu.memory_space<vmem>>) offsets(%dma_start3A_151 : memref<80xi32, #tpu.memory_space<vmem>>) semaphore(%arg14 : memref<!tpu.dma_semaphore, #tpu.memory_space<semaphore_mem>>)
    %dma_wait3A_155 = arith.constant 0 : i32
    %dma_wait3A_156 = arith.constant 0 : i32
    %dma_wait3A_157 = tpu.memref_slice %arg8[%dma_wait3A_155, %dma_wait3A_156] : memref<4x80xi32, #tpu.memory_space<vmem>> -> memref<1x80xi32, #tpu.memory_space<vmem>>
    %dma_wait3A_158 = tpu.memref_squeeze %dma_wait3A_157 : memref<1x80xi32, #tpu.memory_space<vmem>> -> memref<80xi32, #tpu.memory_space<vmem>>
    %dma_wait3A_159 = arith.constant 0 : i32
    %dma_wait3A_160 = arith.constant 0 : i32
    %dma_wait3A_161 = tpu.memref_slice %arg2[%dma_wait3A_159, %dma_wait3A_160] : memref<10000x128xf32, #tpu.memory_space<hbm>> -> memref<10000x128xf32, #tpu.memory_space<hbm>>
    tpu.wait_indirect_dma semaphore(%arg14 : memref<!tpu.dma_semaphore, #tpu.memory_space<semaphore_mem>>) src(%dma_wait3A_161 : memref<10000x128xf32, #tpu.memory_space<hbm>>) dst(%arg9 : memref<80x128xf32, #tpu.memory_space<vmem>>)
    %dma_start3A_162 = arith.constant 0 : i32
    %dma_start3A_163 = arith.constant 0 : i32
    %dma_start3A_164 = tpu.memref_slice %arg7[%dma_start3A_162, %dma_start3A_163] : memref<4x80xi32, #tpu.memory_space<vmem>> -> memref<1x80xi32, #tpu.memory_space<vmem>>
    %dma_start3A_165 = tpu.memref_squeeze %dma_start3A_164 : memref<1x80xi32, #tpu.memory_space<vmem>> -> memref<80xi32, #tpu.memory_space<vmem>>
    %dma_start3A_166 = arith.constant 0 : i32
    %dma_start3A_167 = arith.constant 0 : i32
    %dma_start3A_168 = tpu.memref_slice %arg13[%dma_start3A_166, %dma_start3A_167] : memref<10240x128xf32, #tpu.memory_space<vmem_shared>> -> memref<10240x128xf32, #tpu.memory_space<vmem_shared>>
    tpu.enqueue_indirect_dma source(%arg9 : memref<80x128xf32, #tpu.memory_space<vmem>>) target(%dma_start3A_168 : memref<10240x128xf32, #tpu.memory_space<vmem_shared>>) offsets(%dma_start3A_165 : memref<80xi32, #tpu.memory_space<vmem>>) semaphore(%arg18 : memref<!tpu.dma_semaphore, #tpu.memory_space<semaphore_mem>>) {add = true}
    %dma_wait3A_169 = arith.constant 1 : i32
    %dma_wait3A_170 = arith.constant 0 : i32
    %dma_wait3A_171 = tpu.memref_slice %arg7[%dma_wait3A_169, %dma_wait3A_170] : memref<4x80xi32, #tpu.memory_space<vmem>> -> memref<1x80xi32, #tpu.memory_space<vmem>>
    %dma_wait3A_172 = tpu.memref_squeeze %dma_wait3A_171 : memref<1x80xi32, #tpu.memory_space<vmem>> -> memref<80xi32, #tpu.memory_space<vmem>>
    %dma_wait3A_173 = arith.constant 0 : i32
    %dma_wait3A_174 = arith.constant 0 : i32
    %dma_wait3A_175 = tpu.memref_slice %arg13[%dma_wait3A_173, %dma_wait3A_174] : memref<10240x128xf32, #tpu.memory_space<vmem_shared>> -> memref<10240x128xf32, #tpu.memory_space<vmem_shared>>
    tpu.wait_indirect_dma semaphore(%arg19 : memref<!tpu.dma_semaphore, #tpu.memory_space<semaphore_mem>>) src(%arg10 : memref<80x128xf32, #tpu.memory_space<vmem>>) dst(%dma_wait3A_175 : memref<10240x128xf32, #tpu.memory_space<vmem_shared>>)
    %dma_wait3A_176 = arith.constant 2 : i32
    %dma_wait3A_177 = arith.constant 0 : i32
    %dma_wait3A_178 = tpu.memref_slice %arg7[%dma_wait3A_176, %dma_wait3A_177] : memref<4x80xi32, #tpu.memory_space<vmem>> -> memref<1x80xi32, #tpu.memory_space<vmem>>
    %dma_wait3A_179 = tpu.memref_squeeze %dma_wait3A_178 : memref<1x80xi32, #tpu.memory_space<vmem>> -> memref<80xi32, #tpu.memory_space<vmem>>
    %dma_wait3A_180 = arith.constant 0 : i32
    %dma_wait3A_181 = arith.constant 0 : i32
    %dma_wait3A_182 = tpu.memref_slice %arg13[%dma_wait3A_180, %dma_wait3A_181] : memref<10240x128xf32, #tpu.memory_space<vmem_shared>> -> memref<10240x128xf32, #tpu.memory_space<vmem_shared>>
    tpu.wait_indirect_dma semaphore(%arg20 : memref<!tpu.dma_semaphore, #tpu.memory_space<semaphore_mem>>) src(%arg11 : memref<80x128xf32, #tpu.memory_space<vmem>>) dst(%dma_wait3A_182 : memref<10240x128xf32, #tpu.memory_space<vmem_shared>>)
    %dma_wait3A_183 = arith.constant 3 : i32
    %dma_wait3A_184 = arith.constant 0 : i32
    %dma_wait3A_185 = tpu.memref_slice %arg7[%dma_wait3A_183, %dma_wait3A_184] : memref<4x80xi32, #tpu.memory_space<vmem>> -> memref<1x80xi32, #tpu.memory_space<vmem>>
    %dma_wait3A_186 = tpu.memref_squeeze %dma_wait3A_185 : memref<1x80xi32, #tpu.memory_space<vmem>> -> memref<80xi32, #tpu.memory_space<vmem>>
    %dma_wait3A_187 = arith.constant 0 : i32
    %dma_wait3A_188 = arith.constant 0 : i32
    %dma_wait3A_189 = tpu.memref_slice %arg13[%dma_wait3A_187, %dma_wait3A_188] : memref<10240x128xf32, #tpu.memory_space<vmem_shared>> -> memref<10240x128xf32, #tpu.memory_space<vmem_shared>>
    tpu.wait_indirect_dma semaphore(%arg21 : memref<!tpu.dma_semaphore, #tpu.memory_space<semaphore_mem>>) src(%arg12 : memref<80x128xf32, #tpu.memory_space<vmem>>) dst(%dma_wait3A_189 : memref<10240x128xf32, #tpu.memory_space<vmem_shared>>)
    %dma_wait3A_190 = arith.constant 0 : i32
    %dma_wait3A_191 = arith.constant 0 : i32
    %dma_wait3A_192 = tpu.memref_slice %arg7[%dma_wait3A_190, %dma_wait3A_191] : memref<4x80xi32, #tpu.memory_space<vmem>> -> memref<1x80xi32, #tpu.memory_space<vmem>>
    %dma_wait3A_193 = tpu.memref_squeeze %dma_wait3A_192 : memref<1x80xi32, #tpu.memory_space<vmem>> -> memref<80xi32, #tpu.memory_space<vmem>>
    %dma_wait3A_194 = arith.constant 0 : i32
    %dma_wait3A_195 = arith.constant 0 : i32
    %dma_wait3A_196 = tpu.memref_slice %arg13[%dma_wait3A_194, %dma_wait3A_195] : memref<10240x128xf32, #tpu.memory_space<vmem_shared>> -> memref<10240x128xf32, #tpu.memory_space<vmem_shared>>
    tpu.wait_indirect_dma semaphore(%arg18 : memref<!tpu.dma_semaphore, #tpu.memory_space<semaphore_mem>>) src(%arg9 : memref<80x128xf32, #tpu.memory_space<vmem>>) dst(%dma_wait3A_196 : memref<10240x128xf32, #tpu.memory_space<vmem_shared>>)
    %barrier3A_197 = arith.constant 0 : index
    tpu.barrier barrier_id(%barrier3A_197)
    "tpu.region"() ({
      %run_scoped3A = tpu.sem_alloc : memref<!tpu.dma_semaphore, #tpu.memory_space<semaphore_mem>>
      %dma_start3A_198 = arith.constant 0 : i32
      %dma_start3A_199 = tpu.memref_slice %arg6[%arg0, %mul3A_2, %dma_start3A_198] : memref<2x10240x128xf32, #tpu.memory_space<hbm>> -> memref<1x640x128xf32, #tpu.memory_space<hbm>>
      %dma_start3A_200 = tpu.memref_squeeze %dma_start3A_199 : memref<1x640x128xf32, #tpu.memory_space<hbm>> -> memref<640x128xf32, #tpu.memory_space<hbm>>
      %dma_start3A_201 = arith.constant 0 : i32
      %dma_start3A_202 = tpu.memref_slice %arg13[%mul3A_2, %dma_start3A_201] : memref<10240x128xf32, #tpu.memory_space<vmem_shared>> -> memref<640x128xf32, #tpu.memory_space<vmem_shared>>
      tpu.enqueue_dma source(%dma_start3A_202 : memref<640x128xf32, #tpu.memory_space<vmem_shared>>) target(%dma_start3A_200 : memref<640x128xf32, #tpu.memory_space<hbm>>) target_semaphore(%run_scoped3A : memref<!tpu.dma_semaphore, #tpu.memory_space<semaphore_mem>>)
      %dma_wait3A_203 = arith.constant 0 : i32
      %dma_wait3A_204 = tpu.memref_slice %arg6[%arg0, %mul3A_2, %dma_wait3A_203] : memref<2x10240x128xf32, #tpu.memory_space<hbm>> -> memref<1x640x128xf32, #tpu.memory_space<hbm>>
      %dma_wait3A_205 = tpu.memref_squeeze %dma_wait3A_204 : memref<1x640x128xf32, #tpu.memory_space<hbm>> -> memref<640x128xf32, #tpu.memory_space<hbm>>
      %dma_wait3A_206 = arith.constant 0 : i32
      %dma_wait3A_207 = tpu.memref_slice %arg13[%mul3A_2, %dma_wait3A_206] : memref<10240x128xf32, #tpu.memory_space<vmem_shared>> -> memref<640x128xf32, #tpu.memory_space<vmem_shared>>
      tpu.wait_dma2 semaphore(%run_scoped3A : memref<!tpu.dma_semaphore, #tpu.memory_space<semaphore_mem>>) src(%dma_wait3A_207 : memref<640x128xf32, #tpu.memory_space<vmem_shared>>) dst(%dma_wait3A_205 : memref<640x128xf32, #tpu.memory_space<hbm>>)
      tpu.yield
    }) : () -> ()
    return
  }
}

#map = affine_map<(d0, d1) -> (0, 0)>
#map1 = affine_map<(d0, d1) -> (0, 0, 0)>
module attributes {stable_mosaic.version = 14 : i64} {
  func.func @k(%arg0: i32, %arg1: i32, %arg2: memref<10000x128xf32, #tpu.memory_space<hbm>>, %arg3: memref<32x125x80xi32, #tpu.memory_space<hbm>>, %arg4: memref<32x125x80xi32, #tpu.memory_space<hbm>>, %arg5: memref<10240x128xf32, #tpu.memory_space<hbm>>, %arg6: memref<2x10240x128xf32, #tpu.memory_space<hbm>>, %arg7: memref<4x80xi32, #tpu.memory_space<vmem>>, %arg8: memref<4x80xi32, #tpu.memory_space<vmem>>, %arg9: memref<80x128xf32, #tpu.memory_space<vmem>>, %arg10: memref<80x128xf32, #tpu.memory_space<vmem>>, %arg11: memref<80x128xf32, #tpu.memory_space<vmem>>, %arg12: memref<80x128xf32, #tpu.memory_space<vmem>>, %arg13: memref<10240x128xf32, #tpu.memory_space<vmem_shared>>, %arg14: memref<!tpu.dma_semaphore, #tpu.memory_space<semaphore_mem>>, %arg15: memref<!tpu.dma_semaphore, #tpu.memory_space<semaphore_mem>>, %arg16: memref<!tpu.dma_semaphore, #tpu.memory_space<semaphore_mem>>, %arg17: memref<!tpu.dma_semaphore, #tpu.memory_space<semaphore_mem>>, %arg18: memref<!tpu.dma_semaphore, #tpu.memory_space<semaphore_mem>>, %arg19: memref<!tpu.dma_semaphore, #tpu.memory_space<semaphore_mem>>, %arg20: memref<!tpu.dma_semaphore, #tpu.memory_space<semaphore_mem>>, %arg21: memref<!tpu.dma_semaphore, #tpu.memory_space<semaphore_mem>>, %arg22: memref<!tpu.dma_semaphore, #tpu.memory_space<semaphore_mem>>, %arg23: memref<!tpu.dma_semaphore, #tpu.memory_space<semaphore_mem>>, %arg24: memref<!tpu.dma_semaphore, #tpu.memory_space<semaphore_mem>>, %arg25: memref<!tpu.dma_semaphore, #tpu.memory_space<semaphore_mem>>) attributes {dimension_semantics = [#tpu.dimension_semantics<core_parallel>, #tpu.dimension_semantics<subcore_parallel>], iteration_bounds = array<i64: 2, 16>, scalar_prefetch = 0 : i64, scratch_operands = 19 : i64, tpu.core_type = #tpu.core_type<sc_vector_subcore>, window_params = [{transform_indices = #map}, {transform_indices = #map1}, {transform_indices = #map1}, {transform_indices = #map}, {transform_indices = #map1}]} {
    %mul3A = arith.constant 16 : i32
    %mul3A_0 = arith.muli %arg0, %mul3A : i32
    %add3A = arith.addi %mul3A_0, %arg1 : i32
    %mul3A_1 = arith.constant 640 : i32
    %mul3A_2 = arith.muli %arg1, %mul3A_1 : i32
    %dma_start3A = arith.constant 0 : i32
    %dma_start3A_3 = arith.constant 0 : i32
    %dma_start3A_4 = arith.constant 0 : i32
    %dma_start3A_5 = tpu.memref_slice %arg7[%dma_start3A_3, %dma_start3A_4] : memref<4x80xi32, #tpu.memory_space<vmem>> -> memref<1x80xi32, #tpu.memory_space<vmem>>
    %dma_start3A_6 = tpu.memref_squeeze %dma_start3A_5 : memref<1x80xi32, #tpu.memory_space<vmem>> -> memref<80xi32, #tpu.memory_space<vmem>>
    %dma_start3A_7 = arith.constant 0 : i32
    %dma_start3A_8 = tpu.memref_slice %arg3[%add3A, %dma_start3A, %dma_start3A_7] : memref<32x125x80xi32, #tpu.memory_space<hbm>> -> memref<1x1x80xi32, #tpu.memory_space<hbm>>
    %dma_start3A_9 = tpu.memref_squeeze %dma_start3A_8 : memref<1x1x80xi32, #tpu.memory_space<hbm>> -> memref<80xi32, #tpu.memory_space<hbm>>
    %dma_start3A_10 = arith.constant 0 : i32
    %dma_start3A_11 = tpu.memref_slice %arg7[%dma_start3A_3, %dma_start3A_10] : memref<4x80xi32, #tpu.memory_space<vmem>> -> memref<1x80xi32, #tpu.memory_space<vmem>>
    %dma_start3A_12 = tpu.memref_squeeze %dma_start3A_11 : memref<1x80xi32, #tpu.memory_space<vmem>> -> memref<80xi32, #tpu.memory_space<vmem>>
    %dma_start3A_13 = arith.constant 0 : i32
    %dma_start3A_14 = tpu.memref_slice %arg3[%add3A, %dma_start3A, %dma_start3A_13] : memref<32x125x80xi32, #tpu.memory_space<hbm>> -> memref<1x1x80xi32, #tpu.memory_space<hbm>>
    %dma_start3A_15 = tpu.memref_squeeze %dma_start3A_14 : memref<1x1x80xi32, #tpu.memory_space<hbm>> -> memref<80xi32, #tpu.memory_space<hbm>>
    tpu.enqueue_dma source(%dma_start3A_15 : memref<80xi32, #tpu.memory_space<hbm>>) target(%dma_start3A_12 : memref<80xi32, #tpu.memory_space<vmem>>) target_semaphore(%arg22 : memref<!tpu.dma_semaphore, #tpu.memory_space<semaphore_mem>>)
    %dma_start3A_16 = arith.constant 0 : i32
    %dma_start3A_17 = arith.constant 0 : i32
    %dma_start3A_18 = arith.constant 0 : i32
    %dma_start3A_19 = tpu.memref_slice %arg8[%dma_start3A_17, %dma_start3A_18] : memref<4x80xi32, #tpu.memory_space<vmem>> -> memref<1x80xi32, #tpu.memory_space<vmem>>
    %dma_start3A_20 = tpu.memref_squeeze %dma_start3A_19 : memref<1x80xi32, #tpu.memory_space<vmem>> -> memref<80xi32, #tpu.memory_space<vmem>>
    %dma_start3A_21 = arith.constant 0 : i32
    %dma_start3A_22 = tpu.memref_slice %arg4[%add3A, %dma_start3A_16, %dma_start3A_21] : memref<32x125x80xi32, #tpu.memory_space<hbm>> -> memref<1x1x80xi32, #tpu.memory_space<hbm>>
    %dma_start3A_23 = tpu.memref_squeeze %dma_start3A_22 : memref<1x1x80xi32, #tpu.memory_space<hbm>> -> memref<80xi32, #tpu.memory_space<hbm>>
    %dma_start3A_24 = arith.constant 0 : i32
    %dma_start3A_25 = tpu.memref_slice %arg8[%dma_start3A_17, %dma_start3A_24] : memref<4x80xi32, #tpu.memory_space<vmem>> -> memref<1x80xi32, #tpu.memory_space<vmem>>
    %dma_start3A_26 = tpu.memref_squeeze %dma_start3A_25 : memref<1x80xi32, #tpu.memory_space<vmem>> -> memref<80xi32, #tpu.memory_space<vmem>>
    %dma_start3A_27 = arith.constant 0 : i32
    %dma_start3A_28 = tpu.memref_slice %arg4[%add3A, %dma_start3A_16, %dma_start3A_27] : memref<32x125x80xi32, #tpu.memory_space<hbm>> -> memref<1x1x80xi32, #tpu.memory_space<hbm>>
    %dma_start3A_29 = tpu.memref_squeeze %dma_start3A_28 : memref<1x1x80xi32, #tpu.memory_space<hbm>> -> memref<80xi32, #tpu.memory_space<hbm>>
    tpu.enqueue_dma source(%dma_start3A_29 : memref<80xi32, #tpu.memory_space<hbm>>) target(%dma_start3A_26 : memref<80xi32, #tpu.memory_space<vmem>>) target_semaphore(%arg22 : memref<!tpu.dma_semaphore, #tpu.memory_space<semaphore_mem>>)
    %dma_start3A_30 = arith.constant 1 : i32
    %dma_start3A_31 = arith.constant 1 : i32
    %dma_start3A_32 = arith.constant 0 : i32
    %dma_start3A_33 = tpu.memref_slice %arg7[%dma_start3A_31, %dma_start3A_32] : memref<4x80xi32, #tpu.memory_space<vmem>> -> memref<1x80xi32, #tpu.memory_space<vmem>>
    %dma_start3A_34 = tpu.memref_squeeze %dma_start3A_33 : memref<1x80xi32, #tpu.memory_space<vmem>> -> memref<80xi32, #tpu.memory_space<vmem>>
    %dma_start3A_35 = arith.constant 0 : i32
    %dma_start3A_36 = tpu.memref_slice %arg3[%add3A, %dma_start3A_30, %dma_start3A_35] : memref<32x125x80xi32, #tpu.memory_space<hbm>> -> memref<1x1x80xi32, #tpu.memory_space<hbm>>
    %dma_start3A_37 = tpu.memref_squeeze %dma_start3A_36 : memref<1x1x80xi32, #tpu.memory_space<hbm>> -> memref<80xi32, #tpu.memory_space<hbm>>
    %dma_start3A_38 = arith.constant 0 : i32
    %dma_start3A_39 = tpu.memref_slice %arg7[%dma_start3A_31, %dma_start3A_38] : memref<4x80xi32, #tpu.memory_space<vmem>> -> memref<1x80xi32, #tpu.memory_space<vmem>>
    %dma_start3A_40 = tpu.memref_squeeze %dma_start3A_39 : memref<1x80xi32, #tpu.memory_space<vmem>> -> memref<80xi32, #tpu.memory_space<vmem>>
    %dma_start3A_41 = arith.constant 0 : i32
    %dma_start3A_42 = tpu.memref_slice %arg3[%add3A, %dma_start3A_30, %dma_start3A_41] : memref<32x125x80xi32, #tpu.memory_space<hbm>> -> memref<1x1x80xi32, #tpu.memory_space<hbm>>
    %dma_start3A_43 = tpu.memref_squeeze %dma_start3A_42 : memref<1x1x80xi32, #tpu.memory_space<hbm>> -> memref<80xi32, #tpu.memory_space<hbm>>
    tpu.enqueue_dma source(%dma_start3A_43 : memref<80xi32, #tpu.memory_space<hbm>>) target(%dma_start3A_40 : memref<80xi32, #tpu.memory_space<vmem>>) target_semaphore(%arg23 : memref<!tpu.dma_semaphore, #tpu.memory_space<semaphore_mem>>)
    %dma_start3A_44 = arith.constant 1 : i32
    %dma_start3A_45 = arith.constant 1 : i32
    %dma_start3A_46 = arith.constant 0 : i32
    %dma_start3A_47 = tpu.memref_slice %arg8[%dma_start3A_45, %dma_start3A_46] : memref<4x80xi32, #tpu.memory_space<vmem>> -> memref<1x80xi32, #tpu.memory_space<vmem>>
    %dma_start3A_48 = tpu.memref_squeeze %dma_start3A_47 : memref<1x80xi32, #tpu.memory_space<vmem>> -> memref<80xi32, #tpu.memory_space<vmem>>
    %dma_start3A_49 = arith.constant 0 : i32
    %dma_start3A_50 = tpu.memref_slice %arg4[%add3A, %dma_start3A_44, %dma_start3A_49] : memref<32x125x80xi32, #tpu.memory_space<hbm>> -> memref<1x1x80xi32, #tpu.memory_space<hbm>>
    %dma_start3A_51 = tpu.memref_squeeze %dma_start3A_50 : memref<1x1x80xi32, #tpu.memory_space<hbm>> -> memref<80xi32, #tpu.memory_space<hbm>>
    %dma_start3A_52 = arith.constant 0 : i32
    %dma_start3A_53 = tpu.memref_slice %arg8[%dma_start3A_45, %dma_start3A_52] : memref<4x80xi32, #tpu.memory_space<vmem>> -> memref<1x80xi32, #tpu.memory_space<vmem>>
    %dma_start3A_54 = tpu.memref_squeeze %dma_start3A_53 : memref<1x80xi32, #tpu.memory_space<vmem>> -> memref<80xi32, #tpu.memory_space<vmem>>
    %dma_start3A_55 = arith.constant 0 : i32
    %dma_start3A_56 = tpu.memref_slice %arg4[%add3A, %dma_start3A_44, %dma_start3A_55] : memref<32x125x80xi32, #tpu.memory_space<hbm>> -> memref<1x1x80xi32, #tpu.memory_space<hbm>>
    %dma_start3A_57 = tpu.memref_squeeze %dma_start3A_56 : memref<1x1x80xi32, #tpu.memory_space<hbm>> -> memref<80xi32, #tpu.memory_space<hbm>>
    tpu.enqueue_dma source(%dma_start3A_57 : memref<80xi32, #tpu.memory_space<hbm>>) target(%dma_start3A_54 : memref<80xi32, #tpu.memory_space<vmem>>) target_semaphore(%arg23 : memref<!tpu.dma_semaphore, #tpu.memory_space<semaphore_mem>>)
    %dma_start3A_58 = arith.constant 2 : i32
    %dma_start3A_59 = arith.constant 2 : i32
    %dma_start3A_60 = arith.constant 0 : i32
    %dma_start3A_61 = tpu.memref_slice %arg7[%dma_start3A_59, %dma_start3A_60] : memref<4x80xi32, #tpu.memory_space<vmem>> -> memref<1x80xi32, #tpu.memory_space<vmem>>
    %dma_start3A_62 = tpu.memref_squeeze %dma_start3A_61 : memref<1x80xi32, #tpu.memory_space<vmem>> -> memref<80xi32, #tpu.memory_space<vmem>>
    %dma_start3A_63 = arith.constant 0 : i32
    %dma_start3A_64 = tpu.memref_slice %arg3[%add3A, %dma_start3A_58, %dma_start3A_63] : memref<32x125x80xi32, #tpu.memory_space<hbm>> -> memref<1x1x80xi32, #tpu.memory_space<hbm>>
    %dma_start3A_65 = tpu.memref_squeeze %dma_start3A_64 : memref<1x1x80xi32, #tpu.memory_space<hbm>> -> memref<80xi32, #tpu.memory_space<hbm>>
    %dma_start3A_66 = arith.constant 0 : i32
    %dma_start3A_67 = tpu.memref_slice %arg7[%dma_start3A_59, %dma_start3A_66] : memref<4x80xi32, #tpu.memory_space<vmem>> -> memref<1x80xi32, #tpu.memory_space<vmem>>
    %dma_start3A_68 = tpu.memref_squeeze %dma_start3A_67 : memref<1x80xi32, #tpu.memory_space<vmem>> -> memref<80xi32, #tpu.memory_space<vmem>>
    %dma_start3A_69 = arith.constant 0 : i32
    %dma_start3A_70 = tpu.memref_slice %arg3[%add3A, %dma_start3A_58, %dma_start3A_69] : memref<32x125x80xi32, #tpu.memory_space<hbm>> -> memref<1x1x80xi32, #tpu.memory_space<hbm>>
    %dma_start3A_71 = tpu.memref_squeeze %dma_start3A_70 : memref<1x1x80xi32, #tpu.memory_space<hbm>> -> memref<80xi32, #tpu.memory_space<hbm>>
    tpu.enqueue_dma source(%dma_start3A_71 : memref<80xi32, #tpu.memory_space<hbm>>) target(%dma_start3A_68 : memref<80xi32, #tpu.memory_space<vmem>>) target_semaphore(%arg24 : memref<!tpu.dma_semaphore, #tpu.memory_space<semaphore_mem>>)
    %dma_start3A_72 = arith.constant 2 : i32
    %dma_start3A_73 = arith.constant 2 : i32
    %dma_start3A_74 = arith.constant 0 : i32
    %dma_start3A_75 = tpu.memref_slice %arg8[%dma_start3A_73, %dma_start3A_74] : memref<4x80xi32, #tpu.memory_space<vmem>> -> memref<1x80xi32, #tpu.memory_space<vmem>>
    %dma_start3A_76 = tpu.memref_squeeze %dma_start3A_75 : memref<1x80xi32, #tpu.memory_space<vmem>> -> memref<80xi32, #tpu.memory_space<vmem>>
    %dma_start3A_77 = arith.constant 0 : i32
    %dma_start3A_78 = tpu.memref_slice %arg4[%add3A, %dma_start3A_72, %dma_start3A_77] : memref<32x125x80xi32, #tpu.memory_space<hbm>> -> memref<1x1x80xi32, #tpu.memory_space<hbm>>
    %dma_start3A_79 = tpu.memref_squeeze %dma_start3A_78 : memref<1x1x80xi32, #tpu.memory_space<hbm>> -> memref<80xi32, #tpu.memory_space<hbm>>
    %dma_start3A_80 = arith.constant 0 : i32
    %dma_start3A_81 = tpu.memref_slice %arg8[%dma_start3A_73, %dma_start3A_80] : memref<4x80xi32, #tpu.memory_space<vmem>> -> memref<1x80xi32, #tpu.memory_space<vmem>>
    %dma_start3A_82 = tpu.memref_squeeze %dma_start3A_81 : memref<1x80xi32, #tpu.memory_space<vmem>> -> memref<80xi32, #tpu.memory_space<vmem>>
    %dma_start3A_83 = arith.constant 0 : i32
    %dma_start3A_84 = tpu.memref_slice %arg4[%add3A, %dma_start3A_72, %dma_start3A_83] : memref<32x125x80xi32, #tpu.memory_space<hbm>> -> memref<1x1x80xi32, #tpu.memory_space<hbm>>
    %dma_start3A_85 = tpu.memref_squeeze %dma_start3A_84 : memref<1x1x80xi32, #tpu.memory_space<hbm>> -> memref<80xi32, #tpu.memory_space<hbm>>
    tpu.enqueue_dma source(%dma_start3A_85 : memref<80xi32, #tpu.memory_space<hbm>>) target(%dma_start3A_82 : memref<80xi32, #tpu.memory_space<vmem>>) target_semaphore(%arg24 : memref<!tpu.dma_semaphore, #tpu.memory_space<semaphore_mem>>)
    %dma_start3A_86 = arith.constant 3 : i32
    %dma_start3A_87 = arith.constant 3 : i32
    %dma_start3A_88 = arith.constant 0 : i32
    %dma_start3A_89 = tpu.memref_slice %arg7[%dma_start3A_87, %dma_start3A_88] : memref<4x80xi32, #tpu.memory_space<vmem>> -> memref<1x80xi32, #tpu.memory_space<vmem>>
    %dma_start3A_90 = tpu.memref_squeeze %dma_start3A_89 : memref<1x80xi32, #tpu.memory_space<vmem>> -> memref<80xi32, #tpu.memory_space<vmem>>
    %dma_start3A_91 = arith.constant 0 : i32
    %dma_start3A_92 = tpu.memref_slice %arg3[%add3A, %dma_start3A_86, %dma_start3A_91] : memref<32x125x80xi32, #tpu.memory_space<hbm>> -> memref<1x1x80xi32, #tpu.memory_space<hbm>>
    %dma_start3A_93 = tpu.memref_squeeze %dma_start3A_92 : memref<1x1x80xi32, #tpu.memory_space<hbm>> -> memref<80xi32, #tpu.memory_space<hbm>>
    %dma_start3A_94 = arith.constant 0 : i32
    %dma_start3A_95 = tpu.memref_slice %arg7[%dma_start3A_87, %dma_start3A_94] : memref<4x80xi32, #tpu.memory_space<vmem>> -> memref<1x80xi32, #tpu.memory_space<vmem>>
    %dma_start3A_96 = tpu.memref_squeeze %dma_start3A_95 : memref<1x80xi32, #tpu.memory_space<vmem>> -> memref<80xi32, #tpu.memory_space<vmem>>
    %dma_start3A_97 = arith.constant 0 : i32
    %dma_start3A_98 = tpu.memref_slice %arg3[%add3A, %dma_start3A_86, %dma_start3A_97] : memref<32x125x80xi32, #tpu.memory_space<hbm>> -> memref<1x1x80xi32, #tpu.memory_space<hbm>>
    %dma_start3A_99 = tpu.memref_squeeze %dma_start3A_98 : memref<1x1x80xi32, #tpu.memory_space<hbm>> -> memref<80xi32, #tpu.memory_space<hbm>>
    tpu.enqueue_dma source(%dma_start3A_99 : memref<80xi32, #tpu.memory_space<hbm>>) target(%dma_start3A_96 : memref<80xi32, #tpu.memory_space<vmem>>) target_semaphore(%arg25 : memref<!tpu.dma_semaphore, #tpu.memory_space<semaphore_mem>>)
    %dma_start3A_100 = arith.constant 3 : i32
    %dma_start3A_101 = arith.constant 3 : i32
    %dma_start3A_102 = arith.constant 0 : i32
    %dma_start3A_103 = tpu.memref_slice %arg8[%dma_start3A_101, %dma_start3A_102] : memref<4x80xi32, #tpu.memory_space<vmem>> -> memref<1x80xi32, #tpu.memory_space<vmem>>
    %dma_start3A_104 = tpu.memref_squeeze %dma_start3A_103 : memref<1x80xi32, #tpu.memory_space<vmem>> -> memref<80xi32, #tpu.memory_space<vmem>>
    %dma_start3A_105 = arith.constant 0 : i32
    %dma_start3A_106 = tpu.memref_slice %arg4[%add3A, %dma_start3A_100, %dma_start3A_105] : memref<32x125x80xi32, #tpu.memory_space<hbm>> -> memref<1x1x80xi32, #tpu.memory_space<hbm>>
    %dma_start3A_107 = tpu.memref_squeeze %dma_start3A_106 : memref<1x1x80xi32, #tpu.memory_space<hbm>> -> memref<80xi32, #tpu.memory_space<hbm>>
    %dma_start3A_108 = arith.constant 0 : i32
    %dma_start3A_109 = tpu.memref_slice %arg8[%dma_start3A_101, %dma_start3A_108] : memref<4x80xi32, #tpu.memory_space<vmem>> -> memref<1x80xi32, #tpu.memory_space<vmem>>
    %dma_start3A_110 = tpu.memref_squeeze %dma_start3A_109 : memref<1x80xi32, #tpu.memory_space<vmem>> -> memref<80xi32, #tpu.memory_space<vmem>>
    %dma_start3A_111 = arith.constant 0 : i32
    %dma_start3A_112 = tpu.memref_slice %arg4[%add3A, %dma_start3A_100, %dma_start3A_111] : memref<32x125x80xi32, #tpu.memory_space<hbm>> -> memref<1x1x80xi32, #tpu.memory_space<hbm>>
    %dma_start3A_113 = tpu.memref_squeeze %dma_start3A_112 : memref<1x1x80xi32, #tpu.memory_space<hbm>> -> memref<80xi32, #tpu.memory_space<hbm>>
    tpu.enqueue_dma source(%dma_start3A_113 : memref<80xi32, #tpu.memory_space<hbm>>) target(%dma_start3A_110 : memref<80xi32, #tpu.memory_space<vmem>>) target_semaphore(%arg25 : memref<!tpu.dma_semaphore, #tpu.memory_space<semaphore_mem>>)
    "tpu.region"() ({
      %run_scoped3A = tpu.sem_alloc : memref<!tpu.dma_semaphore, #tpu.memory_space<semaphore_mem>>
      %dma_start3A_198 = arith.constant 0 : i32
      %dma_start3A_199 = tpu.memref_slice %arg13[%mul3A_2, %dma_start3A_198] : memref<10240x128xf32, #tpu.memory_space<vmem_shared>> -> memref<640x128xf32, #tpu.memory_space<vmem_shared>>
      %dma_start3A_200 = arith.constant 0 : i32
      %dma_start3A_201 = tpu.memref_slice %arg5[%mul3A_2, %dma_start3A_200] : memref<10240x128xf32, #tpu.memory_space<hbm>> -> memref<640x128xf32, #tpu.memory_space<hbm>>
      tpu.enqueue_dma source(%dma_start3A_201 : memref<640x128xf32, #tpu.memory_space<hbm>>) target(%dma_start3A_199 : memref<640x128xf32, #tpu.memory_space<vmem_shared>>) target_semaphore(%run_scoped3A : memref<!tpu.dma_semaphore, #tpu.memory_space<semaphore_mem>>)
      %dma_wait3A_202 = arith.constant 0 : i32
      %dma_wait3A_203 = tpu.memref_slice %arg13[%mul3A_2, %dma_wait3A_202] : memref<10240x128xf32, #tpu.memory_space<vmem_shared>> -> memref<640x128xf32, #tpu.memory_space<vmem_shared>>
      %dma_wait3A_204 = arith.constant 0 : i32
      %dma_wait3A_205 = tpu.memref_slice %arg5[%mul3A_2, %dma_wait3A_204] : memref<10240x128xf32, #tpu.memory_space<hbm>> -> memref<640x128xf32, #tpu.memory_space<hbm>>
      tpu.wait_dma2 semaphore(%run_scoped3A : memref<!tpu.dma_semaphore, #tpu.memory_space<semaphore_mem>>) src(%dma_wait3A_205 : memref<640x128xf32, #tpu.memory_space<hbm>>) dst(%dma_wait3A_203 : memref<640x128xf32, #tpu.memory_space<vmem_shared>>)
      tpu.yield
    }) : () -> ()
    %barrier3A = arith.constant 0 : index
    tpu.barrier barrier_id(%barrier3A)
    %scan3A = arith.constant 0 : i32
    %scan3A_114 = arith.constant 0 : i32
    %scan3A_115 = arith.constant 31 : i32
    %scan3A_116 = arith.addi %scan3A_114, %scan3A_115 : i32
    %scan3A_117 = arith.constant 1 : i32
    scf.for %scan3A_198 = %scan3A_114 to %scan3A_116 step %scan3A_117  : i32 {
      %dma_wait3A_199 = arith.constant 0 : i32
      %dma_wait3A_200 = arith.constant 0 : i32
      %dma_wait3A_201 = arith.constant 0 : i32
      %dma_wait3A_202 = arith.constant 0 : i32
      %dma_wait3A_203 = tpu.memref_slice %arg7[%dma_wait3A_201, %dma_wait3A_202] : memref<4x80xi32, #tpu.memory_space<vmem>> -> memref<1x80xi32, #tpu.memory_space<vmem>>
      %dma_wait3A_204 = tpu.memref_squeeze %dma_wait3A_203 : memref<1x80xi32, #tpu.memory_space<vmem>> -> memref<80xi32, #tpu.memory_space<vmem>>
      %dma_wait3A_205 = arith.constant 0 : i32
      %dma_wait3A_206 = tpu.memref_slice %arg3[%dma_wait3A_199, %dma_wait3A_200, %dma_wait3A_205] : memref<32x125x80xi32, #tpu.memory_space<hbm>> -> memref<1x1x80xi32, #tpu.memory_space<hbm>>
      %dma_wait3A_207 = tpu.memref_squeeze %dma_wait3A_206 : memref<1x1x80xi32, #tpu.memory_space<hbm>> -> memref<80xi32, #tpu.memory_space<hbm>>
      %dma_wait3A_208 = arith.constant 0 : i32
      %dma_wait3A_209 = tpu.memref_slice %arg7[%dma_wait3A_201, %dma_wait3A_208] : memref<4x80xi32, #tpu.memory_space<vmem>> -> memref<1x80xi32, #tpu.memory_space<vmem>>
      %dma_wait3A_210 = tpu.memref_squeeze %dma_wait3A_209 : memref<1x80xi32, #tpu.memory_space<vmem>> -> memref<80xi32, #tpu.memory_space<vmem>>
      %dma_wait3A_211 = arith.constant 0 : i32
      %dma_wait3A_212 = tpu.memref_slice %arg3[%dma_wait3A_199, %dma_wait3A_200, %dma_wait3A_211] : memref<32x125x80xi32, #tpu.memory_space<hbm>> -> memref<1x1x80xi32, #tpu.memory_space<hbm>>
      %dma_wait3A_213 = tpu.memref_squeeze %dma_wait3A_212 : memref<1x1x80xi32, #tpu.memory_space<hbm>> -> memref<80xi32, #tpu.memory_space<hbm>>
      tpu.wait_dma2 semaphore(%arg22 : memref<!tpu.dma_semaphore, #tpu.memory_space<semaphore_mem>>) src(%dma_wait3A_213 : memref<80xi32, #tpu.memory_space<hbm>>) dst(%dma_wait3A_210 : memref<80xi32, #tpu.memory_space<vmem>>)
      %dma_wait3A_214 = arith.constant 0 : i32
      %dma_wait3A_215 = arith.constant 0 : i32
      %dma_wait3A_216 = arith.constant 0 : i32
      %dma_wait3A_217 = arith.constant 0 : i32
      %dma_wait3A_218 = tpu.memref_slice %arg8[%dma_wait3A_216, %dma_wait3A_217] : memref<4x80xi32, #tpu.memory_space<vmem>> -> memref<1x80xi32, #tpu.memory_space<vmem>>
      %dma_wait3A_219 = tpu.memref_squeeze %dma_wait3A_218 : memref<1x80xi32, #tpu.memory_space<vmem>> -> memref<80xi32, #tpu.memory_space<vmem>>
      %dma_wait3A_220 = arith.constant 0 : i32
      %dma_wait3A_221 = tpu.memref_slice %arg3[%dma_wait3A_214, %dma_wait3A_215, %dma_wait3A_220] : memref<32x125x80xi32, #tpu.memory_space<hbm>> -> memref<1x1x80xi32, #tpu.memory_space<hbm>>
      %dma_wait3A_222 = tpu.memref_squeeze %dma_wait3A_221 : memref<1x1x80xi32, #tpu.memory_space<hbm>> -> memref<80xi32, #tpu.memory_space<hbm>>
      %dma_wait3A_223 = arith.constant 0 : i32
      %dma_wait3A_224 = tpu.memref_slice %arg8[%dma_wait3A_216, %dma_wait3A_223] : memref<4x80xi32, #tpu.memory_space<vmem>> -> memref<1x80xi32, #tpu.memory_space<vmem>>
      %dma_wait3A_225 = tpu.memref_squeeze %dma_wait3A_224 : memref<1x80xi32, #tpu.memory_space<vmem>> -> memref<80xi32, #tpu.memory_space<vmem>>
      %dma_wait3A_226 = arith.constant 0 : i32
      %dma_wait3A_227 = tpu.memref_slice %arg3[%dma_wait3A_214, %dma_wait3A_215, %dma_wait3A_226] : memref<32x125x80xi32, #tpu.memory_space<hbm>> -> memref<1x1x80xi32, #tpu.memory_space<hbm>>
      %dma_wait3A_228 = tpu.memref_squeeze %dma_wait3A_227 : memref<1x1x80xi32, #tpu.memory_space<hbm>> -> memref<80xi32, #tpu.memory_space<hbm>>
      tpu.wait_dma2 semaphore(%arg22 : memref<!tpu.dma_semaphore, #tpu.memory_space<semaphore_mem>>) src(%dma_wait3A_228 : memref<80xi32, #tpu.memory_space<hbm>>) dst(%dma_wait3A_225 : memref<80xi32, #tpu.memory_space<vmem>>)
      %dma_start3A_229 = arith.constant 0 : i32
      %dma_start3A_230 = arith.constant 0 : i32
      %dma_start3A_231 = tpu.memref_slice %arg8[%dma_start3A_229, %dma_start3A_230] : memref<4x80xi32, #tpu.memory_space<vmem>> -> memref<1x80xi32, #tpu.memory_space<vmem>>
      %dma_start3A_232 = tpu.memref_squeeze %dma_start3A_231 : memref<1x80xi32, #tpu.memory_space<vmem>> -> memref<80xi32, #tpu.memory_space<vmem>>
      %dma_start3A_233 = arith.constant 0 : i32
      %dma_start3A_234 = arith.constant 0 : i32
      %dma_start3A_235 = tpu.memref_slice %arg2[%dma_start3A_233, %dma_start3A_234] : memref<10000x128xf32, #tpu.memory_space<hbm>> -> memref<10000x128xf32, #tpu.memory_space<hbm>>
      tpu.enqueue_indirect_dma source(%dma_start3A_235 : memref<10000x128xf32, #tpu.memory_space<hbm>>) target(%arg9 : memref<80x128xf32, #tpu.memory_space<vmem>>) offsets(%dma_start3A_232 : memref<80xi32, #tpu.memory_space<vmem>>) semaphore(%arg14 : memref<!tpu.dma_semaphore, #tpu.memory_space<semaphore_mem>>)
      %dma_wait3A_236 = arith.constant 0 : i32
      %dma_wait3A_237 = arith.constant 0 : i32
      %dma_wait3A_238 = arith.constant 1 : i32
      %dma_wait3A_239 = arith.constant 0 : i32
      %dma_wait3A_240 = tpu.memref_slice %arg7[%dma_wait3A_238, %dma_wait3A_239] : memref<4x80xi32, #tpu.memory_space<vmem>> -> memref<1x80xi32, #tpu.memory_space<vmem>>
      %dma_wait3A_241 = tpu.memref_squeeze %dma_wait3A_240 : memref<1x80xi32, #tpu.memory_space<vmem>> -> memref<80xi32, #tpu.memory_space<vmem>>
      %dma_wait3A_242 = arith.constant 0 : i32
      %dma_wait3A_243 = tpu.memref_slice %arg3[%dma_wait3A_236, %dma_wait3A_237, %dma_wait3A_242] : memref<32x125x80xi32, #tpu.memory_space<hbm>> -> memref<1x1x80xi32, #tpu.memory_space<hbm>>
      %dma_wait3A_244 = tpu.memref_squeeze %dma_wait3A_243 : memref<1x1x80xi32, #tpu.memory_space<hbm>> -> memref<80xi32, #tpu.memory_space<hbm>>
      %dma_wait3A_245 = arith.constant 0 : i32
      %dma_wait3A_246 = tpu.memref_slice %arg7[%dma_wait3A_238, %dma_wait3A_245] : memref<4x80xi32, #tpu.memory_space<vmem>> -> memref<1x80xi32, #tpu.memory_space<vmem>>
      %dma_wait3A_247 = tpu.memref_squeeze %dma_wait3A_246 : memref<1x80xi32, #tpu.memory_space<vmem>> -> memref<80xi32, #tpu.memory_space<vmem>>
      %dma_wait3A_248 = arith.constant 0 : i32
      %dma_wait3A_249 = tpu.memref_slice %arg3[%dma_wait3A_236, %dma_wait3A_237, %dma_wait3A_248] : memref<32x125x80xi32, #tpu.memory_space<hbm>> -> memref<1x1x80xi32, #tpu.memory_space<hbm>>
      %dma_wait3A_250 = tpu.memref_squeeze %dma_wait3A_249 : memref<1x1x80xi32, #tpu.memory_space<hbm>> -> memref<80xi32, #tpu.memory_space<hbm>>
      tpu.wait_dma2 semaphore(%arg23 : memref<!tpu.dma_semaphore, #tpu.memory_space<semaphore_mem>>) src(%dma_wait3A_250 : memref<80xi32, #tpu.memory_space<hbm>>) dst(%dma_wait3A_247 : memref<80xi32, #tpu.memory_space<vmem>>)
      %dma_wait3A_251 = arith.constant 0 : i32
      %dma_wait3A_252 = arith.constant 0 : i32
      %dma_wait3A_253 = arith.constant 1 : i32
      %dma_wait3A_254 = arith.constant 0 : i32
      %dma_wait3A_255 = tpu.memref_slice %arg8[%dma_wait3A_253, %dma_wait3A_254] : memref<4x80xi32, #tpu.memory_space<vmem>> -> memref<1x80xi32, #tpu.memory_space<vmem>>
      %dma_wait3A_256 = tpu.memref_squeeze %dma_wait3A_255 : memref<1x80xi32, #tpu.memory_space<vmem>> -> memref<80xi32, #tpu.memory_space<vmem>>
      %dma_wait3A_257 = arith.constant 0 : i32
      %dma_wait3A_258 = tpu.memref_slice %arg3[%dma_wait3A_251, %dma_wait3A_252, %dma_wait3A_257] : memref<32x125x80xi32, #tpu.memory_space<hbm>> -> memref<1x1x80xi32, #tpu.memory_space<hbm>>
      %dma_wait3A_259 = tpu.memref_squeeze %dma_wait3A_258 : memref<1x1x80xi32, #tpu.memory_space<hbm>> -> memref<80xi32, #tpu.memory_space<hbm>>
      %dma_wait3A_260 = arith.constant 0 : i32
      %dma_wait3A_261 = tpu.memref_slice %arg8[%dma_wait3A_253, %dma_wait3A_260] : memref<4x80xi32, #tpu.memory_space<vmem>> -> memref<1x80xi32, #tpu.memory_space<vmem>>
      %dma_wait3A_262 = tpu.memref_squeeze %dma_wait3A_261 : memref<1x80xi32, #tpu.memory_space<vmem>> -> memref<80xi32, #tpu.memory_space<vmem>>
      %dma_wait3A_263 = arith.constant 0 : i32
      %dma_wait3A_264 = tpu.memref_slice %arg3[%dma_wait3A_251, %dma_wait3A_252, %dma_wait3A_263] : memref<32x125x80xi32, #tpu.memory_space<hbm>> -> memref<1x1x80xi32, #tpu.memory_space<hbm>>
      %dma_wait3A_265 = tpu.memref_squeeze %dma_wait3A_264 : memref<1x1x80xi32, #tpu.memory_space<hbm>> -> memref<80xi32, #tpu.memory_space<hbm>>
      tpu.wait_dma2 semaphore(%arg23 : memref<!tpu.dma_semaphore, #tpu.memory_space<semaphore_mem>>) src(%dma_wait3A_265 : memref<80xi32, #tpu.memory_space<hbm>>) dst(%dma_wait3A_262 : memref<80xi32, #tpu.memory_space<vmem>>)
      %dma_start3A_266 = arith.constant 1 : i32
      %dma_start3A_267 = arith.constant 0 : i32
      %dma_start3A_268 = tpu.memref_slice %arg8[%dma_start3A_266, %dma_start3A_267] : memref<4x80xi32, #tpu.memory_space<vmem>> -> memref<1x80xi32, #tpu.memory_space<vmem>>
      %dma_start3A_269 = tpu.memref_squeeze %dma_start3A_268 : memref<1x80xi32, #tpu.memory_space<vmem>> -> memref<80xi32, #tpu.memory_space<vmem>>
      %dma_start3A_270 = arith.constant 0 : i32
      %dma_start3A_271 = arith.constant 0 : i32
      %dma_start3A_272 = tpu.memref_slice %arg2[%dma_start3A_270, %dma_start3A_271] : memref<10000x128xf32, #tpu.memory_space<hbm>> -> memref<10000x128xf32, #tpu.memory_space<hbm>>
      tpu.enqueue_indirect_dma source(%dma_start3A_272 : memref<10000x128xf32, #tpu.memory_space<hbm>>) target(%arg10 : memref<80x128xf32, #tpu.memory_space<vmem>>) offsets(%dma_start3A_269 : memref<80xi32, #tpu.memory_space<vmem>>) semaphore(%arg15 : memref<!tpu.dma_semaphore, #tpu.memory_space<semaphore_mem>>)
      %dma_wait3A_273 = arith.constant 0 : i32
      %dma_wait3A_274 = arith.constant 0 : i32
      %dma_wait3A_275 = arith.constant 2 : i32
      %dma_wait3A_276 = arith.constant 0 : i32
      %dma_wait3A_277 = tpu.memref_slice %arg7[%dma_wait3A_275, %dma_wait3A_276] : memref<4x80xi32, #tpu.memory_space<vmem>> -> memref<1x80xi32, #tpu.memory_space<vmem>>
      %dma_wait3A_278 = tpu.memref_squeeze %dma_wait3A_277 : memref<1x80xi32, #tpu.memory_space<vmem>> -> memref<80xi32, #tpu.memory_space<vmem>>
      %dma_wait3A_279 = arith.constant 0 : i32
      %dma_wait3A_280 = tpu.memref_slice %arg3[%dma_wait3A_273, %dma_wait3A_274, %dma_wait3A_279] : memref<32x125x80xi32, #tpu.memory_space<hbm>> -> memref<1x1x80xi32, #tpu.memory_space<hbm>>
      %dma_wait3A_281 = tpu.memref_squeeze %dma_wait3A_280 : memref<1x1x80xi32, #tpu.memory_space<hbm>> -> memref<80xi32, #tpu.memory_space<hbm>>
      %dma_wait3A_282 = arith.constant 0 : i32
      %dma_wait3A_283 = tpu.memref_slice %arg7[%dma_wait3A_275, %dma_wait3A_282] : memref<4x80xi32, #tpu.memory_space<vmem>> -> memref<1x80xi32, #tpu.memory_space<vmem>>
      %dma_wait3A_284 = tpu.memref_squeeze %dma_wait3A_283 : memref<1x80xi32, #tpu.memory_space<vmem>> -> memref<80xi32, #tpu.memory_space<vmem>>
      %dma_wait3A_285 = arith.constant 0 : i32
      %dma_wait3A_286 = tpu.memref_slice %arg3[%dma_wait3A_273, %dma_wait3A_274, %dma_wait3A_285] : memref<32x125x80xi32, #tpu.memory_space<hbm>> -> memref<1x1x80xi32, #tpu.memory_space<hbm>>
      %dma_wait3A_287 = tpu.memref_squeeze %dma_wait3A_286 : memref<1x1x80xi32, #tpu.memory_space<hbm>> -> memref<80xi32, #tpu.memory_space<hbm>>
      tpu.wait_dma2 semaphore(%arg24 : memref<!tpu.dma_semaphore, #tpu.memory_space<semaphore_mem>>) src(%dma_wait3A_287 : memref<80xi32, #tpu.memory_space<hbm>>) dst(%dma_wait3A_284 : memref<80xi32, #tpu.memory_space<vmem>>)
      %dma_wait3A_288 = arith.constant 0 : i32
      %dma_wait3A_289 = arith.constant 0 : i32
      %dma_wait3A_290 = arith.constant 2 : i32
      %dma_wait3A_291 = arith.constant 0 : i32
      %dma_wait3A_292 = tpu.memref_slice %arg8[%dma_wait3A_290, %dma_wait3A_291] : memref<4x80xi32, #tpu.memory_space<vmem>> -> memref<1x80xi32, #tpu.memory_space<vmem>>
      %dma_wait3A_293 = tpu.memref_squeeze %dma_wait3A_292 : memref<1x80xi32, #tpu.memory_space<vmem>> -> memref<80xi32, #tpu.memory_space<vmem>>
      %dma_wait3A_294 = arith.constant 0 : i32
      %dma_wait3A_295 = tpu.memref_slice %arg3[%dma_wait3A_288, %dma_wait3A_289, %dma_wait3A_294] : memref<32x125x80xi32, #tpu.memory_space<hbm>> -> memref<1x1x80xi32, #tpu.memory_space<hbm>>
      %dma_wait3A_296 = tpu.memref_squeeze %dma_wait3A_295 : memref<1x1x80xi32, #tpu.memory_space<hbm>> -> memref<80xi32, #tpu.memory_space<hbm>>
      %dma_wait3A_297 = arith.constant 0 : i32
      %dma_wait3A_298 = tpu.memref_slice %arg8[%dma_wait3A_290, %dma_wait3A_297] : memref<4x80xi32, #tpu.memory_space<vmem>> -> memref<1x80xi32, #tpu.memory_space<vmem>>
      %dma_wait3A_299 = tpu.memref_squeeze %dma_wait3A_298 : memref<1x80xi32, #tpu.memory_space<vmem>> -> memref<80xi32, #tpu.memory_space<vmem>>
      %dma_wait3A_300 = arith.constant 0 : i32
      %dma_wait3A_301 = tpu.memref_slice %arg3[%dma_wait3A_288, %dma_wait3A_289, %dma_wait3A_300] : memref<32x125x80xi32, #tpu.memory_space<hbm>> -> memref<1x1x80xi32, #tpu.memory_space<hbm>>
      %dma_wait3A_302 = tpu.memref_squeeze %dma_wait3A_301 : memref<1x1x80xi32, #tpu.memory_space<hbm>> -> memref<80xi32, #tpu.memory_space<hbm>>
      tpu.wait_dma2 semaphore(%arg24 : memref<!tpu.dma_semaphore, #tpu.memory_space<semaphore_mem>>) src(%dma_wait3A_302 : memref<80xi32, #tpu.memory_space<hbm>>) dst(%dma_wait3A_299 : memref<80xi32, #tpu.memory_space<vmem>>)
      %dma_start3A_303 = arith.constant 2 : i32
      %dma_start3A_304 = arith.constant 0 : i32
      %dma_start3A_305 = tpu.memref_slice %arg8[%dma_start3A_303, %dma_start3A_304] : memref<4x80xi32, #tpu.memory_space<vmem>> -> memref<1x80xi32, #tpu.memory_space<vmem>>
      %dma_start3A_306 = tpu.memref_squeeze %dma_start3A_305 : memref<1x80xi32, #tpu.memory_space<vmem>> -> memref<80xi32, #tpu.memory_space<vmem>>
      %dma_start3A_307 = arith.constant 0 : i32
      %dma_start3A_308 = arith.constant 0 : i32
      %dma_start3A_309 = tpu.memref_slice %arg2[%dma_start3A_307, %dma_start3A_308] : memref<10000x128xf32, #tpu.memory_space<hbm>> -> memref<10000x128xf32, #tpu.memory_space<hbm>>
      tpu.enqueue_indirect_dma source(%dma_start3A_309 : memref<10000x128xf32, #tpu.memory_space<hbm>>) target(%arg11 : memref<80x128xf32, #tpu.memory_space<vmem>>) offsets(%dma_start3A_306 : memref<80xi32, #tpu.memory_space<vmem>>) semaphore(%arg16 : memref<!tpu.dma_semaphore, #tpu.memory_space<semaphore_mem>>)
      %dma_wait3A_310 = arith.constant 0 : i32
      %dma_wait3A_311 = arith.constant 0 : i32
      %dma_wait3A_312 = arith.constant 3 : i32
      %dma_wait3A_313 = arith.constant 0 : i32
      %dma_wait3A_314 = tpu.memref_slice %arg7[%dma_wait3A_312, %dma_wait3A_313] : memref<4x80xi32, #tpu.memory_space<vmem>> -> memref<1x80xi32, #tpu.memory_space<vmem>>
      %dma_wait3A_315 = tpu.memref_squeeze %dma_wait3A_314 : memref<1x80xi32, #tpu.memory_space<vmem>> -> memref<80xi32, #tpu.memory_space<vmem>>
      %dma_wait3A_316 = arith.constant 0 : i32
      %dma_wait3A_317 = tpu.memref_slice %arg3[%dma_wait3A_310, %dma_wait3A_311, %dma_wait3A_316] : memref<32x125x80xi32, #tpu.memory_space<hbm>> -> memref<1x1x80xi32, #tpu.memory_space<hbm>>
      %dma_wait3A_318 = tpu.memref_squeeze %dma_wait3A_317 : memref<1x1x80xi32, #tpu.memory_space<hbm>> -> memref<80xi32, #tpu.memory_space<hbm>>
      %dma_wait3A_319 = arith.constant 0 : i32
      %dma_wait3A_320 = tpu.memref_slice %arg7[%dma_wait3A_312, %dma_wait3A_319] : memref<4x80xi32, #tpu.memory_space<vmem>> -> memref<1x80xi32, #tpu.memory_space<vmem>>
      %dma_wait3A_321 = tpu.memref_squeeze %dma_wait3A_320 : memref<1x80xi32, #tpu.memory_space<vmem>> -> memref<80xi32, #tpu.memory_space<vmem>>
      %dma_wait3A_322 = arith.constant 0 : i32
      %dma_wait3A_323 = tpu.memref_slice %arg3[%dma_wait3A_310, %dma_wait3A_311, %dma_wait3A_322] : memref<32x125x80xi32, #tpu.memory_space<hbm>> -> memref<1x1x80xi32, #tpu.memory_space<hbm>>
      %dma_wait3A_324 = tpu.memref_squeeze %dma_wait3A_323 : memref<1x1x80xi32, #tpu.memory_space<hbm>> -> memref<80xi32, #tpu.memory_space<hbm>>
      tpu.wait_dma2 semaphore(%arg25 : memref<!tpu.dma_semaphore, #tpu.memory_space<semaphore_mem>>) src(%dma_wait3A_324 : memref<80xi32, #tpu.memory_space<hbm>>) dst(%dma_wait3A_321 : memref<80xi32, #tpu.memory_space<vmem>>)
      %dma_wait3A_325 = arith.constant 0 : i32
      %dma_wait3A_326 = arith.constant 0 : i32
      %dma_wait3A_327 = arith.constant 3 : i32
      %dma_wait3A_328 = arith.constant 0 : i32
      %dma_wait3A_329 = tpu.memref_slice %arg8[%dma_wait3A_327, %dma_wait3A_328] : memref<4x80xi32, #tpu.memory_space<vmem>> -> memref<1x80xi32, #tpu.memory_space<vmem>>
      %dma_wait3A_330 = tpu.memref_squeeze %dma_wait3A_329 : memref<1x80xi32, #tpu.memory_space<vmem>> -> memref<80xi32, #tpu.memory_space<vmem>>
      %dma_wait3A_331 = arith.constant 0 : i32
      %dma_wait3A_332 = tpu.memref_slice %arg3[%dma_wait3A_325, %dma_wait3A_326, %dma_wait3A_331] : memref<32x125x80xi32, #tpu.memory_space<hbm>> -> memref<1x1x80xi32, #tpu.memory_space<hbm>>
      %dma_wait3A_333 = tpu.memref_squeeze %dma_wait3A_332 : memref<1x1x80xi32, #tpu.memory_space<hbm>> -> memref<80xi32, #tpu.memory_space<hbm>>
      %dma_wait3A_334 = arith.constant 0 : i32
      %dma_wait3A_335 = tpu.memref_slice %arg8[%dma_wait3A_327, %dma_wait3A_334] : memref<4x80xi32, #tpu.memory_space<vmem>> -> memref<1x80xi32, #tpu.memory_space<vmem>>
      %dma_wait3A_336 = tpu.memref_squeeze %dma_wait3A_335 : memref<1x80xi32, #tpu.memory_space<vmem>> -> memref<80xi32, #tpu.memory_space<vmem>>
      %dma_wait3A_337 = arith.constant 0 : i32
      %dma_wait3A_338 = tpu.memref_slice %arg3[%dma_wait3A_325, %dma_wait3A_326, %dma_wait3A_337] : memref<32x125x80xi32, #tpu.memory_space<hbm>> -> memref<1x1x80xi32, #tpu.memory_space<hbm>>
      %dma_wait3A_339 = tpu.memref_squeeze %dma_wait3A_338 : memref<1x1x80xi32, #tpu.memory_space<hbm>> -> memref<80xi32, #tpu.memory_space<hbm>>
      tpu.wait_dma2 semaphore(%arg25 : memref<!tpu.dma_semaphore, #tpu.memory_space<semaphore_mem>>) src(%dma_wait3A_339 : memref<80xi32, #tpu.memory_space<hbm>>) dst(%dma_wait3A_336 : memref<80xi32, #tpu.memory_space<vmem>>)
      %dma_start3A_340 = arith.constant 3 : i32
      %dma_start3A_341 = arith.constant 0 : i32
      %dma_start3A_342 = tpu.memref_slice %arg8[%dma_start3A_340, %dma_start3A_341] : memref<4x80xi32, #tpu.memory_space<vmem>> -> memref<1x80xi32, #tpu.memory_space<vmem>>
      %dma_start3A_343 = tpu.memref_squeeze %dma_start3A_342 : memref<1x80xi32, #tpu.memory_space<vmem>> -> memref<80xi32, #tpu.memory_space<vmem>>
      %dma_start3A_344 = arith.constant 0 : i32
      %dma_start3A_345 = arith.constant 0 : i32
      %dma_start3A_346 = tpu.memref_slice %arg2[%dma_start3A_344, %dma_start3A_345] : memref<10000x128xf32, #tpu.memory_space<hbm>> -> memref<10000x128xf32, #tpu.memory_space<hbm>>
      tpu.enqueue_indirect_dma source(%dma_start3A_346 : memref<10000x128xf32, #tpu.memory_space<hbm>>) target(%arg12 : memref<80x128xf32, #tpu.memory_space<vmem>>) offsets(%dma_start3A_343 : memref<80xi32, #tpu.memory_space<vmem>>) semaphore(%arg17 : memref<!tpu.dma_semaphore, #tpu.memory_space<semaphore_mem>>)
      %dma_wait3A_347 = arith.constant 0 : i32
      %dma_wait3A_348 = arith.constant 0 : i32
      %dma_wait3A_349 = tpu.memref_slice %arg8[%dma_wait3A_347, %dma_wait3A_348] : memref<4x80xi32, #tpu.memory_space<vmem>> -> memref<1x80xi32, #tpu.memory_space<vmem>>
      %dma_wait3A_350 = tpu.memref_squeeze %dma_wait3A_349 : memref<1x80xi32, #tpu.memory_space<vmem>> -> memref<80xi32, #tpu.memory_space<vmem>>
      %dma_wait3A_351 = arith.constant 0 : i32
      %dma_wait3A_352 = arith.constant 0 : i32
      %dma_wait3A_353 = tpu.memref_slice %arg2[%dma_wait3A_351, %dma_wait3A_352] : memref<10000x128xf32, #tpu.memory_space<hbm>> -> memref<10000x128xf32, #tpu.memory_space<hbm>>
      tpu.wait_indirect_dma semaphore(%arg14 : memref<!tpu.dma_semaphore, #tpu.memory_space<semaphore_mem>>) src(%dma_wait3A_353 : memref<10000x128xf32, #tpu.memory_space<hbm>>) dst(%arg9 : memref<80x128xf32, #tpu.memory_space<vmem>>)
      %dma_start3A_354 = arith.constant 0 : i32
      %dma_start3A_355 = arith.constant 0 : i32
      %dma_start3A_356 = tpu.memref_slice %arg7[%dma_start3A_354, %dma_start3A_355] : memref<4x80xi32, #tpu.memory_space<vmem>> -> memref<1x80xi32, #tpu.memory_space<vmem>>
      %dma_start3A_357 = tpu.memref_squeeze %dma_start3A_356 : memref<1x80xi32, #tpu.memory_space<vmem>> -> memref<80xi32, #tpu.memory_space<vmem>>
      %dma_start3A_358 = arith.constant 0 : i32
      %dma_start3A_359 = arith.constant 0 : i32
      %dma_start3A_360 = tpu.memref_slice %arg13[%dma_start3A_358, %dma_start3A_359] : memref<10240x128xf32, #tpu.memory_space<vmem_shared>> -> memref<10240x128xf32, #tpu.memory_space<vmem_shared>>
      tpu.enqueue_indirect_dma source(%arg9 : memref<80x128xf32, #tpu.memory_space<vmem>>) target(%dma_start3A_360 : memref<10240x128xf32, #tpu.memory_space<vmem_shared>>) offsets(%dma_start3A_357 : memref<80xi32, #tpu.memory_space<vmem>>) semaphore(%arg18 : memref<!tpu.dma_semaphore, #tpu.memory_space<semaphore_mem>>) {add = true}
      %dma_wait3A_361 = arith.constant 1 : i32
      %dma_wait3A_362 = arith.constant 0 : i32
      %dma_wait3A_363 = tpu.memref_slice %arg8[%dma_wait3A_361, %dma_wait3A_362] : memref<4x80xi32, #tpu.memory_space<vmem>> -> memref<1x80xi32, #tpu.memory_space<vmem>>
      %dma_wait3A_364 = tpu.memref_squeeze %dma_wait3A_363 : memref<1x80xi32, #tpu.memory_space<vmem>> -> memref<80xi32, #tpu.memory_space<vmem>>
      %dma_wait3A_365 = arith.constant 0 : i32
      %dma_wait3A_366 = arith.constant 0 : i32
      %dma_wait3A_367 = tpu.memref_slice %arg2[%dma_wait3A_365, %dma_wait3A_366] : memref<10000x128xf32, #tpu.memory_space<hbm>> -> memref<10000x128xf32, #tpu.memory_space<hbm>>
      tpu.wait_indirect_dma semaphore(%arg15 : memref<!tpu.dma_semaphore, #tpu.memory_space<semaphore_mem>>) src(%dma_wait3A_367 : memref<10000x128xf32, #tpu.memory_space<hbm>>) dst(%arg10 : memref<80x128xf32, #tpu.memory_space<vmem>>)
      %dma_start3A_368 = arith.constant 1 : i32
      %dma_start3A_369 = arith.constant 0 : i32
      %dma_start3A_370 = tpu.memref_slice %arg7[%dma_start3A_368, %dma_start3A_369] : memref<4x80xi32, #tpu.memory_space<vmem>> -> memref<1x80xi32, #tpu.memory_space<vmem>>
      %dma_start3A_371 = tpu.memref_squeeze %dma_start3A_370 : memref<1x80xi32, #tpu.memory_space<vmem>> -> memref<80xi32, #tpu.memory_space<vmem>>
      %dma_start3A_372 = arith.constant 0 : i32
      %dma_start3A_373 = arith.constant 0 : i32
      %dma_start3A_374 = tpu.memref_slice %arg13[%dma_start3A_372, %dma_start3A_373] : memref<10240x128xf32, #tpu.memory_space<vmem_shared>> -> memref<10240x128xf32, #tpu.memory_space<vmem_shared>>
      tpu.enqueue_indirect_dma source(%arg10 : memref<80x128xf32, #tpu.memory_space<vmem>>) target(%dma_start3A_374 : memref<10240x128xf32, #tpu.memory_space<vmem_shared>>) offsets(%dma_start3A_371 : memref<80xi32, #tpu.memory_space<vmem>>) semaphore(%arg19 : memref<!tpu.dma_semaphore, #tpu.memory_space<semaphore_mem>>) {add = true}
      %dma_wait3A_375 = arith.constant 2 : i32
      %dma_wait3A_376 = arith.constant 0 : i32
      %dma_wait3A_377 = tpu.memref_slice %arg8[%dma_wait3A_375, %dma_wait3A_376] : memref<4x80xi32, #tpu.memory_space<vmem>> -> memref<1x80xi32, #tpu.memory_space<vmem>>
      %dma_wait3A_378 = tpu.memref_squeeze %dma_wait3A_377 : memref<1x80xi32, #tpu.memory_space<vmem>> -> memref<80xi32, #tpu.memory_space<vmem>>
      %dma_wait3A_379 = arith.constant 0 : i32
      %dma_wait3A_380 = arith.constant 0 : i32
      %dma_wait3A_381 = tpu.memref_slice %arg2[%dma_wait3A_379, %dma_wait3A_380] : memref<10000x128xf32, #tpu.memory_space<hbm>> -> memref<10000x128xf32, #tpu.memory_space<hbm>>
      tpu.wait_indirect_dma semaphore(%arg16 : memref<!tpu.dma_semaphore, #tpu.memory_space<semaphore_mem>>) src(%dma_wait3A_381 : memref<10000x128xf32, #tpu.memory_space<hbm>>) dst(%arg11 : memref<80x128xf32, #tpu.memory_space<vmem>>)
      %dma_start3A_382 = arith.constant 2 : i32
      %dma_start3A_383 = arith.constant 0 : i32
      %dma_start3A_384 = tpu.memref_slice %arg7[%dma_start3A_382, %dma_start3A_383] : memref<4x80xi32, #tpu.memory_space<vmem>> -> memref<1x80xi32, #tpu.memory_space<vmem>>
      %dma_start3A_385 = tpu.memref_squeeze %dma_start3A_384 : memref<1x80xi32, #tpu.memory_space<vmem>> -> memref<80xi32, #tpu.memory_space<vmem>>
      %dma_start3A_386 = arith.constant 0 : i32
      %dma_start3A_387 = arith.constant 0 : i32
      %dma_start3A_388 = tpu.memref_slice %arg13[%dma_start3A_386, %dma_start3A_387] : memref<10240x128xf32, #tpu.memory_space<vmem_shared>> -> memref<10240x128xf32, #tpu.memory_space<vmem_shared>>
      tpu.enqueue_indirect_dma source(%arg11 : memref<80x128xf32, #tpu.memory_space<vmem>>) target(%dma_start3A_388 : memref<10240x128xf32, #tpu.memory_space<vmem_shared>>) offsets(%dma_start3A_385 : memref<80xi32, #tpu.memory_space<vmem>>) semaphore(%arg20 : memref<!tpu.dma_semaphore, #tpu.memory_space<semaphore_mem>>) {add = true}
      %dma_wait3A_389 = arith.constant 3 : i32
      %dma_wait3A_390 = arith.constant 0 : i32
      %dma_wait3A_391 = tpu.memref_slice %arg8[%dma_wait3A_389, %dma_wait3A_390] : memref<4x80xi32, #tpu.memory_space<vmem>> -> memref<1x80xi32, #tpu.memory_space<vmem>>
      %dma_wait3A_392 = tpu.memref_squeeze %dma_wait3A_391 : memref<1x80xi32, #tpu.memory_space<vmem>> -> memref<80xi32, #tpu.memory_space<vmem>>
      %dma_wait3A_393 = arith.constant 0 : i32
      %dma_wait3A_394 = arith.constant 0 : i32
      %dma_wait3A_395 = tpu.memref_slice %arg2[%dma_wait3A_393, %dma_wait3A_394] : memref<10000x128xf32, #tpu.memory_space<hbm>> -> memref<10000x128xf32, #tpu.memory_space<hbm>>
      tpu.wait_indirect_dma semaphore(%arg17 : memref<!tpu.dma_semaphore, #tpu.memory_space<semaphore_mem>>) src(%dma_wait3A_395 : memref<10000x128xf32, #tpu.memory_space<hbm>>) dst(%arg12 : memref<80x128xf32, #tpu.memory_space<vmem>>)
      %dma_start3A_396 = arith.constant 3 : i32
      %dma_start3A_397 = arith.constant 0 : i32
      %dma_start3A_398 = tpu.memref_slice %arg7[%dma_start3A_396, %dma_start3A_397] : memref<4x80xi32, #tpu.memory_space<vmem>> -> memref<1x80xi32, #tpu.memory_space<vmem>>
      %dma_start3A_399 = tpu.memref_squeeze %dma_start3A_398 : memref<1x80xi32, #tpu.memory_space<vmem>> -> memref<80xi32, #tpu.memory_space<vmem>>
      %dma_start3A_400 = arith.constant 0 : i32
      %dma_start3A_401 = arith.constant 0 : i32
      %dma_start3A_402 = tpu.memref_slice %arg13[%dma_start3A_400, %dma_start3A_401] : memref<10240x128xf32, #tpu.memory_space<vmem_shared>> -> memref<10240x128xf32, #tpu.memory_space<vmem_shared>>
      tpu.enqueue_indirect_dma source(%arg12 : memref<80x128xf32, #tpu.memory_space<vmem>>) target(%dma_start3A_402 : memref<10240x128xf32, #tpu.memory_space<vmem_shared>>) offsets(%dma_start3A_399 : memref<80xi32, #tpu.memory_space<vmem>>) semaphore(%arg21 : memref<!tpu.dma_semaphore, #tpu.memory_space<semaphore_mem>>) {add = true}
      %mul3A_403 = arith.constant 4 : i32
      %mul3A_404 = arith.muli %scan3A_198, %mul3A_403 : i32
      %add3A_405 = arith.constant 0 : i32
      %add3A_406 = arith.addi %mul3A_404, %add3A_405 : i32
      %add3A_407 = arith.constant 4 : i32
      %add3A_408 = arith.addi %add3A_406, %add3A_407 : i32
      %lt3A = arith.constant 125 : i32
      %lt3A_409 = arith.cmpi slt, %add3A_408, %lt3A : i32
      %convert_element_type3A = arith.extui %lt3A_409 : i1 to i32
      %cond3A = arith.constant 0 : i32
      %cond3A_410 = arith.cmpi ne, %convert_element_type3A, %cond3A : i32
      scf.if %cond3A_410 {
        %dma_wait3A_444 = arith.constant 0 : i32
        %dma_wait3A_445 = arith.constant 0 : i32
        %dma_wait3A_446 = tpu.memref_slice %arg7[%dma_wait3A_444, %dma_wait3A_445] : memref<4x80xi32, #tpu.memory_space<vmem>> -> memref<1x80xi32, #tpu.memory_space<vmem>>
        %dma_wait3A_447 = tpu.memref_squeeze %dma_wait3A_446 : memref<1x80xi32, #tpu.memory_space<vmem>> -> memref<80xi32, #tpu.memory_space<vmem>>
        %dma_wait3A_448 = arith.constant 0 : i32
        %dma_wait3A_449 = arith.constant 0 : i32
        %dma_wait3A_450 = tpu.memref_slice %arg13[%dma_wait3A_448, %dma_wait3A_449] : memref<10240x128xf32, #tpu.memory_space<vmem_shared>> -> memref<10240x128xf32, #tpu.memory_space<vmem_shared>>
        tpu.wait_indirect_dma semaphore(%arg18 : memref<!tpu.dma_semaphore, #tpu.memory_space<semaphore_mem>>) src(%arg9 : memref<80x128xf32, #tpu.memory_space<vmem>>) dst(%dma_wait3A_450 : memref<10240x128xf32, #tpu.memory_space<vmem_shared>>)
        %dma_start3A_451 = arith.constant 0 : i32
        %dma_start3A_452 = arith.constant 0 : i32
        %dma_start3A_453 = tpu.memref_slice %arg7[%dma_start3A_451, %dma_start3A_452] : memref<4x80xi32, #tpu.memory_space<vmem>> -> memref<1x80xi32, #tpu.memory_space<vmem>>
        %dma_start3A_454 = tpu.memref_squeeze %dma_start3A_453 : memref<1x80xi32, #tpu.memory_space<vmem>> -> memref<80xi32, #tpu.memory_space<vmem>>
        %dma_start3A_455 = arith.constant 0 : i32
        %dma_start3A_456 = tpu.memref_slice %arg3[%add3A, %add3A_408, %dma_start3A_455] : memref<32x125x80xi32, #tpu.memory_space<hbm>> -> memref<1x1x80xi32, #tpu.memory_space<hbm>>
        %dma_start3A_457 = tpu.memref_squeeze %dma_start3A_456 : memref<1x1x80xi32, #tpu.memory_space<hbm>> -> memref<80xi32, #tpu.memory_space<hbm>>
        %dma_start3A_458 = arith.constant 0 : i32
        %dma_start3A_459 = tpu.memref_slice %arg7[%dma_start3A_451, %dma_start3A_458] : memref<4x80xi32, #tpu.memory_space<vmem>> -> memref<1x80xi32, #tpu.memory_space<vmem>>
        %dma_start3A_460 = tpu.memref_squeeze %dma_start3A_459 : memref<1x80xi32, #tpu.memory_space<vmem>> -> memref<80xi32, #tpu.memory_space<vmem>>
        %dma_start3A_461 = arith.constant 0 : i32
        %dma_start3A_462 = tpu.memref_slice %arg3[%add3A, %add3A_408, %dma_start3A_461] : memref<32x125x80xi32, #tpu.memory_space<hbm>> -> memref<1x1x80xi32, #tpu.memory_space<hbm>>
        %dma_start3A_463 = tpu.memref_squeeze %dma_start3A_462 : memref<1x1x80xi32, #tpu.memory_space<hbm>> -> memref<80xi32, #tpu.memory_space<hbm>>
        tpu.enqueue_dma source(%dma_start3A_463 : memref<80xi32, #tpu.memory_space<hbm>>) target(%dma_start3A_460 : memref<80xi32, #tpu.memory_space<vmem>>) target_semaphore(%arg22 : memref<!tpu.dma_semaphore, #tpu.memory_space<semaphore_mem>>)
        %dma_start3A_464 = arith.constant 0 : i32
        %dma_start3A_465 = arith.constant 0 : i32
        %dma_start3A_466 = tpu.memref_slice %arg8[%dma_start3A_464, %dma_start3A_465] : memref<4x80xi32, #tpu.memory_space<vmem>> -> memref<1x80xi32, #tpu.memory_space<vmem>>
        %dma_start3A_467 = tpu.memref_squeeze %dma_start3A_466 : memref<1x80xi32, #tpu.memory_space<vmem>> -> memref<80xi32, #tpu.memory_space<vmem>>
        %dma_start3A_468 = arith.constant 0 : i32
        %dma_start3A_469 = tpu.memref_slice %arg4[%add3A, %add3A_408, %dma_start3A_468] : memref<32x125x80xi32, #tpu.memory_space<hbm>> -> memref<1x1x80xi32, #tpu.memory_space<hbm>>
        %dma_start3A_470 = tpu.memref_squeeze %dma_start3A_469 : memref<1x1x80xi32, #tpu.memory_space<hbm>> -> memref<80xi32, #tpu.memory_space<hbm>>
        %dma_start3A_471 = arith.constant 0 : i32
        %dma_start3A_472 = tpu.memref_slice %arg8[%dma_start3A_464, %dma_start3A_471] : memref<4x80xi32, #tpu.memory_space<vmem>> -> memref<1x80xi32, #tpu.memory_space<vmem>>
        %dma_start3A_473 = tpu.memref_squeeze %dma_start3A_472 : memref<1x80xi32, #tpu.memory_space<vmem>> -> memref<80xi32, #tpu.memory_space<vmem>>
        %dma_start3A_474 = arith.constant 0 : i32
        %dma_start3A_475 = tpu.memref_slice %arg4[%add3A, %add3A_408, %dma_start3A_474] : memref<32x125x80xi32, #tpu.memory_space<hbm>> -> memref<1x1x80xi32, #tpu.memory_space<hbm>>
        %dma_start3A_476 = tpu.memref_squeeze %dma_start3A_475 : memref<1x1x80xi32, #tpu.memory_space<hbm>> -> memref<80xi32, #tpu.memory_space<hbm>>
        tpu.enqueue_dma source(%dma_start3A_476 : memref<80xi32, #tpu.memory_space<hbm>>) target(%dma_start3A_473 : memref<80xi32, #tpu.memory_space<vmem>>) target_semaphore(%arg22 : memref<!tpu.dma_semaphore, #tpu.memory_space<semaphore_mem>>)
      } else {
      }
      %mul3A_411 = arith.constant 4 : i32
      %mul3A_412 = arith.muli %scan3A_198, %mul3A_411 : i32
      %add3A_413 = arith.constant 1 : i32
      %add3A_414 = arith.addi %mul3A_412, %add3A_413 : i32
      %add3A_415 = arith.constant 4 : i32
      %add3A_416 = arith.addi %add3A_414, %add3A_415 : i32
      %lt3A_417 = arith.constant 125 : i32
      %lt3A_418 = arith.cmpi slt, %add3A_416, %lt3A_417 : i32
      %convert_element_type3A_419 = arith.extui %lt3A_418 : i1 to i32
      %cond3A_420 = arith.constant 0 : i32
      %cond3A_421 = arith.cmpi ne, %convert_element_type3A_419, %cond3A_420 : i32
      scf.if %cond3A_421 {
        %dma_wait3A_444 = arith.constant 1 : i32
        %dma_wait3A_445 = arith.constant 0 : i32
        %dma_wait3A_446 = tpu.memref_slice %arg7[%dma_wait3A_444, %dma_wait3A_445] : memref<4x80xi32, #tpu.memory_space<vmem>> -> memref<1x80xi32, #tpu.memory_space<vmem>>
        %dma_wait3A_447 = tpu.memref_squeeze %dma_wait3A_446 : memref<1x80xi32, #tpu.memory_space<vmem>> -> memref<80xi32, #tpu.memory_space<vmem>>
        %dma_wait3A_448 = arith.constant 0 : i32
        %dma_wait3A_449 = arith.constant 0 : i32
        %dma_wait3A_450 = tpu.memref_slice %arg13[%dma_wait3A_448, %dma_wait3A_449] : memref<10240x128xf32, #tpu.memory_space<vmem_shared>> -> memref<10240x128xf32, #tpu.memory_space<vmem_shared>>
        tpu.wait_indirect_dma semaphore(%arg19 : memref<!tpu.dma_semaphore, #tpu.memory_space<semaphore_mem>>) src(%arg10 : memref<80x128xf32, #tpu.memory_space<vmem>>) dst(%dma_wait3A_450 : memref<10240x128xf32, #tpu.memory_space<vmem_shared>>)
        %dma_start3A_451 = arith.constant 1 : i32
        %dma_start3A_452 = arith.constant 0 : i32
        %dma_start3A_453 = tpu.memref_slice %arg7[%dma_start3A_451, %dma_start3A_452] : memref<4x80xi32, #tpu.memory_space<vmem>> -> memref<1x80xi32, #tpu.memory_space<vmem>>
        %dma_start3A_454 = tpu.memref_squeeze %dma_start3A_453 : memref<1x80xi32, #tpu.memory_space<vmem>> -> memref<80xi32, #tpu.memory_space<vmem>>
        %dma_start3A_455 = arith.constant 0 : i32
        %dma_start3A_456 = tpu.memref_slice %arg3[%add3A, %add3A_416, %dma_start3A_455] : memref<32x125x80xi32, #tpu.memory_space<hbm>> -> memref<1x1x80xi32, #tpu.memory_space<hbm>>
        %dma_start3A_457 = tpu.memref_squeeze %dma_start3A_456 : memref<1x1x80xi32, #tpu.memory_space<hbm>> -> memref<80xi32, #tpu.memory_space<hbm>>
        %dma_start3A_458 = arith.constant 0 : i32
        %dma_start3A_459 = tpu.memref_slice %arg7[%dma_start3A_451, %dma_start3A_458] : memref<4x80xi32, #tpu.memory_space<vmem>> -> memref<1x80xi32, #tpu.memory_space<vmem>>
        %dma_start3A_460 = tpu.memref_squeeze %dma_start3A_459 : memref<1x80xi32, #tpu.memory_space<vmem>> -> memref<80xi32, #tpu.memory_space<vmem>>
        %dma_start3A_461 = arith.constant 0 : i32
        %dma_start3A_462 = tpu.memref_slice %arg3[%add3A, %add3A_416, %dma_start3A_461] : memref<32x125x80xi32, #tpu.memory_space<hbm>> -> memref<1x1x80xi32, #tpu.memory_space<hbm>>
        %dma_start3A_463 = tpu.memref_squeeze %dma_start3A_462 : memref<1x1x80xi32, #tpu.memory_space<hbm>> -> memref<80xi32, #tpu.memory_space<hbm>>
        tpu.enqueue_dma source(%dma_start3A_463 : memref<80xi32, #tpu.memory_space<hbm>>) target(%dma_start3A_460 : memref<80xi32, #tpu.memory_space<vmem>>) target_semaphore(%arg23 : memref<!tpu.dma_semaphore, #tpu.memory_space<semaphore_mem>>)
        %dma_start3A_464 = arith.constant 1 : i32
        %dma_start3A_465 = arith.constant 0 : i32
        %dma_start3A_466 = tpu.memref_slice %arg8[%dma_start3A_464, %dma_start3A_465] : memref<4x80xi32, #tpu.memory_space<vmem>> -> memref<1x80xi32, #tpu.memory_space<vmem>>
        %dma_start3A_467 = tpu.memref_squeeze %dma_start3A_466 : memref<1x80xi32, #tpu.memory_space<vmem>> -> memref<80xi32, #tpu.memory_space<vmem>>
        %dma_start3A_468 = arith.constant 0 : i32
        %dma_start3A_469 = tpu.memref_slice %arg4[%add3A, %add3A_416, %dma_start3A_468] : memref<32x125x80xi32, #tpu.memory_space<hbm>> -> memref<1x1x80xi32, #tpu.memory_space<hbm>>
        %dma_start3A_470 = tpu.memref_squeeze %dma_start3A_469 : memref<1x1x80xi32, #tpu.memory_space<hbm>> -> memref<80xi32, #tpu.memory_space<hbm>>
        %dma_start3A_471 = arith.constant 0 : i32
        %dma_start3A_472 = tpu.memref_slice %arg8[%dma_start3A_464, %dma_start3A_471] : memref<4x80xi32, #tpu.memory_space<vmem>> -> memref<1x80xi32, #tpu.memory_space<vmem>>
        %dma_start3A_473 = tpu.memref_squeeze %dma_start3A_472 : memref<1x80xi32, #tpu.memory_space<vmem>> -> memref<80xi32, #tpu.memory_space<vmem>>
        %dma_start3A_474 = arith.constant 0 : i32
        %dma_start3A_475 = tpu.memref_slice %arg4[%add3A, %add3A_416, %dma_start3A_474] : memref<32x125x80xi32, #tpu.memory_space<hbm>> -> memref<1x1x80xi32, #tpu.memory_space<hbm>>
        %dma_start3A_476 = tpu.memref_squeeze %dma_start3A_475 : memref<1x1x80xi32, #tpu.memory_space<hbm>> -> memref<80xi32, #tpu.memory_space<hbm>>
        tpu.enqueue_dma source(%dma_start3A_476 : memref<80xi32, #tpu.memory_space<hbm>>) target(%dma_start3A_473 : memref<80xi32, #tpu.memory_space<vmem>>) target_semaphore(%arg23 : memref<!tpu.dma_semaphore, #tpu.memory_space<semaphore_mem>>)
      } else {
      }
      %mul3A_422 = arith.constant 4 : i32
      %mul3A_423 = arith.muli %scan3A_198, %mul3A_422 : i32
      %add3A_424 = arith.constant 2 : i32
      %add3A_425 = arith.addi %mul3A_423, %add3A_424 : i32
      %add3A_426 = arith.constant 4 : i32
      %add3A_427 = arith.addi %add3A_425, %add3A_426 : i32
      %lt3A_428 = arith.constant 125 : i32
      %lt3A_429 = arith.cmpi slt, %add3A_427, %lt3A_428 : i32
      %convert_element_type3A_430 = arith.extui %lt3A_429 : i1 to i32
      %cond3A_431 = arith.constant 0 : i32
      %cond3A_432 = arith.cmpi ne, %convert_element_type3A_430, %cond3A_431 : i32
      scf.if %cond3A_432 {
        %dma_wait3A_444 = arith.constant 2 : i32
        %dma_wait3A_445 = arith.constant 0 : i32
        %dma_wait3A_446 = tpu.memref_slice %arg7[%dma_wait3A_444, %dma_wait3A_445] : memref<4x80xi32, #tpu.memory_space<vmem>> -> memref<1x80xi32, #tpu.memory_space<vmem>>
        %dma_wait3A_447 = tpu.memref_squeeze %dma_wait3A_446 : memref<1x80xi32, #tpu.memory_space<vmem>> -> memref<80xi32, #tpu.memory_space<vmem>>
        %dma_wait3A_448 = arith.constant 0 : i32
        %dma_wait3A_449 = arith.constant 0 : i32
        %dma_wait3A_450 = tpu.memref_slice %arg13[%dma_wait3A_448, %dma_wait3A_449] : memref<10240x128xf32, #tpu.memory_space<vmem_shared>> -> memref<10240x128xf32, #tpu.memory_space<vmem_shared>>
        tpu.wait_indirect_dma semaphore(%arg20 : memref<!tpu.dma_semaphore, #tpu.memory_space<semaphore_mem>>) src(%arg11 : memref<80x128xf32, #tpu.memory_space<vmem>>) dst(%dma_wait3A_450 : memref<10240x128xf32, #tpu.memory_space<vmem_shared>>)
        %dma_start3A_451 = arith.constant 2 : i32
        %dma_start3A_452 = arith.constant 0 : i32
        %dma_start3A_453 = tpu.memref_slice %arg7[%dma_start3A_451, %dma_start3A_452] : memref<4x80xi32, #tpu.memory_space<vmem>> -> memref<1x80xi32, #tpu.memory_space<vmem>>
        %dma_start3A_454 = tpu.memref_squeeze %dma_start3A_453 : memref<1x80xi32, #tpu.memory_space<vmem>> -> memref<80xi32, #tpu.memory_space<vmem>>
        %dma_start3A_455 = arith.constant 0 : i32
        %dma_start3A_456 = tpu.memref_slice %arg3[%add3A, %add3A_427, %dma_start3A_455] : memref<32x125x80xi32, #tpu.memory_space<hbm>> -> memref<1x1x80xi32, #tpu.memory_space<hbm>>
        %dma_start3A_457 = tpu.memref_squeeze %dma_start3A_456 : memref<1x1x80xi32, #tpu.memory_space<hbm>> -> memref<80xi32, #tpu.memory_space<hbm>>
        %dma_start3A_458 = arith.constant 0 : i32
        %dma_start3A_459 = tpu.memref_slice %arg7[%dma_start3A_451, %dma_start3A_458] : memref<4x80xi32, #tpu.memory_space<vmem>> -> memref<1x80xi32, #tpu.memory_space<vmem>>
        %dma_start3A_460 = tpu.memref_squeeze %dma_start3A_459 : memref<1x80xi32, #tpu.memory_space<vmem>> -> memref<80xi32, #tpu.memory_space<vmem>>
        %dma_start3A_461 = arith.constant 0 : i32
        %dma_start3A_462 = tpu.memref_slice %arg3[%add3A, %add3A_427, %dma_start3A_461] : memref<32x125x80xi32, #tpu.memory_space<hbm>> -> memref<1x1x80xi32, #tpu.memory_space<hbm>>
        %dma_start3A_463 = tpu.memref_squeeze %dma_start3A_462 : memref<1x1x80xi32, #tpu.memory_space<hbm>> -> memref<80xi32, #tpu.memory_space<hbm>>
        tpu.enqueue_dma source(%dma_start3A_463 : memref<80xi32, #tpu.memory_space<hbm>>) target(%dma_start3A_460 : memref<80xi32, #tpu.memory_space<vmem>>) target_semaphore(%arg24 : memref<!tpu.dma_semaphore, #tpu.memory_space<semaphore_mem>>)
        %dma_start3A_464 = arith.constant 2 : i32
        %dma_start3A_465 = arith.constant 0 : i32
        %dma_start3A_466 = tpu.memref_slice %arg8[%dma_start3A_464, %dma_start3A_465] : memref<4x80xi32, #tpu.memory_space<vmem>> -> memref<1x80xi32, #tpu.memory_space<vmem>>
        %dma_start3A_467 = tpu.memref_squeeze %dma_start3A_466 : memref<1x80xi32, #tpu.memory_space<vmem>> -> memref<80xi32, #tpu.memory_space<vmem>>
        %dma_start3A_468 = arith.constant 0 : i32
        %dma_start3A_469 = tpu.memref_slice %arg4[%add3A, %add3A_427, %dma_start3A_468] : memref<32x125x80xi32, #tpu.memory_space<hbm>> -> memref<1x1x80xi32, #tpu.memory_space<hbm>>
        %dma_start3A_470 = tpu.memref_squeeze %dma_start3A_469 : memref<1x1x80xi32, #tpu.memory_space<hbm>> -> memref<80xi32, #tpu.memory_space<hbm>>
        %dma_start3A_471 = arith.constant 0 : i32
        %dma_start3A_472 = tpu.memref_slice %arg8[%dma_start3A_464, %dma_start3A_471] : memref<4x80xi32, #tpu.memory_space<vmem>> -> memref<1x80xi32, #tpu.memory_space<vmem>>
        %dma_start3A_473 = tpu.memref_squeeze %dma_start3A_472 : memref<1x80xi32, #tpu.memory_space<vmem>> -> memref<80xi32, #tpu.memory_space<vmem>>
        %dma_start3A_474 = arith.constant 0 : i32
        %dma_start3A_475 = tpu.memref_slice %arg4[%add3A, %add3A_427, %dma_start3A_474] : memref<32x125x80xi32, #tpu.memory_space<hbm>> -> memref<1x1x80xi32, #tpu.memory_space<hbm>>
        %dma_start3A_476 = tpu.memref_squeeze %dma_start3A_475 : memref<1x1x80xi32, #tpu.memory_space<hbm>> -> memref<80xi32, #tpu.memory_space<hbm>>
        tpu.enqueue_dma source(%dma_start3A_476 : memref<80xi32, #tpu.memory_space<hbm>>) target(%dma_start3A_473 : memref<80xi32, #tpu.memory_space<vmem>>) target_semaphore(%arg24 : memref<!tpu.dma_semaphore, #tpu.memory_space<semaphore_mem>>)
      } else {
      }
      %mul3A_433 = arith.constant 4 : i32
      %mul3A_434 = arith.muli %scan3A_198, %mul3A_433 : i32
      %add3A_435 = arith.constant 3 : i32
      %add3A_436 = arith.addi %mul3A_434, %add3A_435 : i32
      %add3A_437 = arith.constant 4 : i32
      %add3A_438 = arith.addi %add3A_436, %add3A_437 : i32
      %lt3A_439 = arith.constant 125 : i32
      %lt3A_440 = arith.cmpi slt, %add3A_438, %lt3A_439 : i32
      %convert_element_type3A_441 = arith.extui %lt3A_440 : i1 to i32
      %cond3A_442 = arith.constant 0 : i32
      %cond3A_443 = arith.cmpi ne, %convert_element_type3A_441, %cond3A_442 : i32
      scf.if %cond3A_443 {
        %dma_wait3A_444 = arith.constant 3 : i32
        %dma_wait3A_445 = arith.constant 0 : i32
        %dma_wait3A_446 = tpu.memref_slice %arg7[%dma_wait3A_444, %dma_wait3A_445] : memref<4x80xi32, #tpu.memory_space<vmem>> -> memref<1x80xi32, #tpu.memory_space<vmem>>
        %dma_wait3A_447 = tpu.memref_squeeze %dma_wait3A_446 : memref<1x80xi32, #tpu.memory_space<vmem>> -> memref<80xi32, #tpu.memory_space<vmem>>
        %dma_wait3A_448 = arith.constant 0 : i32
        %dma_wait3A_449 = arith.constant 0 : i32
        %dma_wait3A_450 = tpu.memref_slice %arg13[%dma_wait3A_448, %dma_wait3A_449] : memref<10240x128xf32, #tpu.memory_space<vmem_shared>> -> memref<10240x128xf32, #tpu.memory_space<vmem_shared>>
        tpu.wait_indirect_dma semaphore(%arg21 : memref<!tpu.dma_semaphore, #tpu.memory_space<semaphore_mem>>) src(%arg12 : memref<80x128xf32, #tpu.memory_space<vmem>>) dst(%dma_wait3A_450 : memref<10240x128xf32, #tpu.memory_space<vmem_shared>>)
        %dma_start3A_451 = arith.constant 3 : i32
        %dma_start3A_452 = arith.constant 0 : i32
        %dma_start3A_453 = tpu.memref_slice %arg7[%dma_start3A_451, %dma_start3A_452] : memref<4x80xi32, #tpu.memory_space<vmem>> -> memref<1x80xi32, #tpu.memory_space<vmem>>
        %dma_start3A_454 = tpu.memref_squeeze %dma_start3A_453 : memref<1x80xi32, #tpu.memory_space<vmem>> -> memref<80xi32, #tpu.memory_space<vmem>>
        %dma_start3A_455 = arith.constant 0 : i32
        %dma_start3A_456 = tpu.memref_slice %arg3[%add3A, %add3A_438, %dma_start3A_455] : memref<32x125x80xi32, #tpu.memory_space<hbm>> -> memref<1x1x80xi32, #tpu.memory_space<hbm>>
        %dma_start3A_457 = tpu.memref_squeeze %dma_start3A_456 : memref<1x1x80xi32, #tpu.memory_space<hbm>> -> memref<80xi32, #tpu.memory_space<hbm>>
        %dma_start3A_458 = arith.constant 0 : i32
        %dma_start3A_459 = tpu.memref_slice %arg7[%dma_start3A_451, %dma_start3A_458] : memref<4x80xi32, #tpu.memory_space<vmem>> -> memref<1x80xi32, #tpu.memory_space<vmem>>
        %dma_start3A_460 = tpu.memref_squeeze %dma_start3A_459 : memref<1x80xi32, #tpu.memory_space<vmem>> -> memref<80xi32, #tpu.memory_space<vmem>>
        %dma_start3A_461 = arith.constant 0 : i32
        %dma_start3A_462 = tpu.memref_slice %arg3[%add3A, %add3A_438, %dma_start3A_461] : memref<32x125x80xi32, #tpu.memory_space<hbm>> -> memref<1x1x80xi32, #tpu.memory_space<hbm>>
        %dma_start3A_463 = tpu.memref_squeeze %dma_start3A_462 : memref<1x1x80xi32, #tpu.memory_space<hbm>> -> memref<80xi32, #tpu.memory_space<hbm>>
        tpu.enqueue_dma source(%dma_start3A_463 : memref<80xi32, #tpu.memory_space<hbm>>) target(%dma_start3A_460 : memref<80xi32, #tpu.memory_space<vmem>>) target_semaphore(%arg25 : memref<!tpu.dma_semaphore, #tpu.memory_space<semaphore_mem>>)
        %dma_start3A_464 = arith.constant 3 : i32
        %dma_start3A_465 = arith.constant 0 : i32
        %dma_start3A_466 = tpu.memref_slice %arg8[%dma_start3A_464, %dma_start3A_465] : memref<4x80xi32, #tpu.memory_space<vmem>> -> memref<1x80xi32, #tpu.memory_space<vmem>>
        %dma_start3A_467 = tpu.memref_squeeze %dma_start3A_466 : memref<1x80xi32, #tpu.memory_space<vmem>> -> memref<80xi32, #tpu.memory_space<vmem>>
        %dma_start3A_468 = arith.constant 0 : i32
        %dma_start3A_469 = tpu.memref_slice %arg4[%add3A, %add3A_438, %dma_start3A_468] : memref<32x125x80xi32, #tpu.memory_space<hbm>> -> memref<1x1x80xi32, #tpu.memory_space<hbm>>
        %dma_start3A_470 = tpu.memref_squeeze %dma_start3A_469 : memref<1x1x80xi32, #tpu.memory_space<hbm>> -> memref<80xi32, #tpu.memory_space<hbm>>
        %dma_start3A_471 = arith.constant 0 : i32
        %dma_start3A_472 = tpu.memref_slice %arg8[%dma_start3A_464, %dma_start3A_471] : memref<4x80xi32, #tpu.memory_space<vmem>> -> memref<1x80xi32, #tpu.memory_space<vmem>>
        %dma_start3A_473 = tpu.memref_squeeze %dma_start3A_472 : memref<1x80xi32, #tpu.memory_space<vmem>> -> memref<80xi32, #tpu.memory_space<vmem>>
        %dma_start3A_474 = arith.constant 0 : i32
        %dma_start3A_475 = tpu.memref_slice %arg4[%add3A, %add3A_438, %dma_start3A_474] : memref<32x125x80xi32, #tpu.memory_space<hbm>> -> memref<1x1x80xi32, #tpu.memory_space<hbm>>
        %dma_start3A_476 = tpu.memref_squeeze %dma_start3A_475 : memref<1x1x80xi32, #tpu.memory_space<hbm>> -> memref<80xi32, #tpu.memory_space<hbm>>
        tpu.enqueue_dma source(%dma_start3A_476 : memref<80xi32, #tpu.memory_space<hbm>>) target(%dma_start3A_473 : memref<80xi32, #tpu.memory_space<vmem>>) target_semaphore(%arg25 : memref<!tpu.dma_semaphore, #tpu.memory_space<semaphore_mem>>)
      } else {
      }
    }
    %scan3A_118 = arith.constant 31 : i32
    %dma_wait3A = arith.constant 0 : i32
    %dma_wait3A_119 = arith.constant 0 : i32
    %dma_wait3A_120 = arith.constant 0 : i32
    %dma_wait3A_121 = arith.constant 0 : i32
    %dma_wait3A_122 = tpu.memref_slice %arg7[%dma_wait3A_120, %dma_wait3A_121] : memref<4x80xi32, #tpu.memory_space<vmem>> -> memref<1x80xi32, #tpu.memory_space<vmem>>
    %dma_wait3A_123 = tpu.memref_squeeze %dma_wait3A_122 : memref<1x80xi32, #tpu.memory_space<vmem>> -> memref<80xi32, #tpu.memory_space<vmem>>
    %dma_wait3A_124 = arith.constant 0 : i32
    %dma_wait3A_125 = tpu.memref_slice %arg3[%dma_wait3A, %dma_wait3A_119, %dma_wait3A_124] : memref<32x125x80xi32, #tpu.memory_space<hbm>> -> memref<1x1x80xi32, #tpu.memory_space<hbm>>
    %dma_wait3A_126 = tpu.memref_squeeze %dma_wait3A_125 : memref<1x1x80xi32, #tpu.memory_space<hbm>> -> memref<80xi32, #tpu.memory_space<hbm>>
    %dma_wait3A_127 = arith.constant 0 : i32
    %dma_wait3A_128 = tpu.memref_slice %arg7[%dma_wait3A_120, %dma_wait3A_127] : memref<4x80xi32, #tpu.memory_space<vmem>> -> memref<1x80xi32, #tpu.memory_space<vmem>>
    %dma_wait3A_129 = tpu.memref_squeeze %dma_wait3A_128 : memref<1x80xi32, #tpu.memory_space<vmem>> -> memref<80xi32, #tpu.memory_space<vmem>>
    %dma_wait3A_130 = arith.constant 0 : i32
    %dma_wait3A_131 = tpu.memref_slice %arg3[%dma_wait3A, %dma_wait3A_119, %dma_wait3A_130] : memref<32x125x80xi32, #tpu.memory_space<hbm>> -> memref<1x1x80xi32, #tpu.memory_space<hbm>>
    %dma_wait3A_132 = tpu.memref_squeeze %dma_wait3A_131 : memref<1x1x80xi32, #tpu.memory_space<hbm>> -> memref<80xi32, #tpu.memory_space<hbm>>
    tpu.wait_dma2 semaphore(%arg22 : memref<!tpu.dma_semaphore, #tpu.memory_space<semaphore_mem>>) src(%dma_wait3A_132 : memref<80xi32, #tpu.memory_space<hbm>>) dst(%dma_wait3A_129 : memref<80xi32, #tpu.memory_space<vmem>>)
    %dma_wait3A_133 = arith.constant 0 : i32
    %dma_wait3A_134 = arith.constant 0 : i32
    %dma_wait3A_135 = arith.constant 0 : i32
    %dma_wait3A_136 = arith.constant 0 : i32
    %dma_wait3A_137 = tpu.memref_slice %arg8[%dma_wait3A_135, %dma_wait3A_136] : memref<4x80xi32, #tpu.memory_space<vmem>> -> memref<1x80xi32, #tpu.memory_space<vmem>>
    %dma_wait3A_138 = tpu.memref_squeeze %dma_wait3A_137 : memref<1x80xi32, #tpu.memory_space<vmem>> -> memref<80xi32, #tpu.memory_space<vmem>>
    %dma_wait3A_139 = arith.constant 0 : i32
    %dma_wait3A_140 = tpu.memref_slice %arg3[%dma_wait3A_133, %dma_wait3A_134, %dma_wait3A_139] : memref<32x125x80xi32, #tpu.memory_space<hbm>> -> memref<1x1x80xi32, #tpu.memory_space<hbm>>
    %dma_wait3A_141 = tpu.memref_squeeze %dma_wait3A_140 : memref<1x1x80xi32, #tpu.memory_space<hbm>> -> memref<80xi32, #tpu.memory_space<hbm>>
    %dma_wait3A_142 = arith.constant 0 : i32
    %dma_wait3A_143 = tpu.memref_slice %arg8[%dma_wait3A_135, %dma_wait3A_142] : memref<4x80xi32, #tpu.memory_space<vmem>> -> memref<1x80xi32, #tpu.memory_space<vmem>>
    %dma_wait3A_144 = tpu.memref_squeeze %dma_wait3A_143 : memref<1x80xi32, #tpu.memory_space<vmem>> -> memref<80xi32, #tpu.memory_space<vmem>>
    %dma_wait3A_145 = arith.constant 0 : i32
    %dma_wait3A_146 = tpu.memref_slice %arg3[%dma_wait3A_133, %dma_wait3A_134, %dma_wait3A_145] : memref<32x125x80xi32, #tpu.memory_space<hbm>> -> memref<1x1x80xi32, #tpu.memory_space<hbm>>
    %dma_wait3A_147 = tpu.memref_squeeze %dma_wait3A_146 : memref<1x1x80xi32, #tpu.memory_space<hbm>> -> memref<80xi32, #tpu.memory_space<hbm>>
    tpu.wait_dma2 semaphore(%arg22 : memref<!tpu.dma_semaphore, #tpu.memory_space<semaphore_mem>>) src(%dma_wait3A_147 : memref<80xi32, #tpu.memory_space<hbm>>) dst(%dma_wait3A_144 : memref<80xi32, #tpu.memory_space<vmem>>)
    %dma_start3A_148 = arith.constant 0 : i32
    %dma_start3A_149 = arith.constant 0 : i32
    %dma_start3A_150 = tpu.memref_slice %arg8[%dma_start3A_148, %dma_start3A_149] : memref<4x80xi32, #tpu.memory_space<vmem>> -> memref<1x80xi32, #tpu.memory_space<vmem>>
    %dma_start3A_151 = tpu.memref_squeeze %dma_start3A_150 : memref<1x80xi32, #tpu.memory_space<vmem>> -> memref<80xi32, #tpu.memory_space<vmem>>
    %dma_start3A_152 = arith.constant 0 : i32
    %dma_start3A_153 = arith.constant 0 : i32
    %dma_start3A_154 = tpu.memref_slice %arg2[%dma_start3A_152, %dma_start3A_153] : memref<10000x128xf32, #tpu.memory_space<hbm>> -> memref<10000x128xf32, #tpu.memory_space<hbm>>
    tpu.enqueue_indirect_dma source(%dma_start3A_154 : memref<10000x128xf32, #tpu.memory_space<hbm>>) target(%arg9 : memref<80x128xf32, #tpu.memory_space<vmem>>) offsets(%dma_start3A_151 : memref<80xi32, #tpu.memory_space<vmem>>) semaphore(%arg14 : memref<!tpu.dma_semaphore, #tpu.memory_space<semaphore_mem>>)
    %dma_wait3A_155 = arith.constant 0 : i32
    %dma_wait3A_156 = arith.constant 0 : i32
    %dma_wait3A_157 = tpu.memref_slice %arg8[%dma_wait3A_155, %dma_wait3A_156] : memref<4x80xi32, #tpu.memory_space<vmem>> -> memref<1x80xi32, #tpu.memory_space<vmem>>
    %dma_wait3A_158 = tpu.memref_squeeze %dma_wait3A_157 : memref<1x80xi32, #tpu.memory_space<vmem>> -> memref<80xi32, #tpu.memory_space<vmem>>
    %dma_wait3A_159 = arith.constant 0 : i32
    %dma_wait3A_160 = arith.constant 0 : i32
    %dma_wait3A_161 = tpu.memref_slice %arg2[%dma_wait3A_159, %dma_wait3A_160] : memref<10000x128xf32, #tpu.memory_space<hbm>> -> memref<10000x128xf32, #tpu.memory_space<hbm>>
    tpu.wait_indirect_dma semaphore(%arg14 : memref<!tpu.dma_semaphore, #tpu.memory_space<semaphore_mem>>) src(%dma_wait3A_161 : memref<10000x128xf32, #tpu.memory_space<hbm>>) dst(%arg9 : memref<80x128xf32, #tpu.memory_space<vmem>>)
    %dma_start3A_162 = arith.constant 0 : i32
    %dma_start3A_163 = arith.constant 0 : i32
    %dma_start3A_164 = tpu.memref_slice %arg7[%dma_start3A_162, %dma_start3A_163] : memref<4x80xi32, #tpu.memory_space<vmem>> -> memref<1x80xi32, #tpu.memory_space<vmem>>
    %dma_start3A_165 = tpu.memref_squeeze %dma_start3A_164 : memref<1x80xi32, #tpu.memory_space<vmem>> -> memref<80xi32, #tpu.memory_space<vmem>>
    %dma_start3A_166 = arith.constant 0 : i32
    %dma_start3A_167 = arith.constant 0 : i32
    %dma_start3A_168 = tpu.memref_slice %arg13[%dma_start3A_166, %dma_start3A_167] : memref<10240x128xf32, #tpu.memory_space<vmem_shared>> -> memref<10240x128xf32, #tpu.memory_space<vmem_shared>>
    tpu.enqueue_indirect_dma source(%arg9 : memref<80x128xf32, #tpu.memory_space<vmem>>) target(%dma_start3A_168 : memref<10240x128xf32, #tpu.memory_space<vmem_shared>>) offsets(%dma_start3A_165 : memref<80xi32, #tpu.memory_space<vmem>>) semaphore(%arg18 : memref<!tpu.dma_semaphore, #tpu.memory_space<semaphore_mem>>) {add = true}
    %dma_wait3A_169 = arith.constant 1 : i32
    %dma_wait3A_170 = arith.constant 0 : i32
    %dma_wait3A_171 = tpu.memref_slice %arg7[%dma_wait3A_169, %dma_wait3A_170] : memref<4x80xi32, #tpu.memory_space<vmem>> -> memref<1x80xi32, #tpu.memory_space<vmem>>
    %dma_wait3A_172 = tpu.memref_squeeze %dma_wait3A_171 : memref<1x80xi32, #tpu.memory_space<vmem>> -> memref<80xi32, #tpu.memory_space<vmem>>
    %dma_wait3A_173 = arith.constant 0 : i32
    %dma_wait3A_174 = arith.constant 0 : i32
    %dma_wait3A_175 = tpu.memref_slice %arg13[%dma_wait3A_173, %dma_wait3A_174] : memref<10240x128xf32, #tpu.memory_space<vmem_shared>> -> memref<10240x128xf32, #tpu.memory_space<vmem_shared>>
    tpu.wait_indirect_dma semaphore(%arg19 : memref<!tpu.dma_semaphore, #tpu.memory_space<semaphore_mem>>) src(%arg10 : memref<80x128xf32, #tpu.memory_space<vmem>>) dst(%dma_wait3A_175 : memref<10240x128xf32, #tpu.memory_space<vmem_shared>>)
    %dma_wait3A_176 = arith.constant 2 : i32
    %dma_wait3A_177 = arith.constant 0 : i32
    %dma_wait3A_178 = tpu.memref_slice %arg7[%dma_wait3A_176, %dma_wait3A_177] : memref<4x80xi32, #tpu.memory_space<vmem>> -> memref<1x80xi32, #tpu.memory_space<vmem>>
    %dma_wait3A_179 = tpu.memref_squeeze %dma_wait3A_178 : memref<1x80xi32, #tpu.memory_space<vmem>> -> memref<80xi32, #tpu.memory_space<vmem>>
    %dma_wait3A_180 = arith.constant 0 : i32
    %dma_wait3A_181 = arith.constant 0 : i32
    %dma_wait3A_182 = tpu.memref_slice %arg13[%dma_wait3A_180, %dma_wait3A_181] : memref<10240x128xf32, #tpu.memory_space<vmem_shared>> -> memref<10240x128xf32, #tpu.memory_space<vmem_shared>>
    tpu.wait_indirect_dma semaphore(%arg20 : memref<!tpu.dma_semaphore, #tpu.memory_space<semaphore_mem>>) src(%arg11 : memref<80x128xf32, #tpu.memory_space<vmem>>) dst(%dma_wait3A_182 : memref<10240x128xf32, #tpu.memory_space<vmem_shared>>)
    %dma_wait3A_183 = arith.constant 3 : i32
    %dma_wait3A_184 = arith.constant 0 : i32
    %dma_wait3A_185 = tpu.memref_slice %arg7[%dma_wait3A_183, %dma_wait3A_184] : memref<4x80xi32, #tpu.memory_space<vmem>> -> memref<1x80xi32, #tpu.memory_space<vmem>>
    %dma_wait3A_186 = tpu.memref_squeeze %dma_wait3A_185 : memref<1x80xi32, #tpu.memory_space<vmem>> -> memref<80xi32, #tpu.memory_space<vmem>>
    %dma_wait3A_187 = arith.constant 0 : i32
    %dma_wait3A_188 = arith.constant 0 : i32
    %dma_wait3A_189 = tpu.memref_slice %arg13[%dma_wait3A_187, %dma_wait3A_188] : memref<10240x128xf32, #tpu.memory_space<vmem_shared>> -> memref<10240x128xf32, #tpu.memory_space<vmem_shared>>
    tpu.wait_indirect_dma semaphore(%arg21 : memref<!tpu.dma_semaphore, #tpu.memory_space<semaphore_mem>>) src(%arg12 : memref<80x128xf32, #tpu.memory_space<vmem>>) dst(%dma_wait3A_189 : memref<10240x128xf32, #tpu.memory_space<vmem_shared>>)
    %dma_wait3A_190 = arith.constant 0 : i32
    %dma_wait3A_191 = arith.constant 0 : i32
    %dma_wait3A_192 = tpu.memref_slice %arg7[%dma_wait3A_190, %dma_wait3A_191] : memref<4x80xi32, #tpu.memory_space<vmem>> -> memref<1x80xi32, #tpu.memory_space<vmem>>
    %dma_wait3A_193 = tpu.memref_squeeze %dma_wait3A_192 : memref<1x80xi32, #tpu.memory_space<vmem>> -> memref<80xi32, #tpu.memory_space<vmem>>
    %dma_wait3A_194 = arith.constant 0 : i32
    %dma_wait3A_195 = arith.constant 0 : i32
    %dma_wait3A_196 = tpu.memref_slice %arg13[%dma_wait3A_194, %dma_wait3A_195] : memref<10240x128xf32, #tpu.memory_space<vmem_shared>> -> memref<10240x128xf32, #tpu.memory_space<vmem_shared>>
    tpu.wait_indirect_dma semaphore(%arg18 : memref<!tpu.dma_semaphore, #tpu.memory_space<semaphore_mem>>) src(%arg9 : memref<80x128xf32, #tpu.memory_space<vmem>>) dst(%dma_wait3A_196 : memref<10240x128xf32, #tpu.memory_space<vmem_shared>>)
    %barrier3A_197 = arith.constant 0 : index
    tpu.barrier barrier_id(%barrier3A_197)
    "tpu.region"() ({
      %run_scoped3A = tpu.sem_alloc : memref<!tpu.dma_semaphore, #tpu.memory_space<semaphore_mem>>
      %dma_start3A_198 = arith.constant 0 : i32
      %dma_start3A_199 = tpu.memref_slice %arg6[%arg0, %mul3A_2, %dma_start3A_198] : memref<2x10240x128xf32, #tpu.memory_space<hbm>> -> memref<1x640x128xf32, #tpu.memory_space<hbm>>
      %dma_start3A_200 = tpu.memref_squeeze %dma_start3A_199 : memref<1x640x128xf32, #tpu.memory_space<hbm>> -> memref<640x128xf32, #tpu.memory_space<hbm>>
      %dma_start3A_201 = arith.constant 0 : i32
      %dma_start3A_202 = tpu.memref_slice %arg13[%mul3A_2, %dma_start3A_201] : memref<10240x128xf32, #tpu.memory_space<vmem_shared>> -> memref<640x128xf32, #tpu.memory_space<vmem_shared>>
      tpu.enqueue_dma source(%dma_start3A_202 : memref<640x128xf32, #tpu.memory_space<vmem_shared>>) target(%dma_start3A_200 : memref<640x128xf32, #tpu.memory_space<hbm>>) target_semaphore(%run_scoped3A : memref<!tpu.dma_semaphore, #tpu.memory_space<semaphore_mem>>)
      %dma_wait3A_203 = arith.constant 0 : i32
      %dma_wait3A_204 = tpu.memref_slice %arg6[%arg0, %mul3A_2, %dma_wait3A_203] : memref<2x10240x128xf32, #tpu.memory_space<hbm>> -> memref<1x640x128xf32, #tpu.memory_space<hbm>>
      %dma_wait3A_205 = tpu.memref_squeeze %dma_wait3A_204 : memref<1x640x128xf32, #tpu.memory_space<hbm>> -> memref<640x128xf32, #tpu.memory_space<hbm>>
      %dma_wait3A_206 = arith.constant 0 : i32
      %dma_wait3A_207 = tpu.memref_slice %arg13[%mul3A_2, %dma_wait3A_206] : memref<10240x128xf32, #tpu.memory_space<vmem_shared>> -> memref<640x128xf32, #tpu.memory_space<vmem_shared>>
      tpu.wait_dma2 semaphore(%run_scoped3A : memref<!tpu.dma_semaphore, #tpu.memory_space<semaphore_mem>>) src(%dma_wait3A_207 : memref<640x128xf32, #tpu.memory_space<vmem_shared>>) dst(%dma_wait3A_205 : memref<640x128xf32, #tpu.memory_space<hbm>>)
      tpu.yield
    }) : () -> ()
    return
  }
}

#map = affine_map<(d0, d1) -> (0, 0, 0)>
#map1 = affine_map<(d0, d1) -> (0, 0)>
module attributes {stable_mosaic.version = 14 : i64} {
  func.func @k(%arg0: i32, %arg1: i32, %arg2: memref<32x125x80xi32, #tpu.memory_space<hbm>>, %arg3: memref<80x128xf32, #tpu.memory_space<hbm>>, %arg4: memref<10240x128xf32, #tpu.memory_space<hbm>>, %arg5: memref<2x10240x128xf32, #tpu.memory_space<hbm>>, %arg6: memref<125x80xi32, #tpu.memory_space<vmem>>, %arg7: memref<80x128xf32, #tpu.memory_space<vmem>>, %arg8: memref<10240x128xf32, #tpu.memory_space<vmem_shared>>, %arg9: memref<!tpu.dma_semaphore, #tpu.memory_space<semaphore_mem>>) attributes {dimension_semantics = [#tpu.dimension_semantics<core_parallel>, #tpu.dimension_semantics<subcore_parallel>], iteration_bounds = array<i64: 2, 16>, scalar_prefetch = 0 : i64, scratch_operands = 4 : i64, tpu.core_type = #tpu.core_type<sc_vector_subcore>, window_params = [{transform_indices = #map}, {transform_indices = #map1}, {transform_indices = #map1}, {transform_indices = #map}]} {
    %mul3A = arith.constant 16 : i32
    %mul3A_0 = arith.muli %arg0, %mul3A : i32
    %add3A = arith.addi %mul3A_0, %arg1 : i32
    "tpu.region"() ({
      %run_scoped3A = tpu.sem_alloc : memref<!tpu.dma_semaphore, #tpu.memory_space<semaphore_mem>>
      %dma_start3A = arith.constant 0 : i32
      %dma_start3A_15 = arith.constant 0 : i32
      %dma_start3A_16 = tpu.memref_slice %arg2[%add3A, %dma_start3A, %dma_start3A_15] : memref<32x125x80xi32, #tpu.memory_space<hbm>> -> memref<1x125x80xi32, #tpu.memory_space<hbm>>
      %dma_start3A_17 = tpu.memref_squeeze %dma_start3A_16 : memref<1x125x80xi32, #tpu.memory_space<hbm>> -> memref<125x80xi32, #tpu.memory_space<hbm>>
      %dma_start3A_18 = arith.constant 0 : i32
      %dma_start3A_19 = arith.constant 0 : i32
      %dma_start3A_20 = tpu.memref_slice %arg2[%add3A, %dma_start3A_18, %dma_start3A_19] : memref<32x125x80xi32, #tpu.memory_space<hbm>> -> memref<1x125x80xi32, #tpu.memory_space<hbm>>
      %dma_start3A_21 = tpu.memref_squeeze %dma_start3A_20 : memref<1x125x80xi32, #tpu.memory_space<hbm>> -> memref<125x80xi32, #tpu.memory_space<hbm>>
      tpu.enqueue_dma source(%dma_start3A_21 : memref<125x80xi32, #tpu.memory_space<hbm>>) target(%arg6 : memref<125x80xi32, #tpu.memory_space<vmem>>) target_semaphore(%run_scoped3A : memref<!tpu.dma_semaphore, #tpu.memory_space<semaphore_mem>>)
      %dma_wait3A = arith.constant 0 : i32
      %dma_wait3A_22 = arith.constant 0 : i32
      %dma_wait3A_23 = tpu.memref_slice %arg2[%add3A, %dma_wait3A, %dma_wait3A_22] : memref<32x125x80xi32, #tpu.memory_space<hbm>> -> memref<1x125x80xi32, #tpu.memory_space<hbm>>
      %dma_wait3A_24 = tpu.memref_squeeze %dma_wait3A_23 : memref<1x125x80xi32, #tpu.memory_space<hbm>> -> memref<125x80xi32, #tpu.memory_space<hbm>>
      %dma_wait3A_25 = arith.constant 0 : i32
      %dma_wait3A_26 = arith.constant 0 : i32
      %dma_wait3A_27 = tpu.memref_slice %arg2[%add3A, %dma_wait3A_25, %dma_wait3A_26] : memref<32x125x80xi32, #tpu.memory_space<hbm>> -> memref<1x125x80xi32, #tpu.memory_space<hbm>>
      %dma_wait3A_28 = tpu.memref_squeeze %dma_wait3A_27 : memref<1x125x80xi32, #tpu.memory_space<hbm>> -> memref<125x80xi32, #tpu.memory_space<hbm>>
      tpu.wait_dma2 semaphore(%run_scoped3A : memref<!tpu.dma_semaphore, #tpu.memory_space<semaphore_mem>>) src(%dma_wait3A_28 : memref<125x80xi32, #tpu.memory_space<hbm>>) dst(%arg6 : memref<125x80xi32, #tpu.memory_space<vmem>>)
      tpu.yield
    }) : () -> ()
    "tpu.region"() ({
      %run_scoped3A = tpu.sem_alloc : memref<!tpu.dma_semaphore, #tpu.memory_space<semaphore_mem>>
      tpu.enqueue_dma source(%arg3 : memref<80x128xf32, #tpu.memory_space<hbm>>) target(%arg7 : memref<80x128xf32, #tpu.memory_space<vmem>>) target_semaphore(%run_scoped3A : memref<!tpu.dma_semaphore, #tpu.memory_space<semaphore_mem>>)
      tpu.wait_dma2 semaphore(%run_scoped3A : memref<!tpu.dma_semaphore, #tpu.memory_space<semaphore_mem>>) src(%arg3 : memref<80x128xf32, #tpu.memory_space<hbm>>) dst(%arg7 : memref<80x128xf32, #tpu.memory_space<vmem>>)
      tpu.yield
    }) : () -> ()
    %mul3A_1 = arith.constant 640 : i32
    %mul3A_2 = arith.muli %arg1, %mul3A_1 : i32
    "tpu.region"() ({
      %run_scoped3A = tpu.sem_alloc : memref<!tpu.dma_semaphore, #tpu.memory_space<semaphore_mem>>
      %dma_start3A = arith.constant 0 : i32
      %dma_start3A_15 = tpu.memref_slice %arg8[%mul3A_2, %dma_start3A] : memref<10240x128xf32, #tpu.memory_space<vmem_shared>> -> memref<640x128xf32, #tpu.memory_space<vmem_shared>>
      %dma_start3A_16 = arith.constant 0 : i32
      %dma_start3A_17 = tpu.memref_slice %arg4[%mul3A_2, %dma_start3A_16] : memref<10240x128xf32, #tpu.memory_space<hbm>> -> memref<640x128xf32, #tpu.memory_space<hbm>>
      tpu.enqueue_dma source(%dma_start3A_17 : memref<640x128xf32, #tpu.memory_space<hbm>>) target(%dma_start3A_15 : memref<640x128xf32, #tpu.memory_space<vmem_shared>>) target_semaphore(%run_scoped3A : memref<!tpu.dma_semaphore, #tpu.memory_space<semaphore_mem>>)
      %dma_wait3A = arith.constant 0 : i32
      %dma_wait3A_18 = tpu.memref_slice %arg8[%mul3A_2, %dma_wait3A] : memref<10240x128xf32, #tpu.memory_space<vmem_shared>> -> memref<640x128xf32, #tpu.memory_space<vmem_shared>>
      %dma_wait3A_19 = arith.constant 0 : i32
      %dma_wait3A_20 = tpu.memref_slice %arg4[%mul3A_2, %dma_wait3A_19] : memref<10240x128xf32, #tpu.memory_space<hbm>> -> memref<640x128xf32, #tpu.memory_space<hbm>>
      tpu.wait_dma2 semaphore(%run_scoped3A : memref<!tpu.dma_semaphore, #tpu.memory_space<semaphore_mem>>) src(%dma_wait3A_20 : memref<640x128xf32, #tpu.memory_space<hbm>>) dst(%dma_wait3A_18 : memref<640x128xf32, #tpu.memory_space<vmem_shared>>)
      tpu.yield
    }) : () -> ()
    %barrier3A = arith.constant 0 : index
    tpu.barrier barrier_id(%barrier3A)
    %scan3A = arith.constant 0 : i32
    %scan3A_3 = arith.constant 0 : i32
    %scan3A_4 = arith.constant 125 : i32
    %scan3A_5 = arith.addi %scan3A_3, %scan3A_4 : i32
    %scan3A_6 = arith.constant 1 : i32
    scf.for %scan3A_15 = %scan3A_3 to %scan3A_5 step %scan3A_6  : i32 {
      %dma_start3A = arith.constant 0 : i32
      %dma_start3A_16 = tpu.memref_slice %arg6[%scan3A_15, %dma_start3A] : memref<125x80xi32, #tpu.memory_space<vmem>> -> memref<1x80xi32, #tpu.memory_space<vmem>>
      %dma_start3A_17 = tpu.memref_squeeze %dma_start3A_16 : memref<1x80xi32, #tpu.memory_space<vmem>> -> memref<80xi32, #tpu.memory_space<vmem>>
      %dma_start3A_18 = arith.constant 0 : i32
      %dma_start3A_19 = arith.constant 0 : i32
      %dma_start3A_20 = tpu.memref_slice %arg8[%dma_start3A_18, %dma_start3A_19] : memref<10240x128xf32, #tpu.memory_space<vmem_shared>> -> memref<10240x128xf32, #tpu.memory_space<vmem_shared>>
      tpu.enqueue_indirect_dma source(%arg7 : memref<80x128xf32, #tpu.memory_space<vmem>>) target(%dma_start3A_20 : memref<10240x128xf32, #tpu.memory_space<vmem_shared>>) offsets(%dma_start3A_17 : memref<80xi32, #tpu.memory_space<vmem>>) semaphore(%arg9 : memref<!tpu.dma_semaphore, #tpu.memory_space<semaphore_mem>>) {add = true}
      %ge3A = arith.constant 16 : i32
      %ge3A_21 = arith.cmpi sge, %scan3A_15, %ge3A : i32
      %convert_element_type3A = arith.extui %ge3A_21 : i1 to i32
      %cond3A = arith.constant 0 : i32
      %cond3A_22 = arith.cmpi ne, %convert_element_type3A, %cond3A : i32
      scf.if %cond3A_22 {
        %dma_wait3A = arith.constant 0 : i32
        %dma_wait3A_23 = arith.constant 0 : i32
        %dma_wait3A_24 = tpu.memref_slice %arg6[%dma_wait3A, %dma_wait3A_23] : memref<125x80xi32, #tpu.memory_space<vmem>> -> memref<1x80xi32, #tpu.memory_space<vmem>>
        %dma_wait3A_25 = tpu.memref_squeeze %dma_wait3A_24 : memref<1x80xi32, #tpu.memory_space<vmem>> -> memref<80xi32, #tpu.memory_space<vmem>>
        %dma_wait3A_26 = arith.constant 0 : i32
        %dma_wait3A_27 = arith.constant 0 : i32
        %dma_wait3A_28 = tpu.memref_slice %arg8[%dma_wait3A_26, %dma_wait3A_27] : memref<10240x128xf32, #tpu.memory_space<vmem_shared>> -> memref<10240x128xf32, #tpu.memory_space<vmem_shared>>
        tpu.wait_indirect_dma semaphore(%arg9 : memref<!tpu.dma_semaphore, #tpu.memory_space<semaphore_mem>>) src(%arg7 : memref<80x128xf32, #tpu.memory_space<vmem>>) dst(%dma_wait3A_28 : memref<10240x128xf32, #tpu.memory_space<vmem_shared>>)
      } else {
      }
    }
    %scan3A_7 = arith.constant 125 : i32
    %scan3A_8 = arith.constant 0 : i32
    %scan3A_9 = arith.constant 0 : i32
    %scan3A_10 = arith.constant 16 : i32
    %scan3A_11 = arith.addi %scan3A_9, %scan3A_10 : i32
    %scan3A_12 = arith.constant 1 : i32
    scf.for %scan3A_15 = %scan3A_9 to %scan3A_11 step %scan3A_12  : i32 {
      %dma_wait3A = arith.constant 0 : i32
      %dma_wait3A_16 = arith.constant 0 : i32
      %dma_wait3A_17 = tpu.memref_slice %arg6[%dma_wait3A, %dma_wait3A_16] : memref<125x80xi32, #tpu.memory_space<vmem>> -> memref<1x80xi32, #tpu.memory_space<vmem>>
      %dma_wait3A_18 = tpu.memref_squeeze %dma_wait3A_17 : memref<1x80xi32, #tpu.memory_space<vmem>> -> memref<80xi32, #tpu.memory_space<vmem>>
      %dma_wait3A_19 = arith.constant 0 : i32
      %dma_wait3A_20 = arith.constant 0 : i32
      %dma_wait3A_21 = tpu.memref_slice %arg8[%dma_wait3A_19, %dma_wait3A_20] : memref<10240x128xf32, #tpu.memory_space<vmem_shared>> -> memref<10240x128xf32, #tpu.memory_space<vmem_shared>>
      tpu.wait_indirect_dma semaphore(%arg9 : memref<!tpu.dma_semaphore, #tpu.memory_space<semaphore_mem>>) src(%arg7 : memref<80x128xf32, #tpu.memory_space<vmem>>) dst(%dma_wait3A_21 : memref<10240x128xf32, #tpu.memory_space<vmem_shared>>)
    }
    %scan3A_13 = arith.constant 16 : i32
    %barrier3A_14 = arith.constant 0 : index
    tpu.barrier barrier_id(%barrier3A_14)
    "tpu.region"() ({
      %run_scoped3A = tpu.sem_alloc : memref<!tpu.dma_semaphore, #tpu.memory_space<semaphore_mem>>
      %dma_start3A = arith.constant 0 : i32
      %dma_start3A_15 = tpu.memref_slice %arg5[%arg0, %mul3A_2, %dma_start3A] : memref<2x10240x128xf32, #tpu.memory_space<hbm>> -> memref<1x640x128xf32, #tpu.memory_space<hbm>>
      %dma_start3A_16 = tpu.memref_squeeze %dma_start3A_15 : memref<1x640x128xf32, #tpu.memory_space<hbm>> -> memref<640x128xf32, #tpu.memory_space<hbm>>
      %dma_start3A_17 = arith.constant 0 : i32
      %dma_start3A_18 = tpu.memref_slice %arg8[%mul3A_2, %dma_start3A_17] : memref<10240x128xf32, #tpu.memory_space<vmem_shared>> -> memref<640x128xf32, #tpu.memory_space<vmem_shared>>
      tpu.enqueue_dma source(%dma_start3A_18 : memref<640x128xf32, #tpu.memory_space<vmem_shared>>) target(%dma_start3A_16 : memref<640x128xf32, #tpu.memory_space<hbm>>) target_semaphore(%run_scoped3A : memref<!tpu.dma_semaphore, #tpu.memory_space<semaphore_mem>>)
      %dma_wait3A = arith.constant 0 : i32
      %dma_wait3A_19 = tpu.memref_slice %arg5[%arg0, %mul3A_2, %dma_wait3A] : memref<2x10240x128xf32, #tpu.memory_space<hbm>> -> memref<1x640x128xf32, #tpu.memory_space<hbm>>
      %dma_wait3A_20 = tpu.memref_squeeze %dma_wait3A_19 : memref<1x640x128xf32, #tpu.memory_space<hbm>> -> memref<640x128xf32, #tpu.memory_space<hbm>>
      %dma_wait3A_21 = arith.constant 0 : i32
      %dma_wait3A_22 = tpu.memref_slice %arg8[%mul3A_2, %dma_wait3A_21] : memref<10240x128xf32, #tpu.memory_space<vmem_shared>> -> memref<640x128xf32, #tpu.memory_space<vmem_shared>>
      tpu.wait_dma2 semaphore(%run_scoped3A : memref<!tpu.dma_semaphore, #tpu.memory_space<semaphore_mem>>) src(%dma_wait3A_22 : memref<640x128xf32, #tpu.memory_space<vmem_shared>>) dst(%dma_wait3A_20 : memref<640x128xf32, #tpu.memory_space<hbm>>)
      tpu.yield
    }) : () -> ()
    return
  }
}

module attributes {stable_mosaic.version = 14 : i64} {
  func.func @body(%arg0: i32, %arg1: memref<1x2000x128xf32, #tpu.memory_space<vmem>>, %arg2: memref<1x2000x128xf32, #tpu.memory_space<vmem>>, %arg3: memref<2000x128xf32, #tpu.memory_space<vmem>>, %arg4: memref<2000x128xf32, #tpu.memory_space<vmem>>, %arg5: memref<2000x1xf32, #tpu.memory_space<vmem>>, %arg6: memref<2000x1xf32, #tpu.memory_space<vmem>>) attributes {dimension_semantics = [#tpu.dimension_semantics<arbitrary>], iteration_bounds = array<i64: 5>, scalar_prefetch = 0 : i64, scratch_operands = 0 : i64, tpu.core_type = #tpu.core_type<tc>, window_params = [{transform_indices = @transform_0, window_bounds = array<i64: 1, 2000, 128>}, {transform_indices = @transform_1, window_bounds = array<i64: 1, 2000, 128>}, {transform_indices = @transform_2, window_bounds = array<i64: 2000, 128>}, {transform_indices = @transform_3, window_bounds = array<i64: 2000, 128>}, {transform_indices = @transform_4, window_bounds = array<i64: 2000, 1>}, {transform_indices = @transform_5, window_bounds = array<i64: 2000, 1>}]} {
    %get3A = arith.constant 0 : index
    %get3A_0 = arith.constant 0 : index
    %get3A_1 = arith.constant 0 : index
    %get3A_2 = vector.load %arg1[%get3A, %get3A_0, %get3A_1] : memref<1x2000x128xf32, #tpu.memory_space<vmem>>, vector<1x2000x1xf32>
    %get3A_3 = vector.shape_cast %get3A_2 : vector<1x2000x1xf32> to vector<2000x1xf32>
    %get3A_4 = arith.constant 0 : index
    %get3A_5 = arith.constant 0 : index
    %get3A_6 = arith.constant 0 : index
    %get3A_7 = vector.load %arg2[%get3A_4, %get3A_5, %get3A_6] : memref<1x2000x128xf32, #tpu.memory_space<vmem>>, vector<1x2000x1xf32>
    %get3A_8 = vector.shape_cast %get3A_7 : vector<1x2000x1xf32> to vector<2000x1xf32>
    %add3A = arith.addf %get3A_3, %get3A_8 : vector<2000x1xf32>
    %add3A_9 = arith.constant 1.000000e+00 : f32
    %add3A_10 = vector.broadcast %add3A_9 : f32 to vector<2000x1xf32>
    %add3A_11 = arith.addf %add3A, %add3A_10 : vector<2000x1xf32>
    %rsqrt3A = math.rsqrt %add3A_11 : vector<2000x1xf32>
    %get3A_12 = arith.constant 0 : index
    %get3A_13 = arith.constant 0 : index
    %get3A_14 = vector.load %arg3[%get3A_12, %get3A_13] : memref<2000x128xf32, #tpu.memory_space<vmem>>, vector<2000x128xf32>
    %mul3A = vector.broadcast %rsqrt3A : vector<2000x1xf32> to vector<2000x128xf32>
    %mul3A_15 = arith.mulf %get3A_14, %mul3A : vector<2000x128xf32>
    %swap3A = arith.constant 0 : index
    %swap3A_16 = arith.constant 0 : index
    %swap3A_17 = vector.load %arg4[%swap3A, %swap3A_16] : memref<2000x128xf32, #tpu.memory_space<vmem>>, vector<2000x128xf32>
    tpu.vector_store %arg4[%swap3A, %swap3A_16], %mul3A_15 {strides = array<i32>} : memref<2000x128xf32, #tpu.memory_space<vmem>>, vector<2000x128xf32>,
    %swap3A_18 = arith.constant 0 : index
    %swap3A_19 = arith.constant 0 : index
    %swap3A_20 = vector.load %arg5[%swap3A_18, %swap3A_19] : memref<2000x1xf32, #tpu.memory_space<vmem>>, vector<2000x1xf32>
    tpu.vector_store %arg5[%swap3A_18, %swap3A_19], %rsqrt3A {strides = array<i32>} : memref<2000x1xf32, #tpu.memory_space<vmem>>, vector<2000x1xf32>,
    %mul3A_21 = arith.mulf %rsqrt3A, %rsqrt3A : vector<2000x1xf32>
    %swap3A_22 = arith.constant 0 : index
    %swap3A_23 = arith.constant 0 : index
    %swap3A_24 = vector.load %arg6[%swap3A_22, %swap3A_23] : memref<2000x1xf32, #tpu.memory_space<vmem>>, vector<2000x1xf32>
    tpu.vector_store %arg6[%swap3A_22, %swap3A_23], %mul3A_21 {strides = array<i32>} : memref<2000x1xf32, #tpu.memory_space<vmem>>, vector<2000x1xf32>,
    return
  }
  func.func @transform_0(%arg0: i32) -> (i32, i32, i32) {
    %c0_i32 = arith.constant 0 : i32
    %c0_i32_0 = arith.constant 0 : i32
    %c0_i32_1 = arith.constant 0 : i32
    return %c0_i32, %arg0, %c0_i32_0 : i32, i32, i32
  }
  func.func @transform_1(%arg0: i32) -> (i32, i32, i32) {
    %c1_i32 = arith.constant 1 : i32
    %c0_i32 = arith.constant 0 : i32
    %c0_i32_0 = arith.constant 0 : i32
    return %c1_i32, %arg0, %c0_i32 : i32, i32, i32
  }
  func.func @transform_2(%arg0: i32) -> (i32, i32) {
    %c0_i32 = arith.constant 0 : i32
    %c0_i32_0 = arith.constant 0 : i32
    return %arg0, %c0_i32 : i32, i32
  }
  func.func @transform_3(%arg0: i32) -> (i32, i32) {
    %c0_i32 = arith.constant 0 : i32
    %c0_i32_0 = arith.constant 0 : i32
    return %arg0, %c0_i32 : i32, i32
  }
  func.func @transform_4(%arg0: i32) -> (i32, i32) {
    %c0_i32 = arith.constant 0 : i32
    %c0_i32_0 = arith.constant 0 : i32
    return %arg0, %c0_i32 : i32, i32
  }
  func.func @transform_5(%arg0: i32) -> (i32, i32) {
    %c0_i32 = arith.constant 0 : i32
    %c0_i32_0 = arith.constant 0 : i32
    return %arg0, %c0_i32 : i32, i32
  }
}

module attributes {stable_mosaic.version = 14 : i64} {
  func.func @body(%arg0: i32, %arg1: memref<2000x1xf32, #tpu.memory_space<vmem>>, %arg2: memref<1x2000x128xf32, #tpu.memory_space<vmem>>, %arg3: memref<1x2000x128xf32, #tpu.memory_space<vmem>>, %arg4: memref<2000x128xf32, #tpu.memory_space<vmem>>, %arg5: memref<2000x128xf32, #tpu.memory_space<vmem>>) attributes {dimension_semantics = [#tpu.dimension_semantics<arbitrary>], iteration_bounds = array<i64: 5>, scalar_prefetch = 0 : i64, scratch_operands = 0 : i64, tpu.core_type = #tpu.core_type<tc>, window_params = [{transform_indices = @transform_0, window_bounds = array<i64: 2000, 1>}, {transform_indices = @transform_1, window_bounds = array<i64: 1, 2000, 128>}, {transform_indices = @transform_2, window_bounds = array<i64: 1, 2000, 128>}, {transform_indices = @transform_3, window_bounds = array<i64: 2000, 128>}, {transform_indices = @transform_4, window_bounds = array<i64: 2000, 128>}]} {
    %get3A = arith.constant 0 : index
    %get3A_0 = arith.constant 0 : index
    %get3A_1 = arith.constant 0 : index
    %get3A_2 = vector.load %arg2[%get3A, %get3A_0, %get3A_1] : memref<1x2000x128xf32, #tpu.memory_space<vmem>>, vector<1x2000x128xf32>
    %get3A_3 = vector.shape_cast %get3A_2 : vector<1x2000x128xf32> to vector<2000x128xf32>
    %get3A_4 = arith.constant 0 : index
    %get3A_5 = arith.constant 0 : index
    %get3A_6 = arith.constant 0 : index
    %get3A_7 = vector.load %arg3[%get3A_4, %get3A_5, %get3A_6] : memref<1x2000x128xf32, #tpu.memory_space<vmem>>, vector<1x2000x128xf32>
    %get3A_8 = vector.shape_cast %get3A_7 : vector<1x2000x128xf32> to vector<2000x128xf32>
    %add3A = arith.addf %get3A_3, %get3A_8 : vector<2000x128xf32>
    %get3A_9 = arith.constant 0 : index
    %get3A_10 = arith.constant 0 : index
    %get3A_11 = vector.load %arg4[%get3A_9, %get3A_10] : memref<2000x128xf32, #tpu.memory_space<vmem>>, vector<2000x128xf32>
    %add3A_12 = arith.addf %add3A, %get3A_11 : vector<2000x128xf32>
    %get3A_13 = arith.constant 0 : index
    %get3A_14 = arith.constant 0 : index
    %get3A_15 = vector.load %arg1[%get3A_13, %get3A_14] : memref<2000x1xf32, #tpu.memory_space<vmem>>, vector<2000x1xf32>
    %mul3A = vector.broadcast %get3A_15 : vector<2000x1xf32> to vector<2000x128xf32>
    %mul3A_16 = arith.mulf %add3A_12, %mul3A : vector<2000x128xf32>
    %swap3A = arith.constant 0 : index
    %swap3A_17 = arith.constant 0 : index
    %swap3A_18 = vector.load %arg5[%swap3A, %swap3A_17] : memref<2000x128xf32, #tpu.memory_space<vmem>>, vector<2000x128xf32>
    tpu.vector_store %arg5[%swap3A, %swap3A_17], %mul3A_16 {strides = array<i32>} : memref<2000x128xf32, #tpu.memory_space<vmem>>, vector<2000x128xf32>,
    return
  }
  func.func @transform_0(%arg0: i32) -> (i32, i32) {
    %c0_i32 = arith.constant 0 : i32
    %c0_i32_0 = arith.constant 0 : i32
    return %arg0, %c0_i32 : i32, i32
  }
  func.func @transform_1(%arg0: i32) -> (i32, i32, i32) {
    %c0_i32 = arith.constant 0 : i32
    %c0_i32_0 = arith.constant 0 : i32
    %c0_i32_1 = arith.constant 0 : i32
    return %c0_i32, %arg0, %c0_i32_0 : i32, i32, i32
  }
  func.func @transform_2(%arg0: i32) -> (i32, i32, i32) {
    %c1_i32 = arith.constant 1 : i32
    %c0_i32 = arith.constant 0 : i32
    %c0_i32_0 = arith.constant 0 : i32
    return %c1_i32, %arg0, %c0_i32 : i32, i32, i32
  }
  func.func @transform_3(%arg0: i32) -> (i32, i32) {
    %c0_i32 = arith.constant 0 : i32
    %c0_i32_0 = arith.constant 0 : i32
    return %arg0, %c0_i32 : i32, i32
  }
  func.func @transform_4(%arg0: i32) -> (i32, i32) {
    %c0_i32 = arith.constant 0 : i32
    %c0_i32_0 = arith.constant 0 : i32
    return %arg0, %c0_i32 : i32, i32
  }
}

module attributes {stable_mosaic.version = 14 : i64} {
  func.func @body(%arg0: i32, %arg1: memref<2000x1xf32, #tpu.memory_space<vmem>>, %arg2: memref<1x2000x128xf32, #tpu.memory_space<vmem>>, %arg3: memref<1x2000x128xf32, #tpu.memory_space<vmem>>, %arg4: memref<2000x128xf32, #tpu.memory_space<vmem>>, %arg5: memref<2000x128xf32, #tpu.memory_space<vmem>>) attributes {dimension_semantics = [#tpu.dimension_semantics<arbitrary>], iteration_bounds = array<i64: 5>, scalar_prefetch = 0 : i64, scratch_operands = 0 : i64, tpu.core_type = #tpu.core_type<tc>, window_params = [{transform_indices = @transform_0, window_bounds = array<i64: 2000, 1>}, {transform_indices = @transform_1, window_bounds = array<i64: 1, 2000, 128>}, {transform_indices = @transform_2, window_bounds = array<i64: 1, 2000, 128>}, {transform_indices = @transform_3, window_bounds = array<i64: 2000, 128>}, {transform_indices = @transform_4, window_bounds = array<i64: 2000, 128>}]} {
    %get3A = arith.constant 0 : index
    %get3A_0 = arith.constant 0 : index
    %get3A_1 = arith.constant 0 : index
    %get3A_2 = vector.load %arg2[%get3A, %get3A_0, %get3A_1] : memref<1x2000x128xf32, #tpu.memory_space<vmem>>, vector<1x2000x128xf32>
    %get3A_3 = vector.shape_cast %get3A_2 : vector<1x2000x128xf32> to vector<2000x128xf32>
    %get3A_4 = arith.constant 0 : index
    %get3A_5 = arith.constant 0 : index
    %get3A_6 = arith.constant 0 : index
    %get3A_7 = vector.load %arg3[%get3A_4, %get3A_5, %get3A_6] : memref<1x2000x128xf32, #tpu.memory_space<vmem>>, vector<1x2000x128xf32>
    %get3A_8 = vector.shape_cast %get3A_7 : vector<1x2000x128xf32> to vector<2000x128xf32>
    %add3A = arith.addf %get3A_3, %get3A_8 : vector<2000x128xf32>
    %get3A_9 = arith.constant 0 : index
    %get3A_10 = arith.constant 0 : index
    %get3A_11 = vector.load %arg4[%get3A_9, %get3A_10] : memref<2000x128xf32, #tpu.memory_space<vmem>>, vector<2000x128xf32>
    %add3A_12 = arith.addf %add3A, %get3A_11 : vector<2000x128xf32>
    %get3A_13 = arith.constant 0 : index
    %get3A_14 = arith.constant 0 : index
    %get3A_15 = vector.load %arg1[%get3A_13, %get3A_14] : memref<2000x1xf32, #tpu.memory_space<vmem>>, vector<2000x1xf32>
    %mul3A = vector.broadcast %get3A_15 : vector<2000x1xf32> to vector<2000x128xf32>
    %mul3A_16 = arith.mulf %add3A_12, %mul3A : vector<2000x128xf32>
    %swap3A = arith.constant 0 : index
    %swap3A_17 = arith.constant 0 : index
    %swap3A_18 = vector.load %arg5[%swap3A, %swap3A_17] : memref<2000x128xf32, #tpu.memory_space<vmem>>, vector<2000x128xf32>
    tpu.vector_store %arg5[%swap3A, %swap3A_17], %mul3A_16 {strides = array<i32>} : memref<2000x128xf32, #tpu.memory_space<vmem>>, vector<2000x128xf32>,
    return
  }
  func.func @transform_0(%arg0: i32) -> (i32, i32) {
    %c0_i32 = arith.constant 0 : i32
    %c0_i32_0 = arith.constant 0 : i32
    return %arg0, %c0_i32 : i32, i32
  }
  func.func @transform_1(%arg0: i32) -> (i32, i32, i32) {
    %c0_i32 = arith.constant 0 : i32
    %c0_i32_0 = arith.constant 0 : i32
    %c0_i32_1 = arith.constant 0 : i32
    return %c0_i32, %arg0, %c0_i32_0 : i32, i32, i32
  }
  func.func @transform_2(%arg0: i32) -> (i32, i32, i32) {
    %c1_i32 = arith.constant 1 : i32
    %c0_i32 = arith.constant 0 : i32
    %c0_i32_0 = arith.constant 0 : i32
    return %c1_i32, %arg0, %c0_i32 : i32, i32, i32
  }
  func.func @transform_3(%arg0: i32) -> (i32, i32) {
    %c0_i32 = arith.constant 0 : i32
    %c0_i32_0 = arith.constant 0 : i32
    return %arg0, %c0_i32 : i32, i32
  }
  func.func @transform_4(%arg0: i32) -> (i32, i32) {
    %c0_i32 = arith.constant 0 : i32
    %c0_i32_0 = arith.constant 0 : i32
    return %arg0, %c0_i32 : i32, i32
  }
}

</mosaic_0001>

<sc_bundles>
// kernel: kernel.11.cloned.1.call-start
scs
__scs_entry_jumppad:
0x0: {  	(pc) =	sbr.rel $0x88, $3  }
0x1: {  	(tag) =	ssettag $0x0;
	lr =	simm.s32 $0x1  }
0x2: {  	[smem:$0x3F9F] =	sst lr;
	_ =	strace $0xD0000000  }
0x3: {  	_ = 	snop  }
0x4: {  	_ = 	snop  }
0x5: {  	_ = 	snop  }
0x6: {  	_ = 	snop  }
0x7: {  	_ = 	snop  }
__scs_overlays_trampoline_lowered:
0x8: {  	[smem:$0x3FAE] =	sst s0  }
0x9: {  	[smem:$0x3FAF] =	sst s1  }
0xa: {  	[smem:$0x3FB0] =	sst s2  }
0xb: {  	[smem:$0x3FB1] =	sst s3  }
0xc: {  	[smem:$0x3FB2] =	sst s4  }
0xd: {  	[smem:$0x3FB3] =	sst s5  }
0xe: {  	[smem:$0x3FB4] =	sst s6  }
0xf: {  	[smem:$0x3FB5] =	sst s7  }
0x10: {  	[smem:$0x3FB6] =	sst s8  }
0x11: {  	[smem:$0x3FB7] =	sst s9;
	s0 =	simm.s32 @!p0 $0x0  }
0x12: {  	s1 =	sld [smem:$0x3F9D];
	s0 =	simm.s32 @p0 $0x1  }
0x13: {  	[smem:$0x3FB8] =	sst s0;
	s0 =	simm.s32 @!p1 $0x0  }
0x14: {  	s2 =	sld [smem:$0x3F9C];
	s0 =	simm.s32 @p1 $0x1  }
0x15: {  	[smem:$0x3FB9] =	sst s0;
	s0 =	simm.s32 @!p2 $0x0  }
0x16: {  	s3 =	sld [smem:$0x3FDB];
	s0 =	simm.s32 @p2 $0x1  }
0x17: {  	s4 =	simm.s32 $0x1BF5;
	[smem:$0x3FBB] =	sst s0  }
0x18: {  	s0 =	sld [smem:$0x3F9E];
	_ =	swait.ge [sflag:s4], $0x0  }
0x19: {  	s7 =	sld [smem:$0x3F9F]  }
0x1a: {  	s8 =	sadd.s32 $0xFFFFE003, lr  }
0x1b: {  	s9 =	sadd.s32 $0xFFFFFEF7, lr;
	s5 =	simm.s32 $0xFFFFFFFF;
	p2 =	slt.u32 s8, $0xFFFFF086  }
0x1c: {  	p1 =	slt.u32 s9, $0xF7A;
	s5 =	simm.s32 @!p2 $0x0  }
0x1d: {  	s5 =	simm.s32 @p1 $0x1;
	p0 =	seq.s32 s7, s2  }
0x1e: {  	s7 =	smul.u32 @!p0 $0xF7A, s2;
	p2 =	seq.s32 @!p0 s5, $0x0  }
0x1f: {  	s9 =	smul.u32 $0xF7A, s1;
	s8 =	simm.s32 @!p0 $0x1BF5;
	p2 =	por !p2, p0  }
0x20: {  	[sflag:s8] =	ssyncset.s32 @!p0 $0xFFFFF086;
	s6 =	sadd.s32 @!p0 s3, s7;
	s7 =	simm.s32 @!p0 $0x108  }
0x21: {  	s3 =	sadd.s32 s3, s9;
	s6 =	sadd.s32 @!p0 $0x88, s6;
	s7 =	simm.s32 @p2 $0x1082  }
0x22: {  	[simem:s7], [sflag:s8] =	dma.local @!p0 [hbm:s6], $0xF7A  }
0x23: {  	s9 =	sor.u32 $0xD0000000, s2;
	s6 =	simm.s32 $0x108;
	_ =	swait.ge @!p0 [sflag:s8], $0x0  }
0x24: {  	s3 =	sadd.s32 $0x88, s3;
	s6 =	simm.s32 @!p1 $0x1082;
	[sflag:s4] =	ssyncset.s32 $0xFFFFF086  }
0x25: {  	[simem:s6], [sflag:s4] =	dma.local [hbm:s3], $0xF7A  }
0x26: {  	[smem:$0x3F9F] =	sst s1;
	(tag) =	ssettag s2;
	_ =	strace s9  }
0x27: {  	s1 =	sld [smem:$0x3FAF]  }
0x28: {  	s2 =	sld [smem:$0x3FB0]  }
0x29: {  	s4 =	sld [smem:$0x3FB2]  }
0x2a: {  	p0 =	seq.s32 s5, $0x0;
	s5 =	sld [smem:$0x3FB3]  }
0x2b: {  	s6 =	sld [smem:$0x3FB4]  }
0x2c: {  	s7 =	sld [smem:$0x3FB5]  }
0x2d: {  	s3 =	simm.s32 $0x108;
	s8 =	sld [smem:$0x3FB6]  }
0x2e: {  	s3 =	simm.s32 @!p0 $0x1082;
	s9 =	sld [smem:$0x3FB7]  }
0x2f: {  	lr =	sadd.s32 s0, s3;
	s0 =	sld [smem:$0x3FAE]  }
0x30: {  	s3 =	sld [smem:$0x3FB1]  }
0x31: {  	[smem:$0x3FBA] =	sst s10  }
0x32: {  	s10 =	sld [smem:$0x3FB8];
	_ =	sdelay $0x3  }
0x33: {  	p0 =	seq.s32 s10, $0x1;
	s10 =	sld [smem:$0x3FBA];
	_ =	sdelay $0x3  }
0x34: {  	[smem:$0x3FBA] =	sst s10  }
0x35: {  	s10 =	sld [smem:$0x3FB9];
	_ =	sdelay $0x3  }
0x36: {  	p1 =	seq.s32 s10, $0x1;
	s10 =	sld [smem:$0x3FBA];
	_ =	sdelay $0x3  }
0x37: {  	[smem:$0x3FBA] =	sst s10  }
0x38: {  	s10 =	sld [smem:$0x3FBB]  }
0x39: {  	_ = 	snop;
	(pc) =	sbr.ind lr, $3  }
0x3a: {  	_ = 	snop  }
0x3b: {  	_ = 	snop  }
0x3c: {  	p2 =	seq.s32 s10, $0x1;
	s10 =	sld [smem:$0x3FBA]  }
0x3d: {  	_ =	shalt  }
0x3e: {  	_ =	shalt  }
0x3f: {  	_ =	shalt  }
0x40: {  	_ =	shalt  }
0x41: {  	_ =	shalt  }
0x42: {  	_ =	shalt  }
0x43: {  	_ =	shalt  }
0x44: {  	_ =	shalt  }
0x45: {  	_ =	shalt  }
0x46: {  	_ =	shalt  }
0x47: {  	_ =	shalt  }
0x48: {  	_ =	shalt  }
0x49: {  	_ =	shalt  }
0x4a: {  	_ =	shalt  }
0x4b: {  	_ =	shalt  }
0x4c: {  	_ =	shalt  }
0x4d: {  	_ =	shalt  }
0x4e: {  	_ =	shalt  }
0x4f: {  	_ =	shalt  }
0x50: {  	_ =	shalt  }
0x51: {  	_ =	shalt  }
0x52: {  	_ =	shalt  }
0x53: {  	_ =	shalt  }
0x54: {  	_ =	shalt  }
0x55: {  	_ =	shalt  }
0x56: {  	_ =	shalt  }
0x57: {  	_ =	shalt  }
0x58: {  	_ =	shalt  }
0x59: {  	_ =	shalt  }
0x5a: {  	_ =	shalt  }
0x5b: {  	_ =	shalt  }
0x5c: {  	_ =	shalt  }
0x5d: {  	_ =	shalt  }
0x5e: {  	_ =	shalt  }
0x5f: {  	_ =	shalt  }
0x60: {  	_ =	shalt  }
0x61: {  	_ =	shalt  }
0x62: {  	_ =	shalt  }
0x63: {  	_ =	shalt  }
0x64: {  	_ =	shalt  }
0x65: {  	_ =	shalt  }
0x66: {  	_ =	shalt  }
0x67: {  	_ =	shalt  }
0x68: {  	_ =	shalt  }
0x69: {  	_ =	shalt  }
0x6a: {  	_ =	shalt  }
0x6b: {  	_ =	shalt  }
0x6c: {  	_ =	shalt  }
0x6d: {  	_ =	shalt  }
0x6e: {  	_ =	shalt  }
0x6f: {  	_ =	shalt  }
0x70: {  	_ =	shalt  }
0x71: {  	_ =	shalt  }
0x72: {  	_ =	shalt  }
0x73: {  	_ =	shalt  }
0x74: {  	_ =	shalt  }
0x75: {  	_ =	shalt  }
0x76: {  	_ =	shalt  }
0x77: {  	_ =	shalt  }
0x78: {  	_ =	shalt  }
0x79: {  	_ =	shalt  }
0x7a: {  	_ =	shalt  }
0x7b: {  	_ =	shalt  }
0x7c: {  	_ =	shalt  }
0x7d: {  	_ =	shalt  }
0x7e: {  	_ =	shalt  }
0x7f: {  	_ =	shalt  }
0x80: {  	_ =	shalt  }
0x81: {  	_ =	shalt  }
0x82: {  	_ =	shalt  }
0x83: {  	_ =	shalt  }
0x84: {  	_ =	shalt  }
0x85: {  	_ =	shalt  }
0x86: {  	_ =	shalt  }
0x87: {  	_ =	shalt  }
.Lfunc_end0:
.L_simem_size_0:
called_computation.1_lowered:
.L_overlay_start_0:
0x88: {  	s2 =	sld [smem:$0x3FD9]  }
0x89: {  	s3 =	sld [smem:$0x3FFE];
	_ =	sdelay $0x1  }
0x8a: {  	s1 =	srdreg.scid  }
0x8b: {  	s0 =	sand.u32 $0x1, s1  }
0x8c: {  	s17 =	sshll.u32 s0, $0xA;
	s2 =	sadd.s32 s3, s2  }
0x8d: {  	s2 =	sadd.s32 s2, s17  }
0x8e: {  	[smem:$0x3FC6] =	sst s2  }
0x8f: {  	_ = 	snop  }
0x90: {  	s2 =	sld [smem:$0x3FD0];
	(tm) =	ssettm $0x1  }
0x91: {  	s18 =	sld [smem:$0x3FFB];
	_ =	sdelay $0x3  }
0x92: {  	_ =	strace s18  }
0x93: {  	s3 =	sld [smem:$0x3FFC];
	_ =	sdelay $0x3  }
0x94: {  	_ =	strace s3  }
0x95: {  	s3 =	sld [smem:$0x3FFD];
	_ =	sdelay $0x3  }
0x96: {  	_ =	strace s3  }
0x97: {  	_ =	strace $0x8FFFFFFF  }
0x98: {  	s19 =	sld [smem:$0x3FDB];
	_ =	sdelay $0x1  }
0x99: {  	s4 =	simm.s32 $_scs_section_size  }
0x9a: {  	s5 =	simm.s32 $_size__tile_overlayer_lowered;
	s6 =	simm.s32 $_tile_overlayer_lowered  }
0x9b: {  	s22 =	simm.s32 $0x1BFF;
	s21 =	sshll.u32 s6, $0x1;
	s3 =	sadd.s32 s4, s19  }
0x9c: {  	s7 =	simm.s32 $0x0;
	s20 =	sshll.u32 s5, $0x1;
	s5 =	sadd.s32 s21, s3  }
0x9d: {  	[timem:s7], [sflag:s22] =	dma.local [hbm:s5], s20  }
0x9e: {  	_ =	swait.ge [sflag:s22], s20  }
0x9f: {  	s4 =	ssub.s32 $0x0, s20;
	[sflag:s22] =	ssyncset.done $0x0  }
0xa0: {  	[sflag:s22] =	ssyncadd.s32 s4;
	_ =	sdelay $0x1  }
0xa1: {  	s23 =	simm.s32 $0x1B8B  }
0xa2: {  	_ =	swait.ge [sflag:s23], $0x1  }
0xa3: {  	[sflag:s23] =	ssyncset.done $0x0  }
0xa4: {  	s25 =	simm.s32 $0x1B8E;
	s24 =	sld [smem:$0x3FFE];
	[sflag:s23] =	ssyncadd.s32 $0xFFFFFFFF  }
0xa5: {  	s26 =	simm.s32 $execute0_lowered;
	[smem:$0x3FD2] =	sst s25  }
0xa6: {  	s5 =	sshll.u32 s26, $0x1;
	_ =	strace $0x80000049;
	[dreg:$0x1] =	wrdreg $0xFFFFFFFF  }
0xa7: {  	s28 =	simm.s32 $_size_execute0_lowered;
	s3 =	sadd.s32 s3, s5;
	[dreg:$0x0] =	wrdreg $0x0  }
0xa8: {  	s5 =	sshll.u32 s28, $0x1;
	[dreg:$0x2] =	wrdreg s3  }
0xa9: {  	[dreg:$0x3] =	wrdreg s5  }
0xaa: {  	[dreg:$0x4] =	wrdreg $0xC0  }
0xab: {  	_ =	task [dreg:s7], $0x5FFFF  }
0xac: {  	[dreg:$0x1] =	wrdreg $0xFFFFFFFF  }
0xad: {  	[dreg:$0x0] =	wrdreg $0x60  }
0xae: {  	[dreg:$0x2] =	wrdreg s2  }
0xaf: {  	[dreg:$0x3] =	wrdreg s24  }
0xb0: {  	[dreg:$0x4] =	wrdreg $0xA4000  }
0xb1: {  	[dreg:$0x5] =	wrdreg $0x9  }
0xb2: {  	_ =	task.clear_ibuf [dreg:s7], $0x6FFFF;
	_ =	strace $0x90000049  }
0xb3: {  	s29 =	simm.s32 $0x9;
	_ =	strace $0x8000004B  }
0xb4: {  	_ =	swait.ge [sflag:s29], $0x1  }
0xb5: {  	[sflag:s29] =	ssyncadd.s32 $0xFFFFFFFF  }
0xb6: {  	_ =	strace $0x9000004B  }
0xb7: {  	_ =	sfence  }
0xb8: {  	s30 =	sld [smem:$0x0];
	_ =	sdelay $0x2  }
0xb9: {  	s31 =	sshll.u32 s1, $0xD;
	s1 =	sshrl.u32 s1, $0x2  }
0xba: {  	s3 =	sand.u32 $0x4000, s31;
	s1 =	sadd.s32 s1, s30  }
0xbb: {  	s0 =	sor.u32 s3, s0;
	s1 =	sshll.u32 s1, $0x11  }
0xbc: {  	s0 =	sor.u32 s1, s0  }
0xbd: {  	s0 =	sadd.s32 $0x8F2B, s0  }
0xbe: {  	[sflag:s0] =	ssyncadd.remote.s32 $0x1  }
0xbf: {  	_ =	sfence.sel $0xFFFF  }
0xc0: {  	[dreg:$0x0] =	wrdreg $0xFFFFFFFF;
	(pc) =	sbr.abs _section_cstart, $3  }
0xc1: {  	[dreg:$0x1] =	wrdreg $0xFFFFFFFF  }
0xc2: {  	_ =	task.clear_ibuf [dreg:s7], $0x2FFFF;
	_ =	strace $0x9FFFFFFF  }
0xc3: {  	(tm) =	ssettm $0x7FFFFFFF  }
tec
execute0_lowered:
.L_overlay_start_1:
0x0: {  	(tag) =	ssettag $0x1  }
0x1: {  	s2 =	rddreg [dreg:$0x0]  }
0x2: {  	s0 =	rddreg [dreg:$0x1]  }
0x3: {  	s3 =	rddreg [dreg:$0x2]  }
0x4: {  	s13 =	stileid.u32;
	s1 =	srdreg.scid  }
0x5: {  	s4 =	simm.s32 $0x0;
	s28 =	simm.s32 $0x200;
	s29 =	simm.s32 $0x9  }
0x6: {  	s30 =	simm.s32 $0x50;
	s31 =	simm.s32 $0x400;
	s7 =	smul.u32 $0x14000, s13  }
0x7: {  	s1 =	sand.u32 $0x1, s1;
	[smem:$0x7FF] =	sst s4;
	s5 =	sadd.s32 $0x1800, s0  }
0x8: {  	s6 =	sadd.s32 $0x89800, s0;
	s10 =	sshll.u32 s13, $0xE;
	s19 =	smul.u32 $0x50000, s13  }
0x9: {  	s8 =	smul.u32 $0x140000, s1;
	_ =	strace $0x8000004A;
	s25 =	ssub.s32 $0x2, s1  }
0xa: {  	s1 =	sshll.u32 s1, $0x12;
	s9 =	sshrl.u32 s7, $0x3;
	s12 =	sshrl.u32 s25, $0x1  }
0xb: {  	s23 =	sshrl.u32 s19, $0x2;
	s19 =	simm.s32 $0x6;
	s9 =	sadd.s32 s9, s0  }
0xc: {  	s7 =	sadd.s32 s7, s8;
	s26 =	ssub.s32 s25, s12;
	s24 =	sadd.s32 s23, s3  }
0xd: {  	s25 =	sshll.u32 s13, $0x6;
	s13 =	simm.s32 $0x1;
	s11 =	sshrl.u32 s7, $0x3  }
0xe: {  	s7 =	sor.u32 s10, s1;
	[dreg:$0xc] =	wrdreg s24;
	s9 =	sadd.s32 $0x11800, s9  }
0xf: {  	s23 =	sor.u32 $0x1C0D, s25;
	s26 =	smax.u32 s26, $0x1;
	s24 =	simm.s32 $0x80  }
0x10: {  	s25 =	simm.s32 $0x280;
	s0 =	sadd.s32 s11, s0;
	[dreg:$0xd] =	wrdreg s9  }
0x11: {  	s12 =	sshrl.u32 s7, $0x3;
	[dreg:$0x10] =	wrdreg s26;
	s26 =	simm.s32 $0x100  }
0x12: {  	s11 =	simm.s32 $0x380;
	s9 =	simm.s32 $0x0;
	[dreg:$0xe] =	wrdreg s23  }
0x13: {  	s14 =	sadd.s32 s5, s12;
	s15 =	sadd.s32 s6, s12;
	s16 =	sor.u32 $0x10, s12  }
0x14: {  	s18 =	sor.u32 $0x20, s12;
	s8 =	sor.u32 $0x30, s12;
	[dreg:$0x4] =	wrdreg s14  }
0x15: {  	s0 =	sadd.s32 $0x39800, s0;
	s12 =	simm.s32 $0x7C00;
	[dreg:$0x5] =	wrdreg s15  }
0x16: {  	s17 =	sadd.s32 s5, s16;
	s10 =	sadd.s32 s6, s16;
	[dreg:$0xf] =	wrdreg s0  }
0x17: {  	s20 =	sadd.s32 s5, s18;
	s21 =	sadd.s32 s6, s18;
	[dreg:$0x6] =	wrdreg s17  }
0x18: {  	s22 =	sadd.s32 s5, s8;
	s8 =	sadd.s32 s6, s8;
	[dreg:$0x7] =	wrdreg s10  }
.Ltmp0:
0x19: {  	s0 =	simm.s32 $0xA;
	[dreg:$0x8] =	wrdreg s20;
	(pc) =	sbr.rel .LBB2_1-.Ltmp0, $4  }
0x1a: {  	s14 =	simm.s32 $0x2;
	s15 =	simm.s32 $0x3;
	[dreg:$0x9] =	wrdreg s21  }
0x1b: {  	s16 =	simm.s32 $0x4;
	s18 =	simm.s32 $0x8;
	[dreg:$0xa] =	wrdreg s22  }
0x1c: {  	[dreg:$0xb] =	wrdreg s8;
	s21 =	simm.s32 $0x300;
	s8 =	simm.s32 $0xB  }
0x1d: {  	s10 =	simm.s32 $0xC;
	s17 =	simm.s32 $0x5;
	s20 =	simm.s32 $0x7  }
.LBB2_4:
0x1e: {  	_ =	swait.ge [sflag:s29], $0x80  }
0x1f: {  	[sflag:s29] =	ssyncset.done $0x0  }
0x20: {  	[sflag:s29] =	ssyncadd.s32 $0xFFFFFF80  }
0x21: {  	_ =	swait.ge [sflag:s29], $0x80  }
0x22: {  	[sflag:s29] =	ssyncset.done $0x0  }
0x23: {  	s28 =	simm.s32 $0x200;
	[sflag:s29] =	ssyncadd.s32 $0xFFFFFF80  }
0x24: {  	[tilespmem:s31], [sflag:$0x1] =	stream.indirect.gather [hbm4b:s2+s30], $0x80, s28, s30, $0xb8;
	[tilespmem:$0x1E400] =	vst v63  }
0x25: {  	_ =	swait.ge [sflag:s13], $0x2800  }
0x26: {  	[sflag:s13] =	ssyncset.done $0x0  }
0x27: {  	[sflag:s13] =	ssyncadd.s32 $0xFFFFD800  }
0x28: {  	[spmem:s3] =	stream.indirect.scatter.add.f32 [tilespmem:s31], [sflag:$0x5], $0x80, s4, s30, $0xb8;
	[tilespmem:$0x1E400] =	vst v63  }
0x29: {  	_ =	swait.ge [sflag:s19], $0x2800  }
0x2a: {  	[sflag:s19] =	ssyncset.done $0x0  }
0x2b: {  	[sflag:s19] =	ssyncadd.s32 $0xFFFFD800  }
0x2c: {  	_ =	swait.ge [sflag:s20], $0x2800  }
0x2d: {  	[sflag:s20] =	ssyncset.done $0x0  }
0x2e: {  	[sflag:s20] =	ssyncadd.s32 $0xFFFFD800  }
0x2f: {  	_ =	swait.ge [sflag:s18], $0x2800  }
0x30: {  	[sflag:s18] =	ssyncset.done $0x0  }
0x31: {  	[sflag:s18] =	ssyncadd.s32 $0xFFFFD800  }
0x32: {  	_ =	swait.ge [sflag:s17], $0x2800  }
0x33: {  	[sflag:s17] =	ssyncset.done $0x0  }
0x34: {  	[sflag:s17] =	ssyncadd.s32 $0xFFFFD800  }
0x35: {  	[bflag:$0x0] =	sbarrier.arrive $0xFFFF  }
0x36: {  	s23 =	rddreg [dreg:$0xe]  }
0x37: {  	s22 =	rddreg [dreg:$0xf]  }
0x38: {  	s25 =	simm.s32 $0xD;
	s1 =	rddreg [dreg:$0x12]  }
0x39: {  	[hbm:s22], [sflag:s23] =	dma.local [spmem:s1], $0x2800  }
0x3a: {  	_ =	swait.ge [sflag:s25], $0x2800  }
0x3b: {  	s9 =	rddreg [dreg:$0x11]  }
0x3c: {  	s26 =	rddreg [dreg:$0x10];
	s9 =	sadd.s32 $0x1, s9  }
0x3d: {  	p0 =	sne.s32 s9, s26  }
.Ltmp1:
0x3e: {  	_ = 	snop;
	(pc) =	sbr.rel @!p0 .LBB2_5-.Ltmp1, $3  }
0x3f: {  	_ =	sdelay $0x1  }
0x40: {  	s24 =	simm.s32 $0x80;
	s21 =	simm.s32 $0x300;
	[sflag:s25] =	ssyncset.done $0x0  }
0x41: {  	[sflag:s25] =	ssyncadd.s32 $0xFFFFD800;
	s25 =	simm.s32 $0x280;
	s26 =	simm.s32 $0x100  }
.LBB2_1:
0x42: {  	[dreg:$0x11] =	wrdreg s9  }
0x43: {  	s22 =	rddreg [dreg:$0x4]  }
0x44: {  	s9 =	rddreg [dreg:$0x5]  }
0x45: {  	[tilespmem:s4], [sflag:$0x9] =	stream.linear.gather [hbm4b:s22+s4], $0x80, $0x38;
	[tilespmem:$0x1E400] =	vst v63  }
0x46: {  	s1 =	rddreg [dreg:$0x6]  }
0x47: {  	[tilespmem:s28], [sflag:$0x9] =	stream.linear.gather [hbm4b:s9+s4], $0x80, $0x38;
	[tilespmem:$0x1E400] =	vst v63  }
0x48: {  	s9 =	rddreg [dreg:$0x7]  }
0x49: {  	[tilespmem:s24], [sflag:$0xA] =	stream.linear.gather [hbm4b:s1+s4], $0x80, $0x38;
	[tilespmem:$0x1E400] =	vst v63  }
0x4a: {  	s24 =	rddreg [dreg:$0x8]  }
0x4b: {  	[tilespmem:s25], [sflag:$0xA] =	stream.linear.gather [hbm4b:s9+s4], $0x80, $0x38;
	[tilespmem:$0x1E400] =	vst v63  }
0x4c: {  	s25 =	rddreg [dreg:$0x9]  }
0x4d: {  	s9 =	rddreg [dreg:$0xb]  }
0x4e: {  	[tilespmem:s26], [sflag:$0xB] =	stream.linear.gather [hbm4b:s24+s4], $0x80, $0x38;
	[tilespmem:$0x1E400] =	vst v63  }
0x4f: {  	s24 =	rddreg [dreg:$0xc]  }
0x50: {  	[tilespmem:s21], [sflag:$0xB] =	stream.linear.gather [hbm4b:s25+s4], $0x80, $0x38;
	[tilespmem:$0x1E400] =	vst v63  }
0x51: {  	s26 =	rddreg [dreg:$0xa];
	s25 =	sshrl.u32 s24, $0x3  }
0x52: {  	s1 =	simm.s32 $0x180;
	[dreg:$0x12] =	wrdreg s25  }
0x53: {  	[tilespmem:s1], [sflag:$0xC] =	stream.linear.gather [hbm4b:s26+s4], $0x80, $0x38;
	[tilespmem:$0x1E400] =	vst v63  }
0x54: {  	s21 =	simm.s32 $0xD;
	s26 =	rddreg [dreg:$0xd]  }
0x55: {  	[tilespmem:s11], [sflag:$0xC] =	stream.linear.gather [hbm4b:s9+s4], $0x80, $0x38;
	[tilespmem:$0x1E400] =	vst v63  }
0x56: {  	[spmem:s25], [sflag:s23] =	dma.local [hbm:s26], $0x2800  }
0x57: {  	_ =	swait.ge [sflag:s21], $0x2800  }
0x58: {  	s28 =	simm.s32 $0x380;
	s24 =	simm.s32 $0x80;
	[sflag:s21] =	ssyncset.done $0x0  }
0x59: {  	s9 =	simm.s32 $0x180;
	s25 =	simm.s32 $0x280;
	[sflag:s21] =	ssyncadd.s32 $0xFFFFD800  }
0x5a: {  	s26 =	simm.s32 $0x100;
	s21 =	simm.s32 $0x300;
	[bflag:$0x0] =	sbarrier.arrive $0xFFFF  }
.LBB2_2:
0x5b: {  	_ =	swait.ge [sflag:s29], $0x80  }
0x5c: {  	[sflag:s29] =	ssyncset.done $0x0  }
0x5d: {  	[sflag:s29] =	ssyncadd.s32 $0xFFFFFF80  }
0x5e: {  	_ =	swait.ge [sflag:s29], $0x80  }
0x5f: {  	[sflag:s29] =	ssyncset.done $0x0  }
0x60: {  	s1 =	simm.s32 $0x200;
	[sflag:s29] =	ssyncadd.s32 $0xFFFFFF80  }
0x61: {  	[tilespmem:s31], [sflag:$0x1] =	stream.indirect.gather [hbm4b:s2+s30], $0x80, s1, s30, $0xb8;
	[tilespmem:$0x1E400] =	vst v63  }
0x62: {  	_ =	swait.ge [sflag:s0], $0x80  }
0x63: {  	[sflag:s0] =	ssyncset.done $0x0  }
0x64: {  	[sflag:s0] =	ssyncadd.s32 $0xFFFFFF80  }
0x65: {  	_ =	swait.ge [sflag:s0], $0x80  }
0x66: {  	[sflag:s0] =	ssyncset.done $0x0  }
0x67: {  	s22 =	simm.s32 $0x2C00;
	[sflag:s0] =	ssyncadd.s32 $0xFFFFFF80  }
0x68: {  	[tilespmem:s22], [sflag:$0x2] =	stream.indirect.gather [hbm4b:s2+s30], $0x80, s25, s30, $0xb8;
	[tilespmem:$0x1E400] =	vst v63  }
0x69: {  	_ =	swait.ge [sflag:s8], $0x80  }
0x6a: {  	[sflag:s8] =	ssyncset.done $0x0  }
0x6b: {  	[sflag:s8] =	ssyncadd.s32 $0xFFFFFF80  }
0x6c: {  	_ =	swait.ge [sflag:s8], $0x80  }
0x6d: {  	[sflag:s8] =	ssyncset.done $0x0  }
0x6e: {  	s23 =	simm.s32 $0x5400;
	[sflag:s8] =	ssyncadd.s32 $0xFFFFFF80  }
0x6f: {  	[tilespmem:s23], [sflag:$0x3] =	stream.indirect.gather [hbm4b:s2+s30], $0x80, s21, s30, $0xb8;
	[tilespmem:$0x1E400] =	vst v63  }
0x70: {  	_ =	swait.ge [sflag:s10], $0x80  }
0x71: {  	[sflag:s10] =	ssyncset.done $0x0  }
0x72: {  	[sflag:s10] =	ssyncadd.s32 $0xFFFFFF80  }
0x73: {  	_ =	swait.ge [sflag:s10], $0x80  }
0x74: {  	[sflag:s10] =	ssyncset.done $0x0  }
0x75: {  	[sflag:s10] =	ssyncadd.s32 $0xFFFFFF80  }
0x76: {  	[tilespmem:s12], [sflag:$0x4] =	stream.indirect.gather [hbm4b:s2+s30], $0x80, s11, s30, $0xb8;
	[tilespmem:$0x1E400] =	vst v63  }
0x77: {  	_ =	swait.ge [sflag:s13], $0x2800  }
0x78: {  	[sflag:s13] =	ssyncset.done $0x0  }
0x79: {  	[sflag:s13] =	ssyncadd.s32 $0xFFFFD800  }
0x7a: {  	[spmem:s3] =	stream.indirect.scatter.add.f32 [tilespmem:s31], [sflag:$0x5], $0x80, s4, s30, $0xb8;
	[tilespmem:$0x1E400] =	vst v63  }
0x7b: {  	_ =	swait.ge [sflag:s14], $0x2800  }
0x7c: {  	[sflag:s14] =	ssyncset.done $0x0  }
0x7d: {  	[sflag:s14] =	ssyncadd.s32 $0xFFFFD800  }
0x7e: {  	[spmem:s3] =	stream.indirect.scatter.add.f32 [tilespmem:s22], [sflag:$0x6], $0x80, s24, s30, $0xb8;
	[tilespmem:$0x1E400] =	vst v63  }
0x7f: {  	_ =	swait.ge [sflag:s15], $0x2800  }
0x80: {  	[sflag:s15] =	ssyncset.done $0x0  }
0x81: {  	[sflag:s15] =	ssyncadd.s32 $0xFFFFD800  }
0x82: {  	[spmem:s3] =	stream.indirect.scatter.add.f32 [tilespmem:s23], [sflag:$0x7], $0x80, s26, s30, $0xb8;
	[tilespmem:$0x1E400] =	vst v63  }
0x83: {  	s22 =	sadd.s32 $0xFFFFFE80, s28;
	_ =	swait.ge [sflag:s16], $0x2800  }
0x84: {  	s23 =	sand.u32 $0x7C00, s22;
	[sflag:s16] =	ssyncset.done $0x0  }
0x85: {  	s22 =	sand.u32 $0x200, s22;
	s23 =	sadd.s32 s7, s23;
	[sflag:s16] =	ssyncadd.s32 $0xFFFFD800  }
0x86: {  	[spmem:s3] =	stream.indirect.scatter.add.f32 [tilespmem:s12], [sflag:$0x8], $0x80, s9, s30, $0xb8;
	[tilespmem:$0x1E400] =	vst v63  }
0x87: {  	p0 =	seq.s32 s28, $0x3F80;
	s22 =	sor.u32 s22, s23;
	_ =	swait.ge [sflag:s17], $0x2800  }
.Ltmp2:
0x88: {  	s22 =	sshrl.u32 s22, $0x3;
	[sflag:s17] =	ssyncset.done $0x0;
	(pc) =	sbr.rel @p0 .LBB2_4-.Ltmp2, $4  }
0x89: {  	s23 =	sadd.s32 s5, s22;
	[sflag:s17] =	ssyncadd.s32 $0xFFFFD800  }
0x8a: {  	[tilespmem:s4], [sflag:$0x9] =	stream.linear.gather [hbm4b:s23+s4], $0x80, $0x38;
	[tilespmem:$0x1E400] =	vst v63  }
0x8b: {  	s9 =	simm.s32 $0x180;
	s22 =	sadd.s32 s6, s22  }
0x8c: {  	[tilespmem:s1], [sflag:$0x9] =	stream.linear.gather [hbm4b:s22+s4], $0x80, $0x38;
	[tilespmem:$0x1E400] =	vst v63  }
0x8d: {  	s22 =	sadd.s32 $0xFFFFFF00, s28  }
0x8e: {  	s23 =	sand.u32 $0x7C00, s22  }
0x8f: {  	s22 =	sand.u32 $0x280, s22;
	s23 =	sadd.s32 s7, s23  }
0x90: {  	_ =	swait.ge [sflag:s19], $0x2800;
	s22 =	sor.u32 s22, s23  }
0x91: {  	[sflag:s19] =	ssyncset.done $0x0;
	s22 =	sshrl.u32 s22, $0x3  }
0x92: {  	[sflag:s19] =	ssyncadd.s32 $0xFFFFD800;
	s1 =	sadd.s32 s5, s22  }
0x93: {  	[tilespmem:s24], [sflag:$0xA] =	stream.linear.gather [hbm4b:s1+s4], $0x80, $0x38;
	[tilespmem:$0x1E400] =	vst v63  }
0x94: {  	s22 =	sadd.s32 s6, s22  }
0x95: {  	[tilespmem:s25], [sflag:$0xA] =	stream.linear.gather [hbm4b:s22+s4], $0x80, $0x38;
	[tilespmem:$0x1E400] =	vst v63  }
0x96: {  	s22 =	sadd.s32 $0xFFFFFF80, s28  }
0x97: {  	s1 =	sand.u32 $0x7C00, s22  }
0x98: {  	s22 =	sand.u32 $0x300, s22;
	s23 =	sadd.s32 s7, s1  }
0x99: {  	_ =	swait.ge [sflag:s20], $0x2800;
	s22 =	sor.u32 s22, s23  }
0x9a: {  	[sflag:s20] =	ssyncset.done $0x0;
	s22 =	sshrl.u32 s22, $0x3  }
0x9b: {  	[sflag:s20] =	ssyncadd.s32 $0xFFFFD800;
	s1 =	sadd.s32 s5, s22  }
0x9c: {  	[tilespmem:s26], [sflag:$0xB] =	stream.linear.gather [hbm4b:s1+s4], $0x80, $0x38;
	[tilespmem:$0x1E400] =	vst v63  }
0x9d: {  	s23 =	sand.u32 $0x7C00, s28;
	s22 =	sadd.s32 s6, s22  }
0x9e: {  	[tilespmem:s21], [sflag:$0xB] =	stream.linear.gather [hbm4b:s22+s4], $0x80, $0x38;
	[tilespmem:$0x1E400] =	vst v63  }
0x9f: {  	s1 =	sand.u32 $0x380, s28;
	s22 =	sadd.s32 s7, s23  }
0xa0: {  	_ =	swait.ge [sflag:s18], $0x2800;
	s22 =	sor.u32 s1, s22  }
.Ltmp3:
0xa1: {  	[sflag:s18] =	ssyncset.done $0x0;
	s22 =	sshrl.u32 s22, $0x3;
	(pc) =	sbr.rel .LBB2_2-.Ltmp3, $4  }
0xa2: {  	[sflag:s18] =	ssyncadd.s32 $0xFFFFD800;
	s1 =	sadd.s32 s5, s22  }
0xa3: {  	[tilespmem:s9], [sflag:$0xC] =	stream.linear.gather [hbm4b:s1+s4], $0x80, $0x38;
	[tilespmem:$0x1E400] =	vst v63  }
0xa4: {  	s28 =	sadd.s32 $0x200, s28;
	s22 =	sadd.s32 s6, s22;
	s9 =	simm.s32 $0x180  }
0xa5: {  	[tilespmem:s11], [sflag:$0xC] =	stream.linear.gather [hbm4b:s22+s4], $0x80, $0x38;
	[tilespmem:$0x1E400] =	vst v63  }
.LBB2_5:
0xa6: {  	_ =	sfence.sel $0x180000  }
0xa7: {  	[bflag:$0x0] =	sbarrier.arrive $0xFFFF  }
0xa8: {  	_ =	strace $0x9000004A  }
0xa9: {  	s0 =	stileid.u32;
	[bflag:$0x2] =	sbarrier.arrive $0xFFFF  }
0xaa: {  	p0 =	sne.s32 s0, $0x0;
	s0 =	rddreg [dreg:$0x3]  }
0xab: {  	s0 =	sadd.s32 @!p0 $0x100000, s0  }
0xac: {  	[sflag:s0] =	ssyncadd.tile.s32 @!p0 $0x1;
	_ =	shalt  }
.Lfunc_end2:
_tile_overlayer_lowered:
.L_overlay_start_2:
0xad: {  	(tag) =	ssettag $0x2  }
0xae: {  	s0 =	rddreg [dreg:$0x0];
	s2 =	stileid.u32  }
0xaf: {  	s1 =	rddreg [dreg:$0x1];
	p0 =	sne.s32 s2, $0x0  }
0xb0: {  	s3 =	rddreg [dreg:$0x2];
	[bflag:$0x3] =	sbarrier.arrive $0xFFFF;
	s2 =	simm.s32 @!p0 $0x1C0D  }
0xb1: {  	[timem:s3], [sflag:s2] =	dma.local @!p0 [hbm:s0], s1  }
0xb2: {  	s0 =	simm.s32 @!p0 $0xD  }
0xb3: {  	_ =	swait.ge @!p0 [sflag:s0], s1  }
0xb4: {  	s1 =	ssub.s32 @!p0 $0x0, s1;
	[sflag:s0] =	ssyncset.done @!p0 $0x0  }
0xb5: {  	[sflag:s0] =	ssyncadd.s32 @!p0 s1  }
0xb6: {  	[bflag:$0x3] =	sbarrier.arrive $0xFFFF  }
0xb7: {  	_ =	shalt  }

// kernel: kernel.14.cloned.1.call-start
scs
__scs_entry_jumppad:
0x0: {  	(pc) =	sbr.rel $0x88, $3  }
0x1: {  	(tag) =	ssettag $0x0;
	lr =	simm.s32 $0x1  }
0x2: {  	[smem:$0x3F9F] =	sst lr;
	_ =	strace $0xD0000000  }
0x3: {  	_ = 	snop  }
0x4: {  	_ = 	snop  }
0x5: {  	_ = 	snop  }
0x6: {  	_ = 	snop  }
0x7: {  	_ = 	snop  }
__scs_overlays_trampoline_lowered:
0x8: {  	[smem:$0x3FAE] =	sst s0  }
0x9: {  	[smem:$0x3FAF] =	sst s1  }
0xa: {  	[smem:$0x3FB0] =	sst s2  }
0xb: {  	[smem:$0x3FB1] =	sst s3  }
0xc: {  	[smem:$0x3FB2] =	sst s4  }
0xd: {  	[smem:$0x3FB3] =	sst s5  }
0xe: {  	[smem:$0x3FB4] =	sst s6  }
0xf: {  	[smem:$0x3FB5] =	sst s7  }
0x10: {  	[smem:$0x3FB6] =	sst s8  }
0x11: {  	[smem:$0x3FB7] =	sst s9;
	s0 =	simm.s32 @!p0 $0x0  }
0x12: {  	s1 =	sld [smem:$0x3F9D];
	s0 =	simm.s32 @p0 $0x1  }
0x13: {  	[smem:$0x3FB8] =	sst s0;
	s0 =	simm.s32 @!p1 $0x0  }
0x14: {  	s2 =	sld [smem:$0x3F9C];
	s0 =	simm.s32 @p1 $0x1  }
0x15: {  	[smem:$0x3FB9] =	sst s0;
	s0 =	simm.s32 @!p2 $0x0  }
0x16: {  	s3 =	sld [smem:$0x3FDB];
	s0 =	simm.s32 @p2 $0x1  }
0x17: {  	s4 =	simm.s32 $0x1BF5;
	[smem:$0x3FBB] =	sst s0  }
0x18: {  	s0 =	sld [smem:$0x3F9E];
	_ =	swait.ge [sflag:s4], $0x0  }
0x19: {  	s7 =	sld [smem:$0x3F9F]  }
0x1a: {  	s8 =	sadd.s32 $0xFFFFE003, lr  }
0x1b: {  	s9 =	sadd.s32 $0xFFFFFEF7, lr;
	s5 =	simm.s32 $0xFFFFFFFF;
	p2 =	slt.u32 s8, $0xFFFFF086  }
0x1c: {  	p1 =	slt.u32 s9, $0xF7A;
	s5 =	simm.s32 @!p2 $0x0  }
0x1d: {  	s5 =	simm.s32 @p1 $0x1;
	p0 =	seq.s32 s7, s2  }
0x1e: {  	s7 =	smul.u32 @!p0 $0xF7A, s2;
	p2 =	seq.s32 @!p0 s5, $0x0  }
0x1f: {  	s9 =	smul.u32 $0xF7A, s1;
	s8 =	simm.s32 @!p0 $0x1BF5;
	p2 =	por !p2, p0  }
0x20: {  	[sflag:s8] =	ssyncset.s32 @!p0 $0xFFFFF086;
	s6 =	sadd.s32 @!p0 s3, s7;
	s7 =	simm.s32 @!p0 $0x108  }
0x21: {  	s3 =	sadd.s32 s3, s9;
	s6 =	sadd.s32 @!p0 $0x88, s6;
	s7 =	simm.s32 @p2 $0x1082  }
0x22: {  	[simem:s7], [sflag:s8] =	dma.local @!p0 [hbm:s6], $0xF7A  }
0x23: {  	s9 =	sor.u32 $0xD0000000, s2;
	s6 =	simm.s32 $0x108;
	_ =	swait.ge @!p0 [sflag:s8], $0x0  }
0x24: {  	s3 =	sadd.s32 $0x88, s3;
	s6 =	simm.s32 @!p1 $0x1082;
	[sflag:s4] =	ssyncset.s32 $0xFFFFF086  }
0x25: {  	[simem:s6], [sflag:s4] =	dma.local [hbm:s3], $0xF7A  }
0x26: {  	[smem:$0x3F9F] =	sst s1;
	(tag) =	ssettag s2;
	_ =	strace s9  }
0x27: {  	s1 =	sld [smem:$0x3FAF]  }
0x28: {  	s2 =	sld [smem:$0x3FB0]  }
0x29: {  	s4 =	sld [smem:$0x3FB2]  }
0x2a: {  	p0 =	seq.s32 s5, $0x0;
	s5 =	sld [smem:$0x3FB3]  }
0x2b: {  	s6 =	sld [smem:$0x3FB4]  }
0x2c: {  	s7 =	sld [smem:$0x3FB5]  }
0x2d: {  	s3 =	simm.s32 $0x108;
	s8 =	sld [smem:$0x3FB6]  }
0x2e: {  	s3 =	simm.s32 @!p0 $0x1082;
	s9 =	sld [smem:$0x3FB7]  }
0x2f: {  	lr =	sadd.s32 s0, s3;
	s0 =	sld [smem:$0x3FAE]  }
0x30: {  	s3 =	sld [smem:$0x3FB1]  }
0x31: {  	[smem:$0x3FBA] =	sst s10  }
0x32: {  	s10 =	sld [smem:$0x3FB8];
	_ =	sdelay $0x3  }
0x33: {  	p0 =	seq.s32 s10, $0x1;
	s10 =	sld [smem:$0x3FBA];
	_ =	sdelay $0x3  }
0x34: {  	[smem:$0x3FBA] =	sst s10  }
0x35: {  	s10 =	sld [smem:$0x3FB9];
	_ =	sdelay $0x3  }
0x36: {  	p1 =	seq.s32 s10, $0x1;
	s10 =	sld [smem:$0x3FBA];
	_ =	sdelay $0x3  }
0x37: {  	[smem:$0x3FBA] =	sst s10  }
0x38: {  	s10 =	sld [smem:$0x3FBB]  }
0x39: {  	_ = 	snop;
	(pc) =	sbr.ind lr, $3  }
0x3a: {  	_ = 	snop  }
0x3b: {  	_ = 	snop  }
0x3c: {  	p2 =	seq.s32 s10, $0x1;
	s10 =	sld [smem:$0x3FBA]  }
0x3d: {  	_ =	shalt  }
0x3e: {  	_ =	shalt  }
0x3f: {  	_ =	shalt  }
0x40: {  	_ =	shalt  }
0x41: {  	_ =	shalt  }
0x42: {  	_ =	shalt  }
0x43: {  	_ =	shalt  }
0x44: {  	_ =	shalt  }
0x45: {  	_ =	shalt  }
0x46: {  	_ =	shalt  }
0x47: {  	_ =	shalt  }
0x48: {  	_ =	shalt  }
0x49: {  	_ =	shalt  }
0x4a: {  	_ =	shalt  }
0x4b: {  	_ =	shalt  }
0x4c: {  	_ =	shalt  }
0x4d: {  	_ =	shalt  }
0x4e: {  	_ =	shalt  }
0x4f: {  	_ =	shalt  }
0x50: {  	_ =	shalt  }
0x51: {  	_ =	shalt  }
0x52: {  	_ =	shalt  }
0x53: {  	_ =	shalt  }
0x54: {  	_ =	shalt  }
0x55: {  	_ =	shalt  }
0x56: {  	_ =	shalt  }
0x57: {  	_ =	shalt  }
0x58: {  	_ =	shalt  }
0x59: {  	_ =	shalt  }
0x5a: {  	_ =	shalt  }
0x5b: {  	_ =	shalt  }
0x5c: {  	_ =	shalt  }
0x5d: {  	_ =	shalt  }
0x5e: {  	_ =	shalt  }
0x5f: {  	_ =	shalt  }
0x60: {  	_ =	shalt  }
0x61: {  	_ =	shalt  }
0x62: {  	_ =	shalt  }
0x63: {  	_ =	shalt  }
0x64: {  	_ =	shalt  }
0x65: {  	_ =	shalt  }
0x66: {  	_ =	shalt  }
0x67: {  	_ =	shalt  }
0x68: {  	_ =	shalt  }
0x69: {  	_ =	shalt  }
0x6a: {  	_ =	shalt  }
0x6b: {  	_ =	shalt  }
0x6c: {  	_ =	shalt  }
0x6d: {  	_ =	shalt  }
0x6e: {  	_ =	shalt  }
0x6f: {  	_ =	shalt  }
0x70: {  	_ =	shalt  }
0x71: {  	_ =	shalt  }
0x72: {  	_ =	shalt  }
0x73: {  	_ =	shalt  }
0x74: {  	_ =	shalt  }
0x75: {  	_ =	shalt  }
0x76: {  	_ =	shalt  }
0x77: {  	_ =	shalt  }
0x78: {  	_ =	shalt  }
0x79: {  	_ =	shalt  }
0x7a: {  	_ =	shalt  }
0x7b: {  	_ =	shalt  }
0x7c: {  	_ =	shalt  }
0x7d: {  	_ =	shalt  }
0x7e: {  	_ =	shalt  }
0x7f: {  	_ =	shalt  }
0x80: {  	_ =	shalt  }
0x81: {  	_ =	shalt  }
0x82: {  	_ =	shalt  }
0x83: {  	_ =	shalt  }
0x84: {  	_ =	shalt  }
0x85: {  	_ =	shalt  }
0x86: {  	_ =	shalt  }
0x87: {  	_ =	shalt  }
.Lfunc_end0:
.L_simem_size_0:
called_computation.2_lowered:
.L_overlay_start_0:
0x88: {  	s2 =	sld [smem:$0x3FD9]  }
0x89: {  	s3 =	sld [smem:$0x3FFE];
	_ =	sdelay $0x1  }
0x8a: {  	s1 =	srdreg.scid  }
0x8b: {  	s0 =	sand.u32 $0x1, s1  }
0x8c: {  	s17 =	sshll.u32 s0, $0xA;
	s2 =	sadd.s32 s3, s2  }
0x8d: {  	s2 =	sadd.s32 s2, s17  }
0x8e: {  	[smem:$0x3FC6] =	sst s2  }
0x8f: {  	_ = 	snop  }
0x90: {  	s2 =	sld [smem:$0x3FD0];
	(tm) =	ssettm $0x1  }
0x91: {  	s18 =	sld [smem:$0x3FFB];
	_ =	sdelay $0x3  }
0x92: {  	_ =	strace s18  }
0x93: {  	s3 =	sld [smem:$0x3FFC];
	_ =	sdelay $0x3  }
0x94: {  	_ =	strace s3  }
0x95: {  	s3 =	sld [smem:$0x3FFD];
	_ =	sdelay $0x3  }
0x96: {  	_ =	strace s3  }
0x97: {  	_ =	strace $0x8FFFFFFF  }
0x98: {  	s19 =	sld [smem:$0x3FDB];
	_ =	sdelay $0x1  }
0x99: {  	s4 =	simm.s32 $_scs_section_size  }
0x9a: {  	s5 =	simm.s32 $_size__tile_overlayer_lowered;
	s6 =	simm.s32 $_tile_overlayer_lowered  }
0x9b: {  	s22 =	simm.s32 $0x1BFF;
	s21 =	sshll.u32 s6, $0x1;
	s3 =	sadd.s32 s4, s19  }
0x9c: {  	s7 =	simm.s32 $0x0;
	s20 =	sshll.u32 s5, $0x1;
	s5 =	sadd.s32 s21, s3  }
0x9d: {  	[timem:s7], [sflag:s22] =	dma.local [hbm:s5], s20  }
0x9e: {  	_ =	swait.ge [sflag:s22], s20  }
0x9f: {  	s4 =	ssub.s32 $0x0, s20;
	[sflag:s22] =	ssyncset.done $0x0  }
0xa0: {  	[sflag:s22] =	ssyncadd.s32 s4;
	_ =	sdelay $0x1  }
0xa1: {  	s23 =	simm.s32 $0x1B8B  }
0xa2: {  	_ =	swait.ge [sflag:s23], $0x1  }
0xa3: {  	[sflag:s23] =	ssyncset.done $0x0  }
0xa4: {  	s25 =	simm.s32 $0x1B8E;
	s24 =	sld [smem:$0x3FFE];
	[sflag:s23] =	ssyncadd.s32 $0xFFFFFFFF  }
0xa5: {  	s26 =	simm.s32 $execute0_lowered;
	[smem:$0x3FD2] =	sst s25  }
0xa6: {  	s5 =	sshll.u32 s26, $0x1;
	_ =	strace $0x8000004C;
	[dreg:$0x1] =	wrdreg $0xFFFFFFFF  }
0xa7: {  	s28 =	simm.s32 $_size_execute0_lowered;
	s3 =	sadd.s32 s3, s5;
	[dreg:$0x0] =	wrdreg $0x0  }
0xa8: {  	s5 =	sshll.u32 s28, $0x1;
	[dreg:$0x2] =	wrdreg s3  }
0xa9: {  	[dreg:$0x3] =	wrdreg s5  }
0xaa: {  	[dreg:$0x4] =	wrdreg $0xC0  }
0xab: {  	_ =	task [dreg:s7], $0x5FFFF  }
0xac: {  	[dreg:$0x1] =	wrdreg $0xFFFFFFFF  }
0xad: {  	[dreg:$0x0] =	wrdreg $0x60  }
0xae: {  	[dreg:$0x2] =	wrdreg s2  }
0xaf: {  	[dreg:$0x3] =	wrdreg s24  }
0xb0: {  	[dreg:$0x4] =	wrdreg $0xA4000  }
0xb1: {  	[dreg:$0x5] =	wrdreg $0x9  }
0xb2: {  	_ =	task.clear_ibuf [dreg:s7], $0x6FFFF;
	_ =	strace $0x9000004C  }
0xb3: {  	s29 =	simm.s32 $0x9;
	_ =	strace $0x8000004E  }
0xb4: {  	_ =	swait.ge [sflag:s29], $0x1  }
0xb5: {  	[sflag:s29] =	ssyncadd.s32 $0xFFFFFFFF  }
0xb6: {  	_ =	strace $0x9000004E  }
0xb7: {  	_ =	sfence  }
0xb8: {  	s30 =	sld [smem:$0x0];
	_ =	sdelay $0x2  }
0xb9: {  	s31 =	sshll.u32 s1, $0xD;
	s1 =	sshrl.u32 s1, $0x2  }
0xba: {  	s3 =	sand.u32 $0x4000, s31;
	s1 =	sadd.s32 s1, s30  }
0xbb: {  	s0 =	sor.u32 s3, s0;
	s1 =	sshll.u32 s1, $0x11  }
0xbc: {  	s0 =	sor.u32 s1, s0  }
0xbd: {  	s0 =	sadd.s32 $0x8F2B, s0  }
0xbe: {  	[sflag:s0] =	ssyncadd.remote.s32 $0x1  }
0xbf: {  	_ =	sfence.sel $0xFFFF  }
0xc0: {  	[dreg:$0x0] =	wrdreg $0xFFFFFFFF;
	(pc) =	sbr.abs _section_cstart, $3  }
0xc1: {  	[dreg:$0x1] =	wrdreg $0xFFFFFFFF  }
0xc2: {  	_ =	task.clear_ibuf [dreg:s7], $0x2FFFF;
	_ =	strace $0x9FFFFFFF  }
0xc3: {  	(tm) =	ssettm $0x7FFFFFFF  }
tec
execute0_lowered:
.L_overlay_start_1:
0x0: {  	(tag) =	ssettag $0x1  }
0x1: {  	s2 =	rddreg [dreg:$0x0]  }
0x2: {  	s0 =	rddreg [dreg:$0x1]  }
0x3: {  	s3 =	rddreg [dreg:$0x2]  }
0x4: {  	s13 =	stileid.u32;
	s1 =	srdreg.scid  }
0x5: {  	s4 =	simm.s32 $0x0;
	s28 =	simm.s32 $0x200;
	s29 =	simm.s32 $0x9  }
0x6: {  	s30 =	simm.s32 $0x50;
	s31 =	simm.s32 $0x400;
	s7 =	smul.u32 $0x14000, s13  }
0x7: {  	s1 =	sand.u32 $0x1, s1;
	[smem:$0x7FF] =	sst s4;
	s5 =	sadd.s32 $0x1800, s0  }
0x8: {  	s6 =	sadd.s32 $0x89800, s0;
	s10 =	sshll.u32 s13, $0xE;
	s19 =	smul.u32 $0x50000, s13  }
0x9: {  	s8 =	smul.u32 $0x140000, s1;
	_ =	strace $0x8000004D;
	s25 =	ssub.s32 $0x2, s1  }
0xa: {  	s1 =	sshll.u32 s1, $0x12;
	s9 =	sshrl.u32 s7, $0x3;
	s12 =	sshrl.u32 s25, $0x1  }
0xb: {  	s23 =	sshrl.u32 s19, $0x2;
	s19 =	simm.s32 $0x6;
	s9 =	sadd.s32 s9, s0  }
0xc: {  	s7 =	sadd.s32 s7, s8;
	s26 =	ssub.s32 s25, s12;
	s24 =	sadd.s32 s23, s3  }
0xd: {  	s25 =	sshll.u32 s13, $0x6;
	s13 =	simm.s32 $0x1;
	s11 =	sshrl.u32 s7, $0x3  }
0xe: {  	s7 =	sor.u32 s10, s1;
	[dreg:$0xc] =	wrdreg s24;
	s9 =	sadd.s32 $0x11800, s9  }
0xf: {  	s23 =	sor.u32 $0x1C0D, s25;
	s26 =	smax.u32 s26, $0x1;
	s24 =	simm.s32 $0x80  }
0x10: {  	s25 =	simm.s32 $0x280;
	s0 =	sadd.s32 s11, s0;
	[dreg:$0xd] =	wrdreg s9  }
0x11: {  	s12 =	sshrl.u32 s7, $0x3;
	[dreg:$0x10] =	wrdreg s26;
	s26 =	simm.s32 $0x100  }
0x12: {  	s11 =	simm.s32 $0x380;
	s9 =	simm.s32 $0x0;
	[dreg:$0xe] =	wrdreg s23  }
0x13: {  	s14 =	sadd.s32 s5, s12;
	s15 =	sadd.s32 s6, s12;
	s16 =	sor.u32 $0x10, s12  }
0x14: {  	s18 =	sor.u32 $0x20, s12;
	s8 =	sor.u32 $0x30, s12;
	[dreg:$0x4] =	wrdreg s14  }
0x15: {  	s0 =	sadd.s32 $0x39800, s0;
	s12 =	simm.s32 $0x7C00;
	[dreg:$0x5] =	wrdreg s15  }
0x16: {  	s17 =	sadd.s32 s5, s16;
	s10 =	sadd.s32 s6, s16;
	[dreg:$0xf] =	wrdreg s0  }
0x17: {  	s20 =	sadd.s32 s5, s18;
	s21 =	sadd.s32 s6, s18;
	[dreg:$0x6] =	wrdreg s17  }
0x18: {  	s22 =	sadd.s32 s5, s8;
	s8 =	sadd.s32 s6, s8;
	[dreg:$0x7] =	wrdreg s10  }
.Ltmp0:
0x19: {  	s0 =	simm.s32 $0xA;
	[dreg:$0x8] =	wrdreg s20;
	(pc) =	sbr.rel .LBB2_1-.Ltmp0, $4  }
0x1a: {  	s14 =	simm.s32 $0x2;
	s15 =	simm.s32 $0x3;
	[dreg:$0x9] =	wrdreg s21  }
0x1b: {  	s16 =	simm.s32 $0x4;
	s18 =	simm.s32 $0x8;
	[dreg:$0xa] =	wrdreg s22  }
0x1c: {  	[dreg:$0xb] =	wrdreg s8;
	s21 =	simm.s32 $0x300;
	s8 =	simm.s32 $0xB  }
0x1d: {  	s10 =	simm.s32 $0xC;
	s17 =	simm.s32 $0x5;
	s20 =	simm.s32 $0x7  }
.LBB2_4:
0x1e: {  	_ =	swait.ge [sflag:s29], $0x80  }
0x1f: {  	[sflag:s29] =	ssyncset.done $0x0  }
0x20: {  	[sflag:s29] =	ssyncadd.s32 $0xFFFFFF80  }
0x21: {  	_ =	swait.ge [sflag:s29], $0x80  }
0x22: {  	[sflag:s29] =	ssyncset.done $0x0  }
0x23: {  	s28 =	simm.s32 $0x200;
	[sflag:s29] =	ssyncadd.s32 $0xFFFFFF80  }
0x24: {  	[tilespmem:s31], [sflag:$0x1] =	stream.indirect.gather [hbm4b:s2+s30], $0x80, s28, s30, $0xb8;
	[tilespmem:$0x1E400] =	vst v63  }
0x25: {  	_ =	swait.ge [sflag:s13], $0x2800  }
0x26: {  	[sflag:s13] =	ssyncset.done $0x0  }
0x27: {  	[sflag:s13] =	ssyncadd.s32 $0xFFFFD800  }
0x28: {  	[spmem:s3] =	stream.indirect.scatter.add.f32 [tilespmem:s31], [sflag:$0x5], $0x80, s4, s30, $0xb8;
	[tilespmem:$0x1E400] =	vst v63  }
0x29: {  	_ =	swait.ge [sflag:s19], $0x2800  }
0x2a: {  	[sflag:s19] =	ssyncset.done $0x0  }
0x2b: {  	[sflag:s19] =	ssyncadd.s32 $0xFFFFD800  }
0x2c: {  	_ =	swait.ge [sflag:s20], $0x2800  }
0x2d: {  	[sflag:s20] =	ssyncset.done $0x0  }
0x2e: {  	[sflag:s20] =	ssyncadd.s32 $0xFFFFD800  }
0x2f: {  	_ =	swait.ge [sflag:s18], $0x2800  }
0x30: {  	[sflag:s18] =	ssyncset.done $0x0  }
0x31: {  	[sflag:s18] =	ssyncadd.s32 $0xFFFFD800  }
0x32: {  	_ =	swait.ge [sflag:s17], $0x2800  }
0x33: {  	[sflag:s17] =	ssyncset.done $0x0  }
0x34: {  	[sflag:s17] =	ssyncadd.s32 $0xFFFFD800  }
0x35: {  	[bflag:$0x0] =	sbarrier.arrive $0xFFFF  }
0x36: {  	s23 =	rddreg [dreg:$0xe]  }
0x37: {  	s22 =	rddreg [dreg:$0xf]  }
0x38: {  	s25 =	simm.s32 $0xD;
	s1 =	rddreg [dreg:$0x12]  }
0x39: {  	[hbm:s22], [sflag:s23] =	dma.local [spmem:s1], $0x2800  }
0x3a: {  	_ =	swait.ge [sflag:s25], $0x2800  }
0x3b: {  	s9 =	rddreg [dreg:$0x11]  }
0x3c: {  	s26 =	rddreg [dreg:$0x10];
	s9 =	sadd.s32 $0x1, s9  }
0x3d: {  	p0 =	sne.s32 s9, s26  }
.Ltmp1:
0x3e: {  	_ = 	snop;
	(pc) =	sbr.rel @!p0 .LBB2_5-.Ltmp1, $3  }
0x3f: {  	_ =	sdelay $0x1  }
0x40: {  	s24 =	simm.s32 $0x80;
	s21 =	simm.s32 $0x300;
	[sflag:s25] =	ssyncset.done $0x0  }
0x41: {  	[sflag:s25] =	ssyncadd.s32 $0xFFFFD800;
	s25 =	simm.s32 $0x280;
	s26 =	simm.s32 $0x100  }
.LBB2_1:
0x42: {  	[dreg:$0x11] =	wrdreg s9  }
0x43: {  	s22 =	rddreg [dreg:$0x4]  }
0x44: {  	s9 =	rddreg [dreg:$0x5]  }
0x45: {  	[tilespmem:s4], [sflag:$0x9] =	stream.linear.gather [hbm4b:s22+s4], $0x80, $0x38;
	[tilespmem:$0x1E400] =	vst v63  }
0x46: {  	s1 =	rddreg [dreg:$0x6]  }
0x47: {  	[tilespmem:s28], [sflag:$0x9] =	stream.linear.gather [hbm4b:s9+s4], $0x80, $0x38;
	[tilespmem:$0x1E400] =	vst v63  }
0x48: {  	s9 =	rddreg [dreg:$0x7]  }
0x49: {  	[tilespmem:s24], [sflag:$0xA] =	stream.linear.gather [hbm4b:s1+s4], $0x80, $0x38;
	[tilespmem:$0x1E400] =	vst v63  }
0x4a: {  	s24 =	rddreg [dreg:$0x8]  }
0x4b: {  	[tilespmem:s25], [sflag:$0xA] =	stream.linear.gather [hbm4b:s9+s4], $0x80, $0x38;
	[tilespmem:$0x1E400] =	vst v63  }
0x4c: {  	s25 =	rddreg [dreg:$0x9]  }
0x4d: {  	s9 =	rddreg [dreg:$0xb]  }
0x4e: {  	[tilespmem:s26], [sflag:$0xB] =	stream.linear.gather [hbm4b:s24+s4], $0x80, $0x38;
	[tilespmem:$0x1E400] =	vst v63  }
0x4f: {  	s24 =	rddreg [dreg:$0xc]  }
0x50: {  	[tilespmem:s21], [sflag:$0xB] =	stream.linear.gather [hbm4b:s25+s4], $0x80, $0x38;
	[tilespmem:$0x1E400] =	vst v63  }
0x51: {  	s26 =	rddreg [dreg:$0xa];
	s25 =	sshrl.u32 s24, $0x3  }
0x52: {  	s1 =	simm.s32 $0x180;
	[dreg:$0x12] =	wrdreg s25  }
0x53: {  	[tilespmem:s1], [sflag:$0xC] =	stream.linear.gather [hbm4b:s26+s4], $0x80, $0x38;
	[tilespmem:$0x1E400] =	vst v63  }
0x54: {  	s21 =	simm.s32 $0xD;
	s26 =	rddreg [dreg:$0xd]  }
0x55: {  	[tilespmem:s11], [sflag:$0xC] =	stream.linear.gather [hbm4b:s9+s4], $0x80, $0x38;
	[tilespmem:$0x1E400] =	vst v63  }
0x56: {  	[spmem:s25], [sflag:s23] =	dma.local [hbm:s26], $0x2800  }
0x57: {  	_ =	swait.ge [sflag:s21], $0x2800  }
0x58: {  	s28 =	simm.s32 $0x380;
	s24 =	simm.s32 $0x80;
	[sflag:s21] =	ssyncset.done $0x0  }
0x59: {  	s9 =	simm.s32 $0x180;
	s25 =	simm.s32 $0x280;
	[sflag:s21] =	ssyncadd.s32 $0xFFFFD800  }
0x5a: {  	s26 =	simm.s32 $0x100;
	s21 =	simm.s32 $0x300;
	[bflag:$0x0] =	sbarrier.arrive $0xFFFF  }
.LBB2_2:
0x5b: {  	_ =	swait.ge [sflag:s29], $0x80  }
0x5c: {  	[sflag:s29] =	ssyncset.done $0x0  }
0x5d: {  	[sflag:s29] =	ssyncadd.s32 $0xFFFFFF80  }
0x5e: {  	_ =	swait.ge [sflag:s29], $0x80  }
0x5f: {  	[sflag:s29] =	ssyncset.done $0x0  }
0x60: {  	s1 =	simm.s32 $0x200;
	[sflag:s29] =	ssyncadd.s32 $0xFFFFFF80  }
0x61: {  	[tilespmem:s31], [sflag:$0x1] =	stream.indirect.gather [hbm4b:s2+s30], $0x80, s1, s30, $0xb8;
	[tilespmem:$0x1E400] =	vst v63  }
0x62: {  	_ =	swait.ge [sflag:s0], $0x80  }
0x63: {  	[sflag:s0] =	ssyncset.done $0x0  }
0x64: {  	[sflag:s0] =	ssyncadd.s32 $0xFFFFFF80  }
0x65: {  	_ =	swait.ge [sflag:s0], $0x80  }
0x66: {  	[sflag:s0] =	ssyncset.done $0x0  }
0x67: {  	s22 =	simm.s32 $0x2C00;
	[sflag:s0] =	ssyncadd.s32 $0xFFFFFF80  }
0x68: {  	[tilespmem:s22], [sflag:$0x2] =	stream.indirect.gather [hbm4b:s2+s30], $0x80, s25, s30, $0xb8;
	[tilespmem:$0x1E400] =	vst v63  }
0x69: {  	_ =	swait.ge [sflag:s8], $0x80  }
0x6a: {  	[sflag:s8] =	ssyncset.done $0x0  }
0x6b: {  	[sflag:s8] =	ssyncadd.s32 $0xFFFFFF80  }
0x6c: {  	_ =	swait.ge [sflag:s8], $0x80  }
0x6d: {  	[sflag:s8] =	ssyncset.done $0x0  }
0x6e: {  	s23 =	simm.s32 $0x5400;
	[sflag:s8] =	ssyncadd.s32 $0xFFFFFF80  }
0x6f: {  	[tilespmem:s23], [sflag:$0x3] =	stream.indirect.gather [hbm4b:s2+s30], $0x80, s21, s30, $0xb8;
	[tilespmem:$0x1E400] =	vst v63  }
0x70: {  	_ =	swait.ge [sflag:s10], $0x80  }
0x71: {  	[sflag:s10] =	ssyncset.done $0x0  }
0x72: {  	[sflag:s10] =	ssyncadd.s32 $0xFFFFFF80  }
0x73: {  	_ =	swait.ge [sflag:s10], $0x80  }
0x74: {  	[sflag:s10] =	ssyncset.done $0x0  }
0x75: {  	[sflag:s10] =	ssyncadd.s32 $0xFFFFFF80  }
0x76: {  	[tilespmem:s12], [sflag:$0x4] =	stream.indirect.gather [hbm4b:s2+s30], $0x80, s11, s30, $0xb8;
	[tilespmem:$0x1E400] =	vst v63  }
0x77: {  	_ =	swait.ge [sflag:s13], $0x2800  }
0x78: {  	[sflag:s13] =	ssyncset.done $0x0  }
0x79: {  	[sflag:s13] =	ssyncadd.s32 $0xFFFFD800  }
0x7a: {  	[spmem:s3] =	stream.indirect.scatter.add.f32 [tilespmem:s31], [sflag:$0x5], $0x80, s4, s30, $0xb8;
	[tilespmem:$0x1E400] =	vst v63  }
0x7b: {  	_ =	swait.ge [sflag:s14], $0x2800  }
0x7c: {  	[sflag:s14] =	ssyncset.done $0x0  }
0x7d: {  	[sflag:s14] =	ssyncadd.s32 $0xFFFFD800  }
0x7e: {  	[spmem:s3] =	stream.indirect.scatter.add.f32 [tilespmem:s22], [sflag:$0x6], $0x80, s24, s30, $0xb8;
	[tilespmem:$0x1E400] =	vst v63  }
0x7f: {  	_ =	swait.ge [sflag:s15], $0x2800  }
0x80: {  	[sflag:s15] =	ssyncset.done $0x0  }
0x81: {  	[sflag:s15] =	ssyncadd.s32 $0xFFFFD800  }
0x82: {  	[spmem:s3] =	stream.indirect.scatter.add.f32 [tilespmem:s23], [sflag:$0x7], $0x80, s26, s30, $0xb8;
	[tilespmem:$0x1E400] =	vst v63  }
0x83: {  	s22 =	sadd.s32 $0xFFFFFE80, s28;
	_ =	swait.ge [sflag:s16], $0x2800  }
0x84: {  	s23 =	sand.u32 $0x7C00, s22;
	[sflag:s16] =	ssyncset.done $0x0  }
0x85: {  	s22 =	sand.u32 $0x200, s22;
	s23 =	sadd.s32 s7, s23;
	[sflag:s16] =	ssyncadd.s32 $0xFFFFD800  }
0x86: {  	[spmem:s3] =	stream.indirect.scatter.add.f32 [tilespmem:s12], [sflag:$0x8], $0x80, s9, s30, $0xb8;
	[tilespmem:$0x1E400] =	vst v63  }
0x87: {  	p0 =	seq.s32 s28, $0x3F80;
	s22 =	sor.u32 s22, s23;
	_ =	swait.ge [sflag:s17], $0x2800  }
.Ltmp2:
0x88: {  	s22 =	sshrl.u32 s22, $0x3;
	[sflag:s17] =	ssyncset.done $0x0;
	(pc) =	sbr.rel @p0 .LBB2_4-.Ltmp2, $4  }
0x89: {  	s23 =	sadd.s32 s5, s22;
	[sflag:s17] =	ssyncadd.s32 $0xFFFFD800  }
0x8a: {  	[tilespmem:s4], [sflag:$0x9] =	stream.linear.gather [hbm4b:s23+s4], $0x80, $0x38;
	[tilespmem:$0x1E400] =	vst v63  }
0x8b: {  	s9 =	simm.s32 $0x180;
	s22 =	sadd.s32 s6, s22  }
0x8c: {  	[tilespmem:s1], [sflag:$0x9] =	stream.linear.gather [hbm4b:s22+s4], $0x80, $0x38;
	[tilespmem:$0x1E400] =	vst v63  }
0x8d: {  	s22 =	sadd.s32 $0xFFFFFF00, s28  }
0x8e: {  	s23 =	sand.u32 $0x7C00, s22  }
0x8f: {  	s22 =	sand.u32 $0x280, s22;
	s23 =	sadd.s32 s7, s23  }
0x90: {  	_ =	swait.ge [sflag:s19], $0x2800;
	s22 =	sor.u32 s22, s23  }
0x91: {  	[sflag:s19] =	ssyncset.done $0x0;
	s22 =	sshrl.u32 s22, $0x3  }
0x92: {  	[sflag:s19] =	ssyncadd.s32 $0xFFFFD800;
	s1 =	sadd.s32 s5, s22  }
0x93: {  	[tilespmem:s24], [sflag:$0xA] =	stream.linear.gather [hbm4b:s1+s4], $0x80, $0x38;
	[tilespmem:$0x1E400] =	vst v63  }
0x94: {  	s22 =	sadd.s32 s6, s22  }
0x95: {  	[tilespmem:s25], [sflag:$0xA] =	stream.linear.gather [hbm4b:s22+s4], $0x80, $0x38;
	[tilespmem:$0x1E400] =	vst v63  }
0x96: {  	s22 =	sadd.s32 $0xFFFFFF80, s28  }
0x97: {  	s1 =	sand.u32 $0x7C00, s22  }
0x98: {  	s22 =	sand.u32 $0x300, s22;
	s23 =	sadd.s32 s7, s1  }
0x99: {  	_ =	swait.ge [sflag:s20], $0x2800;
	s22 =	sor.u32 s22, s23  }
0x9a: {  	[sflag:s20] =	ssyncset.done $0x0;
	s22 =	sshrl.u32 s22, $0x3  }
0x9b: {  	[sflag:s20] =	ssyncadd.s32 $0xFFFFD800;
	s1 =	sadd.s32 s5, s22  }
0x9c: {  	[tilespmem:s26], [sflag:$0xB] =	stream.linear.gather [hbm4b:s1+s4], $0x80, $0x38;
	[tilespmem:$0x1E400] =	vst v63  }
0x9d: {  	s23 =	sand.u32 $0x7C00, s28;
	s22 =	sadd.s32 s6, s22  }
0x9e: {  	[tilespmem:s21], [sflag:$0xB] =	stream.linear.gather [hbm4b:s22+s4], $0x80, $0x38;
	[tilespmem:$0x1E400] =	vst v63  }
0x9f: {  	s1 =	sand.u32 $0x380, s28;
	s22 =	sadd.s32 s7, s23  }
0xa0: {  	_ =	swait.ge [sflag:s18], $0x2800;
	s22 =	sor.u32 s1, s22  }
.Ltmp3:
0xa1: {  	[sflag:s18] =	ssyncset.done $0x0;
	s22 =	sshrl.u32 s22, $0x3;
	(pc) =	sbr.rel .LBB2_2-.Ltmp3, $4  }
0xa2: {  	[sflag:s18] =	ssyncadd.s32 $0xFFFFD800;
	s1 =	sadd.s32 s5, s22  }
0xa3: {  	[tilespmem:s9], [sflag:$0xC] =	stream.linear.gather [hbm4b:s1+s4], $0x80, $0x38;
	[tilespmem:$0x1E400] =	vst v63  }
0xa4: {  	s28 =	sadd.s32 $0x200, s28;
	s22 =	sadd.s32 s6, s22;
	s9 =	simm.s32 $0x180  }
0xa5: {  	[tilespmem:s11], [sflag:$0xC] =	stream.linear.gather [hbm4b:s22+s4], $0x80, $0x38;
	[tilespmem:$0x1E400] =	vst v63  }
.LBB2_5:
0xa6: {  	_ =	sfence.sel $0x180000  }
0xa7: {  	[bflag:$0x0] =	sbarrier.arrive $0xFFFF  }
0xa8: {  	_ =	strace $0x9000004D  }
0xa9: {  	s0 =	stileid.u32;
	[bflag:$0x2] =	sbarrier.arrive $0xFFFF  }
0xaa: {  	p0 =	sne.s32 s0, $0x0;
	s0 =	rddreg [dreg:$0x3]  }
0xab: {  	s0 =	sadd.s32 @!p0 $0x100000, s0  }
0xac: {  	[sflag:s0] =	ssyncadd.tile.s32 @!p0 $0x1;
	_ =	shalt  }
.Lfunc_end2:
_tile_overlayer_lowered:
.L_overlay_start_2:
0xad: {  	(tag) =	ssettag $0x2  }
0xae: {  	s0 =	rddreg [dreg:$0x0];
	s2 =	stileid.u32  }
0xaf: {  	s1 =	rddreg [dreg:$0x1];
	p0 =	sne.s32 s2, $0x0  }
0xb0: {  	s3 =	rddreg [dreg:$0x2];
	[bflag:$0x3] =	sbarrier.arrive $0xFFFF;
	s2 =	simm.s32 @!p0 $0x1C0D  }
0xb1: {  	[timem:s3], [sflag:s2] =	dma.local @!p0 [hbm:s0], s1  }
0xb2: {  	s0 =	simm.s32 @!p0 $0xD  }
0xb3: {  	_ =	swait.ge @!p0 [sflag:s0], s1  }
0xb4: {  	s1 =	ssub.s32 @!p0 $0x0, s1;
	[sflag:s0] =	ssyncset.done @!p0 $0x0  }
0xb5: {  	[sflag:s0] =	ssyncadd.s32 @!p0 s1  }
0xb6: {  	[bflag:$0x3] =	sbarrier.arrive $0xFFFF  }
0xb7: {  	_ =	shalt  }

// kernel: kernel.8.cloned.1.call-start
scs
__scs_entry_jumppad:
0x0: {  	(pc) =	sbr.rel $0x88, $3  }
0x1: {  	(tag) =	ssettag $0x0;
	lr =	simm.s32 $0x1  }
0x2: {  	[smem:$0x3F9F] =	sst lr;
	_ =	strace $0xD0000000  }
0x3: {  	_ = 	snop  }
0x4: {  	_ = 	snop  }
0x5: {  	_ = 	snop  }
0x6: {  	_ = 	snop  }
0x7: {  	_ = 	snop  }
__scs_overlays_trampoline_lowered:
0x8: {  	[smem:$0x3FAE] =	sst s0  }
0x9: {  	[smem:$0x3FAF] =	sst s1  }
0xa: {  	[smem:$0x3FB0] =	sst s2  }
0xb: {  	[smem:$0x3FB1] =	sst s3  }
0xc: {  	[smem:$0x3FB2] =	sst s4  }
0xd: {  	[smem:$0x3FB3] =	sst s5  }
0xe: {  	[smem:$0x3FB4] =	sst s6  }
0xf: {  	[smem:$0x3FB5] =	sst s7  }
0x10: {  	[smem:$0x3FB6] =	sst s8  }
0x11: {  	[smem:$0x3FB7] =	sst s9;
	s0 =	simm.s32 @!p0 $0x0  }
0x12: {  	s1 =	sld [smem:$0x3F9D];
	s0 =	simm.s32 @p0 $0x1  }
0x13: {  	[smem:$0x3FB8] =	sst s0;
	s0 =	simm.s32 @!p1 $0x0  }
0x14: {  	s2 =	sld [smem:$0x3F9C];
	s0 =	simm.s32 @p1 $0x1  }
0x15: {  	[smem:$0x3FB9] =	sst s0;
	s0 =	simm.s32 @!p2 $0x0  }
0x16: {  	s3 =	sld [smem:$0x3FDB];
	s0 =	simm.s32 @p2 $0x1  }
0x17: {  	s4 =	simm.s32 $0x1BF5;
	[smem:$0x3FBB] =	sst s0  }
0x18: {  	s0 =	sld [smem:$0x3F9E];
	_ =	swait.ge [sflag:s4], $0x0  }
0x19: {  	s7 =	sld [smem:$0x3F9F]  }
0x1a: {  	s8 =	sadd.s32 $0xFFFFE003, lr  }
0x1b: {  	s9 =	sadd.s32 $0xFFFFFEF7, lr;
	s5 =	simm.s32 $0xFFFFFFFF;
	p2 =	slt.u32 s8, $0xFFFFF086  }
0x1c: {  	p1 =	slt.u32 s9, $0xF7A;
	s5 =	simm.s32 @!p2 $0x0  }
0x1d: {  	s5 =	simm.s32 @p1 $0x1;
	p0 =	seq.s32 s7, s2  }
0x1e: {  	s7 =	smul.u32 @!p0 $0xF7A, s2;
	p2 =	seq.s32 @!p0 s5, $0x0  }
0x1f: {  	s9 =	smul.u32 $0xF7A, s1;
	s8 =	simm.s32 @!p0 $0x1BF5;
	p2 =	por !p2, p0  }
0x20: {  	[sflag:s8] =	ssyncset.s32 @!p0 $0xFFFFF086;
	s6 =	sadd.s32 @!p0 s3, s7;
	s7 =	simm.s32 @!p0 $0x108  }
0x21: {  	s3 =	sadd.s32 s3, s9;
	s6 =	sadd.s32 @!p0 $0x88, s6;
	s7 =	simm.s32 @p2 $0x1082  }
0x22: {  	[simem:s7], [sflag:s8] =	dma.local @!p0 [hbm:s6], $0xF7A  }
0x23: {  	s9 =	sor.u32 $0xD0000000, s2;
	s6 =	simm.s32 $0x108;
	_ =	swait.ge @!p0 [sflag:s8], $0x0  }
0x24: {  	s3 =	sadd.s32 $0x88, s3;
	s6 =	simm.s32 @!p1 $0x1082;
	[sflag:s4] =	ssyncset.s32 $0xFFFFF086  }
0x25: {  	[simem:s6], [sflag:s4] =	dma.local [hbm:s3], $0xF7A  }
0x26: {  	[smem:$0x3F9F] =	sst s1;
	(tag) =	ssettag s2;
	_ =	strace s9  }
0x27: {  	s1 =	sld [smem:$0x3FAF]  }
0x28: {  	s2 =	sld [smem:$0x3FB0]  }
0x29: {  	s4 =	sld [smem:$0x3FB2]  }
0x2a: {  	p0 =	seq.s32 s5, $0x0;
	s5 =	sld [smem:$0x3FB3]  }
0x2b: {  	s6 =	sld [smem:$0x3FB4]  }
0x2c: {  	s7 =	sld [smem:$0x3FB5]  }
0x2d: {  	s3 =	simm.s32 $0x108;
	s8 =	sld [smem:$0x3FB6]  }
0x2e: {  	s3 =	simm.s32 @!p0 $0x1082;
	s9 =	sld [smem:$0x3FB7]  }
0x2f: {  	lr =	sadd.s32 s0, s3;
	s0 =	sld [smem:$0x3FAE]  }
0x30: {  	s3 =	sld [smem:$0x3FB1]  }
0x31: {  	[smem:$0x3FBA] =	sst s10  }
0x32: {  	s10 =	sld [smem:$0x3FB8];
	_ =	sdelay $0x3  }
0x33: {  	p0 =	seq.s32 s10, $0x1;
	s10 =	sld [smem:$0x3FBA];
	_ =	sdelay $0x3  }
0x34: {  	[smem:$0x3FBA] =	sst s10  }
0x35: {  	s10 =	sld [smem:$0x3FB9];
	_ =	sdelay $0x3  }
0x36: {  	p1 =	seq.s32 s10, $0x1;
	s10 =	sld [smem:$0x3FBA];
	_ =	sdelay $0x3  }
0x37: {  	[smem:$0x3FBA] =	sst s10  }
0x38: {  	s10 =	sld [smem:$0x3FBB]  }
0x39: {  	_ = 	snop;
	(pc) =	sbr.ind lr, $3  }
0x3a: {  	_ = 	snop  }
0x3b: {  	_ = 	snop  }
0x3c: {  	p2 =	seq.s32 s10, $0x1;
	s10 =	sld [smem:$0x3FBA]  }
0x3d: {  	_ =	shalt  }
0x3e: {  	_ =	shalt  }
0x3f: {  	_ =	shalt  }
0x40: {  	_ =	shalt  }
0x41: {  	_ =	shalt  }
0x42: {  	_ =	shalt  }
0x43: {  	_ =	shalt  }
0x44: {  	_ =	shalt  }
0x45: {  	_ =	shalt  }
0x46: {  	_ =	shalt  }
0x47: {  	_ =	shalt  }
0x48: {  	_ =	shalt  }
0x49: {  	_ =	shalt  }
0x4a: {  	_ =	shalt  }
0x4b: {  	_ =	shalt  }
0x4c: {  	_ =	shalt  }
0x4d: {  	_ =	shalt  }
0x4e: {  	_ =	shalt  }
0x4f: {  	_ =	shalt  }
0x50: {  	_ =	shalt  }
0x51: {  	_ =	shalt  }
0x52: {  	_ =	shalt  }
0x53: {  	_ =	shalt  }
0x54: {  	_ =	shalt  }
0x55: {  	_ =	shalt  }
0x56: {  	_ =	shalt  }
0x57: {  	_ =	shalt  }
0x58: {  	_ =	shalt  }
0x59: {  	_ =	shalt  }
0x5a: {  	_ =	shalt  }
0x5b: {  	_ =	shalt  }
0x5c: {  	_ =	shalt  }
0x5d: {  	_ =	shalt  }
0x5e: {  	_ =	shalt  }
0x5f: {  	_ =	shalt  }
0x60: {  	_ =	shalt  }
0x61: {  	_ =	shalt  }
0x62: {  	_ =	shalt  }
0x63: {  	_ =	shalt  }
0x64: {  	_ =	shalt  }
0x65: {  	_ =	shalt  }
0x66: {  	_ =	shalt  }
0x67: {  	_ =	shalt  }
0x68: {  	_ =	shalt  }
0x69: {  	_ =	shalt  }
0x6a: {  	_ =	shalt  }
0x6b: {  	_ =	shalt  }
0x6c: {  	_ =	shalt  }
0x6d: {  	_ =	shalt  }
0x6e: {  	_ =	shalt  }
0x6f: {  	_ =	shalt  }
0x70: {  	_ =	shalt  }
0x71: {  	_ =	shalt  }
0x72: {  	_ =	shalt  }
0x73: {  	_ =	shalt  }
0x74: {  	_ =	shalt  }
0x75: {  	_ =	shalt  }
0x76: {  	_ =	shalt  }
0x77: {  	_ =	shalt  }
0x78: {  	_ =	shalt  }
0x79: {  	_ =	shalt  }
0x7a: {  	_ =	shalt  }
0x7b: {  	_ =	shalt  }
0x7c: {  	_ =	shalt  }
0x7d: {  	_ =	shalt  }
0x7e: {  	_ =	shalt  }
0x7f: {  	_ =	shalt  }
0x80: {  	_ =	shalt  }
0x81: {  	_ =	shalt  }
0x82: {  	_ =	shalt  }
0x83: {  	_ =	shalt  }
0x84: {  	_ =	shalt  }
0x85: {  	_ =	shalt  }
0x86: {  	_ =	shalt  }
0x87: {  	_ =	shalt  }
.Lfunc_end0:
.L_simem_size_0:
called_computation_lowered:
.L_overlay_start_0:
0x88: {  	s2 =	sld [smem:$0x3FD9]  }
0x89: {  	s3 =	sld [smem:$0x3FFE];
	_ =	sdelay $0x1  }
0x8a: {  	s1 =	srdreg.scid  }
0x8b: {  	s0 =	sand.u32 $0x1, s1  }
0x8c: {  	s17 =	sshll.u32 s0, $0xA;
	s2 =	sadd.s32 s3, s2  }
0x8d: {  	s2 =	sadd.s32 s2, s17  }
0x8e: {  	[smem:$0x3FC6] =	sst s2  }
0x8f: {  	_ = 	snop  }
0x90: {  	s2 =	sld [smem:$0x3FD0];
	(tm) =	ssettm $0x1  }
0x91: {  	s18 =	sld [smem:$0x3FFB];
	_ =	sdelay $0x3  }
0x92: {  	_ =	strace s18  }
0x93: {  	s3 =	sld [smem:$0x3FFC];
	_ =	sdelay $0x3  }
0x94: {  	_ =	strace s3  }
0x95: {  	s3 =	sld [smem:$0x3FFD];
	_ =	sdelay $0x3  }
0x96: {  	_ =	strace s3  }
0x97: {  	_ =	strace $0x8FFFFFFF  }
0x98: {  	s19 =	sld [smem:$0x3FDB];
	_ =	sdelay $0x1  }
0x99: {  	s4 =	simm.s32 $_scs_section_size  }
0x9a: {  	s5 =	simm.s32 $_size__tile_overlayer_lowered;
	s6 =	simm.s32 $_tile_overlayer_lowered  }
0x9b: {  	s22 =	simm.s32 $0x1BFF;
	s21 =	sshll.u32 s6, $0x1;
	s3 =	sadd.s32 s4, s19  }
0x9c: {  	s7 =	simm.s32 $0x0;
	s20 =	sshll.u32 s5, $0x1;
	s5 =	sadd.s32 s21, s3  }
0x9d: {  	[timem:s7], [sflag:s22] =	dma.local [hbm:s5], s20  }
0x9e: {  	_ =	swait.ge [sflag:s22], s20  }
0x9f: {  	s4 =	ssub.s32 $0x0, s20;
	[sflag:s22] =	ssyncset.done $0x0  }
0xa0: {  	[sflag:s22] =	ssyncadd.s32 s4;
	_ =	sdelay $0x1  }
0xa1: {  	s23 =	simm.s32 $0x1B8B  }
0xa2: {  	_ =	swait.ge [sflag:s23], $0x1  }
0xa3: {  	[sflag:s23] =	ssyncset.done $0x0  }
0xa4: {  	s25 =	simm.s32 $0x1B8E;
	s24 =	sld [smem:$0x3FFE];
	[sflag:s23] =	ssyncadd.s32 $0xFFFFFFFF  }
0xa5: {  	s26 =	simm.s32 $execute0_lowered;
	[smem:$0x3FD2] =	sst s25  }
0xa6: {  	s5 =	sshll.u32 s26, $0x1;
	_ =	strace $0x80000046;
	[dreg:$0x1] =	wrdreg $0xFFFFFFFF  }
0xa7: {  	s28 =	simm.s32 $_size_execute0_lowered;
	s3 =	sadd.s32 s3, s5;
	[dreg:$0x0] =	wrdreg $0x0  }
0xa8: {  	s5 =	sshll.u32 s28, $0x1;
	[dreg:$0x2] =	wrdreg s3  }
0xa9: {  	[dreg:$0x3] =	wrdreg s5  }
0xaa: {  	[dreg:$0x4] =	wrdreg $0xC0  }
0xab: {  	_ =	task [dreg:s7], $0x5FFFF  }
0xac: {  	[dreg:$0x1] =	wrdreg $0xFFFFFFFF  }
0xad: {  	[dreg:$0x0] =	wrdreg $0x60  }
0xae: {  	[dreg:$0x2] =	wrdreg s24  }
0xaf: {  	[dreg:$0x3] =	wrdreg s2  }
0xb0: {  	[dreg:$0x4] =	wrdreg $0x68000  }
0xb1: {  	[dreg:$0x5] =	wrdreg $0x9  }
0xb2: {  	_ =	task.clear_ibuf [dreg:s7], $0x6FFFF;
	_ =	strace $0x90000046  }
0xb3: {  	s29 =	simm.s32 $0x9;
	_ =	strace $0x80000048  }
0xb4: {  	_ =	swait.ge [sflag:s29], $0x1  }
0xb5: {  	[sflag:s29] =	ssyncadd.s32 $0xFFFFFFFF  }
0xb6: {  	_ =	strace $0x90000048  }
0xb7: {  	_ =	sfence  }
0xb8: {  	s30 =	sld [smem:$0x0];
	_ =	sdelay $0x2  }
0xb9: {  	s31 =	sshll.u32 s1, $0xD;
	s1 =	sshrl.u32 s1, $0x2  }
0xba: {  	s3 =	sand.u32 $0x4000, s31;
	s1 =	sadd.s32 s1, s30  }
0xbb: {  	s0 =	sor.u32 s3, s0;
	s1 =	sshll.u32 s1, $0x11  }
0xbc: {  	s0 =	sor.u32 s1, s0  }
0xbd: {  	s0 =	sadd.s32 $0x8F2B, s0  }
0xbe: {  	[sflag:s0] =	ssyncadd.remote.s32 $0x1  }
0xbf: {  	_ =	sfence.sel $0xFFFF  }
0xc0: {  	[dreg:$0x0] =	wrdreg $0xFFFFFFFF;
	(pc) =	sbr.abs _section_cstart, $3  }
0xc1: {  	[dreg:$0x1] =	wrdreg $0xFFFFFFFF  }
0xc2: {  	_ =	task.clear_ibuf [dreg:s7], $0x2FFFF;
	_ =	strace $0x9FFFFFFF  }
0xc3: {  	(tm) =	ssettm $0x7FFFFFFF  }
tec
execute0_lowered:
.L_overlay_start_1:
0x0: {  	(tag) =	ssettag $0x1  }
0x1: {  	s5 =	rddreg [dreg:$0x0]  }
0x2: {  	s2 =	rddreg [dreg:$0x1]  }
0x3: {  	s3 =	rddreg [dreg:$0x2]  }
0x4: {  	s0 =	rddreg [dreg:$0x3]  }
0x5: {  	s1 =	stileid.u32;
	s6 =	srdreg.scid  }
0x6: {  	s4 =	simm.s32 $0x0;
	s13 =	simm.s32 $0x50;
	s14 =	simm.s32 $0x1  }
0x7: {  	s15 =	simm.s32 $0x0;
	s7 =	smul.u32 $0x14000, s1;
	s6 =	sand.u32 $0x1, s6  }
0x8: {  	[smem:$0x7FF] =	sst s4;
	s9 =	sshll.u32 s1, $0xB;
	s11 =	smul.u32 $0x50000, s1  }
0x9: {  	s31 =	sshll.u32 s1, $0x6;
	s8 =	smul.u32 $0x140000, s6;
	_ =	strace $0x80000047  }
0xa: {  	s24 =	sadd.s32 s9, s5;
	s26 =	ssub.s32 $0x2, s6;
	s6 =	sshll.u32 s6, $0xF  }
0xb: {  	s9 =	simm.s32 $0x2;
	s10 =	sshrl.u32 s7, $0x3;
	s28 =	sshrl.u32 s26, $0x1  }
0xc: {  	s6 =	sadd.s32 s6, s24;
	s30 =	sshrl.u32 s11, $0x2;
	s11 =	sor.u32 $0x1C02, s31  }
0xd: {  	s7 =	sadd.s32 s7, s8;
	s25 =	sadd.s32 s10, s5;
	s29 =	ssub.s32 s26, s28  }
0xe: {  	s12 =	sadd.s32 s30, s3;
	s10 =	simm.s32 $0x4000;
	s7 =	sshrl.u32 s7, $0x3  }
0xf: {  	s8 =	smax.u32 s29, $0x1;
	s12 =	sshrl.u32 s12, $0x3;
	s7 =	sadd.s32 s7, s5  }
0x10: {  	s5 =	sadd.s32 $0x1800, s6;
	s6 =	sadd.s32 $0x11800, s25;
	s7 =	sadd.s32 $0x39800, s7  }
.LBB2_1:
0x11: {  	[tilespmem:s4], [sflag:$0x2] =	stream.linear.gather [hbm4b:s5+s4], $0x3E80, $0x38;
	[tilespmem:$0x1A800] =	vst v63  }
0x12: {  	_ =	swait.ge [sflag:s9], $0x3E80  }
0x13: {  	[sflag:s9] =	ssyncset.done $0x0  }
0x14: {  	[sflag:s9] =	ssyncadd.s32 $0xFFFFC180  }
0x15: {  	[tilespmem:s10], [sflag:$0x2] =	stream.linear.gather [hbm4b:s2+s4], $0x2800, $0x38;
	[tilespmem:$0x1A800] =	vst v63  }
0x16: {  	_ =	swait.ge [sflag:s9], $0x2800  }
0x17: {  	[sflag:s9] =	ssyncset.done $0x0  }
0x18: {  	[sflag:s9] =	ssyncadd.s32 $0xFFFFD800  }
0x19: {  	[spmem:s12], [sflag:s11] =	dma.local [hbm:s6], $0x2800  }
0x1a: {  	_ =	swait.ge [sflag:s9], $0x2800  }
0x1b: {  	[sflag:s9] =	ssyncset.done $0x0  }
0x1c: {  	p0 =	por $0x1, $0x1;
	[sflag:s9] =	ssyncadd.s32 $0xFFFFD800  }
0x1d: {  	s18 =	simm.s32 @!p0 $0x1;
	[bflag:$0x0] =	sbarrier.arrive $0xFFFF  }
0x1e: {  	[spmem:s3] =	stream.indirect.scatter.add.f32 [tilespmem:s10], [sflag:$0x1], $0x80, s4, s13, $0xb8;
	[tilespmem:$0x1A800] =	vst v63  }
0x1f: {  	_ =	swait.ge @!p0 [sflag:s18], $0x2800  }
0x20: {  	s16 =	simm.s32 $0x1;
	s17 =	simm.s32 $0x0;
	[sflag:s18] =	ssyncset.done @!p0 $0x0  }
.LBB2_2:
0x21: {  	[sflag:s18] =	ssyncadd.s32 @!p0 $0xFFFFD800  }
0x22: {  	s17 =	sadd.s32 $0x80, s17;
	s18 =	smov.u32 s16;
	s16 =	sadd.s32 $0x1, s16  }
0x23: {  	p1 =	sne.s32 s16, $0x7D  }
0x24: {  	[spmem:s3] =	stream.indirect.scatter.add.f32 [tilespmem:s10], [sflag:$0x1], $0x80, s17, s13, $0xb8;
	[tilespmem:$0x1A800] =	vst v63  }
.Ltmp0:
0x25: {  	_ = 	snop;
	(pc) =	sbr.rel @p1 .LBB2_2-.Ltmp0, $4  }
0x26: {  	p0 =	slt.u32 s18, $0x10  }
0x27: {  	s18 =	simm.s32 @!p0 $0x1  }
0x28: {  	_ =	swait.ge @!p0 [sflag:s18], $0x2800  }
0x29: {  	[sflag:s18] =	ssyncset.done @!p0 $0x0  }
0x2a: {  	[sflag:s18] =	ssyncadd.s32 @!p0 $0xFFFFD800  }
0x2b: {  	_ =	swait.ge [sflag:s14], $0x2800  }
0x2c: {  	[sflag:s14] =	ssyncset.done $0x0  }
0x2d: {  	[sflag:s14] =	ssyncadd.s32 $0xFFFFD800  }
0x2e: {  	_ =	swait.ge [sflag:s14], $0x2800  }
0x2f: {  	[sflag:s14] =	ssyncset.done $0x0  }
0x30: {  	[sflag:s14] =	ssyncadd.s32 $0xFFFFD800  }
0x31: {  	_ =	swait.ge [sflag:s14], $0x2800  }
0x32: {  	[sflag:s14] =	ssyncset.done $0x0  }
0x33: {  	[sflag:s14] =	ssyncadd.s32 $0xFFFFD800  }
0x34: {  	_ =	swait.ge [sflag:s14], $0x2800  }
0x35: {  	[sflag:s14] =	ssyncset.done $0x0  }
0x36: {  	[sflag:s14] =	ssyncadd.s32 $0xFFFFD800  }
0x37: {  	_ =	swait.ge [sflag:s14], $0x2800  }
0x38: {  	[sflag:s14] =	ssyncset.done $0x0  }
0x39: {  	[sflag:s14] =	ssyncadd.s32 $0xFFFFD800  }
0x3a: {  	_ =	swait.ge [sflag:s14], $0x2800  }
0x3b: {  	[sflag:s14] =	ssyncset.done $0x0  }
0x3c: {  	[sflag:s14] =	ssyncadd.s32 $0xFFFFD800  }
0x3d: {  	_ =	swait.ge [sflag:s14], $0x2800  }
0x3e: {  	[sflag:s14] =	ssyncset.done $0x0  }
0x3f: {  	[sflag:s14] =	ssyncadd.s32 $0xFFFFD800  }
0x40: {  	_ =	swait.ge [sflag:s14], $0x2800  }
0x41: {  	[sflag:s14] =	ssyncset.done $0x0  }
0x42: {  	[sflag:s14] =	ssyncadd.s32 $0xFFFFD800  }
0x43: {  	_ =	swait.ge [sflag:s14], $0x2800  }
0x44: {  	[sflag:s14] =	ssyncset.done $0x0  }
0x45: {  	[sflag:s14] =	ssyncadd.s32 $0xFFFFD800  }
0x46: {  	_ =	swait.ge [sflag:s14], $0x2800  }
0x47: {  	[sflag:s14] =	ssyncset.done $0x0  }
0x48: {  	[sflag:s14] =	ssyncadd.s32 $0xFFFFD800  }
0x49: {  	_ =	swait.ge [sflag:s14], $0x2800  }
0x4a: {  	[sflag:s14] =	ssyncset.done $0x0  }
0x4b: {  	[sflag:s14] =	ssyncadd.s32 $0xFFFFD800  }
0x4c: {  	_ =	swait.ge [sflag:s14], $0x2800  }
0x4d: {  	[sflag:s14] =	ssyncset.done $0x0  }
0x4e: {  	[sflag:s14] =	ssyncadd.s32 $0xFFFFD800  }
0x4f: {  	_ =	swait.ge [sflag:s14], $0x2800  }
0x50: {  	[sflag:s14] =	ssyncset.done $0x0  }
0x51: {  	[sflag:s14] =	ssyncadd.s32 $0xFFFFD800  }
0x52: {  	_ =	swait.ge [sflag:s14], $0x2800  }
0x53: {  	[sflag:s14] =	ssyncset.done $0x0  }
0x54: {  	[sflag:s14] =	ssyncadd.s32 $0xFFFFD800  }
0x55: {  	_ =	swait.ge [sflag:s14], $0x2800  }
0x56: {  	[sflag:s14] =	ssyncset.done $0x0  }
0x57: {  	[sflag:s14] =	ssyncadd.s32 $0xFFFFD800  }
0x58: {  	_ =	swait.ge [sflag:s14], $0x2800  }
0x59: {  	s15 =	sadd.s32 $0x1, s15;
	[sflag:s14] =	ssyncset.done $0x0  }
0x5a: {  	p0 =	sne.s32 s15, s8;
	[sflag:s14] =	ssyncadd.s32 $0xFFFFD800  }
.Ltmp1:
0x5b: {  	[bflag:$0x0] =	sbarrier.arrive $0xFFFF;
	(pc) =	sbr.rel @p0 .LBB2_1-.Ltmp1, $4  }
0x5c: {  	[hbm:s7], [sflag:s11] =	dma.local [spmem:s12], $0x2800  }
0x5d: {  	_ =	swait.ge [sflag:s9], $0x2800  }
0x5e: {  	[sflag:s9] =	ssyncset.done $0x0  }
0x5f: {  	[sflag:s9] =	ssyncadd.s32 $0xFFFFD800  }
0x60: {  	_ =	sfence.sel $0x180000  }
0x61: {  	[bflag:$0x0] =	sbarrier.arrive $0xFFFF  }
0x62: {  	p0 =	sne.s32 s1, $0x0;
	_ =	strace $0x90000047  }
0x63: {  	s0 =	sadd.s32 @!p0 $0x100000, s0;
	[bflag:$0x2] =	sbarrier.arrive $0xFFFF  }
0x64: {  	[sflag:s0] =	ssyncadd.tile.s32 @!p0 $0x1;
	_ =	shalt  }
.Lfunc_end2:
_tile_overlayer_lowered:
.L_overlay_start_2:
0x65: {  	(tag) =	ssettag $0x2  }
0x66: {  	s0 =	rddreg [dreg:$0x0];
	s2 =	stileid.u32  }
0x67: {  	s1 =	rddreg [dreg:$0x1];
	p0 =	sne.s32 s2, $0x0  }
0x68: {  	s3 =	rddreg [dreg:$0x2];
	[bflag:$0x3] =	sbarrier.arrive $0xFFFF;
	s2 =	simm.s32 @!p0 $0x1C02  }
0x69: {  	[timem:s3], [sflag:s2] =	dma.local @!p0 [hbm:s0], s1  }
0x6a: {  	s0 =	simm.s32 @!p0 $0x2  }
0x6b: {  	_ =	swait.ge @!p0 [sflag:s0], s1  }
0x6c: {  	s1 =	ssub.s32 @!p0 $0x0, s1;
	[sflag:s0] =	ssyncset.done @!p0 $0x0  }
0x6d: {  	[sflag:s0] =	ssyncadd.s32 @!p0 s1  }
0x6e: {  	[bflag:$0x3] =	sbarrier.arrive $0xFFFF  }
0x6f: {  	_ =	shalt  }

</sc_bundles>
